<compile_context>
chip_gen: v7x
topology: tpu7x:2x2x1
jax: 0.10.2.dev20260603
libtpu: 0.0.44.dev20260713+nightly
codegen_flags: <defaults>
</compile_context>

<pallas_src>
import functools

import jax
import jax.numpy as jnp
from jax import lax
from jax.experimental import pallas as pl
from jax.experimental.pallas import tpu as pltpu
from jax.experimental.pallas import tpu_sc as plsc

N = 10000
E = 320000
D = 128

NC = 2
NS = 16
NW = NC * NS
EPW = E // NW
CHUNK = 96
NFULL = EPW // CHUNK
REM = EPW - NFULL * CHUNK
NBUF = 3
TRIPLES = 34
NPAD = 10240
ROWS_PER_TILE = NPAD // NS


def _sc_body(h_hbm, src_hbm, dst_hbm, w_hbm, out_hbm,
             src_all, db0, db1, db2, wb0, wb1, wb2, dbr, wbr,
             g0, g1, g2, acc,
             sg0, sg1, sg2, ss0, ss1, ss2):
    cid = lax.axis_index("c")
    sid = lax.axis_index("s")
    wid = sid * NC + cid
    e0 = wid * EPW
    gbufs = (g0, g1, g2)
    dbs = (db0, db1, db2)
    wbs = (wb0, wb1, wb2)
    sgs = (sg0, sg1, sg2)
    sss = (ss0, ss1, ss2)

    d_src = pltpu.async_copy(src_hbm.at[pl.ds(e0, EPW)], src_all, sg0)

    zvec = jnp.zeros((16,), jnp.float32)

    @plsc.parallel_loop(0, CHUNK * 8, step=1)
    def _zero(i):
        r = i // 8
        f = i % 8
        g0[r, pl.ds(f * 16, 16)] = zvec

    row0 = sid * ROWS_PER_TILE
    for k in range(ROWS_PER_TILE // CHUNK):
        pltpu.sync_copy(g0, acc.at[pl.ds(row0 + k * CHUNK, CHUNK)])
    pltpu.sync_copy(g0.at[pl.ds(0, 64)],
                    acc.at[pl.ds(row0 + 576, 64)])
    d_src.wait()
    plsc.subcore_barrier()

    def issue_gd(c, b):
        idx = src_all.at[pl.ds(c * CHUNK, CHUNK)]
        pltpu.async_copy(h_hbm.at[idx], gbufs[b], sgs[b])
        pltpu.async_copy(dst_hbm.at[pl.ds(e0 + c * CHUNK, CHUNK)],
                         dbs[b], sgs[b])
        pltpu.async_copy(w_hbm.at[pl.ds(e0 + c * CHUNK, CHUNK)],
                         wbs[b], sgs[b])

    def drain_gd(b):
        idx = src_all.at[pl.ds(0, CHUNK)]
        pltpu.make_async_copy(h_hbm.at[idx], gbufs[b], sgs[b]).wait()
        pltpu.make_async_copy(dst_hbm.at[pl.ds(0, CHUNK)],
                              dbs[b], sgs[b]).wait()
        pltpu.make_async_copy(w_hbm.at[pl.ds(0, CHUNK)],
                              wbs[b], sgs[b]).wait()

    def scale(b):
        buf = gbufs[b]
        wb = wbs[b]

        @plsc.parallel_loop(0, CHUNK, step=2)
        def _scale(e):
            for u in range(2):
                eu = e + u
                splat = plsc.load_gather(wb, [jnp.broadcast_to(eu, (16,))])
                for f in range(8):
                    sl = pl.ds(f * 16, 16)
                    buf[eu, sl] = buf[eu, sl] * splat

    def issue_s(b):
        pltpu.async_copy(gbufs[b], acc.at[dbs[b]], sss[b], add=True)

    def drain_s(b):
        pltpu.make_async_copy(gbufs[b], acc.at[dbs[b]], sss[b]).wait()

    issue_gd(0, 0)
    issue_gd(1, 1)

    def triple_body(j, carry):
        for b in range(NBUF):
            drain_gd(b)
            scale(b)
            issue_s(b)
            bprev = (b - 1) % NBUF
            if b == 0:
                @pl.when(j > 0)
                def _():
                    drain_s(bprev)
            else:
                drain_s(bprev)
            issue_gd(3 * j + b + 2, (b + 2) % NBUF)
        return carry

    lax.fori_loop(0, TRIPLES, triple_body, None)

    drain_gd(0)
    scale(0)
    issue_s(0)
    drain_s(2)
    drain_gd(1)
    scale(1)
    issue_s(1)
    drain_s(0)
    drain_s(1)

    rb = NFULL * CHUNK
    ridx = src_all.at[pl.ds(rb, REM)]
    pltpu.async_copy(h_hbm.at[ridx], g2.at[pl.ds(0, REM)], sg2)
    pltpu.async_copy(dst_hbm.at[pl.ds(e0 + rb, REM)], dbr, sg2)
    pltpu.async_copy(w_hbm.at[pl.ds(e0 + rb, REM)], wbr, sg2)
    pltpu.make_async_copy(h_hbm.at[ridx], g2.at[pl.ds(0, REM)], sg2).wait()
    pltpu.make_async_copy(dst_hbm.at[pl.ds(0, REM)], dbr, sg2).wait()
    pltpu.make_async_copy(w_hbm.at[pl.ds(0, REM)], wbr, sg2).wait()

    @plsc.parallel_loop(0, REM, step=1)
    def _scale_rem(e):
        splat = plsc.load_gather(wbr, [jnp.broadcast_to(e, (16,))])
        for f in range(8):
            sl = pl.ds(f * 16, 16)
            g2[e, sl] = g2[e, sl] * splat

    pltpu.sync_copy(g2.at[pl.ds(0, REM)], acc.at[dbr], add=True)
    plsc.subcore_barrier()

    pltpu.sync_copy(acc.at[pl.ds(row0, ROWS_PER_TILE)],
                    out_hbm.at[cid, pl.ds(row0, ROWS_PER_TILE)])


_sc_agg = pl.kernel(
    _sc_body,
    out_type=jax.ShapeDtypeStruct((NC, NPAD, D), jnp.float32),
    mesh=plsc.VectorSubcoreMesh(core_axis_name="c", subcore_axis_name="s"),
    scratch_types=[
        pltpu.VMEM((EPW,), jnp.int32),
        pltpu.VMEM((CHUNK,), jnp.int32),
        pltpu.VMEM((CHUNK,), jnp.int32),
        pltpu.VMEM((CHUNK,), jnp.int32),
        pltpu.VMEM((CHUNK,), jnp.float32),
        pltpu.VMEM((CHUNK,), jnp.float32),
        pltpu.VMEM((CHUNK,), jnp.float32),
        pltpu.VMEM((REM,), jnp.int32),
        pltpu.VMEM((REM,), jnp.float32),
        pltpu.VMEM((CHUNK, D), jnp.float32),
        pltpu.VMEM((CHUNK, D), jnp.float32),
        pltpu.VMEM((CHUNK, D), jnp.float32),
        pltpu.VMEM_SHARED((NPAD, D), jnp.float32),
        pltpu.SemaphoreType.DMA,
        pltpu.SemaphoreType.DMA,
        pltpu.SemaphoreType.DMA,
        pltpu.SemaphoreType.DMA,
        pltpu.SemaphoreType.DMA,
        pltpu.SemaphoreType.DMA,
    ],
    compiler_params=pltpu.CompilerParams(needs_layout_passes=False),
)


def _mm_body(p_ref, w_ref, b_ref, o_ref):
    acc = p_ref[0] + p_ref[1]
    o_ref[...] = (
        jnp.dot(acc, w_ref[...], preferred_element_type=jnp.float32)
        + b_ref[...]
    )


BLK = 1000


def _dense(partials, W, b2d):
    return pl.pallas_call(
        _mm_body,
        grid=(N // BLK,),
        in_specs=[
            pl.BlockSpec((NC, BLK, D), lambda i: (0, i, 0)),
            pl.BlockSpec((D, D), lambda i: (0, 0)),
            pl.BlockSpec((1, D), lambda i: (0, 0)),
        ],
        out_specs=pl.BlockSpec((BLK, D), lambda i: (i, 0)),
        out_shape=jax.ShapeDtypeStruct((N, D), jnp.float32),
    )(partials, W, b2d)


@jax.jit
def kernel(H, edge_index, edge_weight, W, b):
    src = edge_index[0]
    dst = edge_index[1]
    partials = _sc_agg(H, src, dst, edge_weight)
    return _dense(partials, W, b.reshape(1, D))

# --- scband reference (transcript-rebuilt; emitter-appended) ---
"""Pipeline reference for scband-gcnlayer-26036091748831 (READ-ONLY COPY).

The authoritative reference and input builder live on the scoring server;
editing this copy changes nothing except your own understanding.
"""

import jax, jax.numpy as jnp
import numpy as np

N = 10000
E = 320000
D_IN = 128
D_OUT = 128


def setup_inputs(seed: int = 0) -> dict:
    key = jax.random.key(seed)
    k1, k2, k3, k4 = jax.random.split(key, 4)
    H = jax.random.normal(k1, (N, D_IN), dtype=jnp.float32)
    edge_index = jax.random.randint(k2, (2, E), 0, N, dtype=jnp.int32)
    edge_weight = jax.random.uniform(k3, (E,), dtype=jnp.float32)
    bound = float(np.sqrt(6.0 / (D_IN + D_OUT)))
    W = jax.random.uniform(k4, (D_IN, D_OUT), minval=-bound, maxval=bound, dtype=jnp.float32)
    b = jnp.zeros((D_OUT,), dtype=jnp.float32)
    return {"H": H, "edge_index": edge_index, "edge_weight": edge_weight, "W": W, "b": b}


def reference(H, edge_index, edge_weight, W, b):
    # A_hat is given in COO form: edge_index[0]=src (column), edge_index[1]=dst (row),
    # edge_weight = nonzero values. torch.sparse.mm(A_hat, H) == scatter-add of
    # edge_weight * H[src] into rows dst.
    src = edge_index[0]
    dst = edge_index[1]
    msgs = jnp.take(H, src, axis=0) * edge_weight[:, None]   # gather (SparseCore)
    agg = jax.ops.segment_sum(msgs, dst, num_segments=H.shape[0])  # scatter-add
    out = agg @ W
    out = out + b
    return out

if __name__ == "__main__":
    import jax
    _d = setup_inputs()
    print(jax.jit(kernel)(*tuple(_d.values())))

</pallas_src>

<mosaic_0001>
#map = affine_map<(d0, d1) -> (0, 0)>
#map1 = affine_map<(d0, d1) -> (0)>
#map2 = affine_map<(d0, d1) -> (0, 0, 0)>
module attributes {stable_mosaic.version = 14 : i64} {
  func.func @_sc_body(%arg0: i32, %arg1: i32, %arg2: memref<10000x128xf32, #tpu.memory_space<hbm>>, %arg3: memref<320000xi32, #tpu.memory_space<hbm>>, %arg4: memref<320000xi32, #tpu.memory_space<hbm>>, %arg5: memref<320000xf32, #tpu.memory_space<hbm>>, %arg6: memref<2x10240x128xf32, #tpu.memory_space<hbm>>, %arg7: memref<10000xi32, #tpu.memory_space<vmem>>, %arg8: memref<96xi32, #tpu.memory_space<vmem>>, %arg9: memref<96xi32, #tpu.memory_space<vmem>>, %arg10: memref<96xi32, #tpu.memory_space<vmem>>, %arg11: memref<96xf32, #tpu.memory_space<vmem>>, %arg12: memref<96xf32, #tpu.memory_space<vmem>>, %arg13: memref<96xf32, #tpu.memory_space<vmem>>, %arg14: memref<16xi32, #tpu.memory_space<vmem>>, %arg15: memref<16xf32, #tpu.memory_space<vmem>>, %arg16: memref<96x128xf32, #tpu.memory_space<vmem>>, %arg17: memref<96x128xf32, #tpu.memory_space<vmem>>, %arg18: memref<96x128xf32, #tpu.memory_space<vmem>>, %arg19: memref<10240x128xf32, #tpu.memory_space<vmem_shared>>, %arg20: memref<!tpu.dma_semaphore, #tpu.memory_space<semaphore_mem>>, %arg21: memref<!tpu.dma_semaphore, #tpu.memory_space<semaphore_mem>>, %arg22: memref<!tpu.dma_semaphore, #tpu.memory_space<semaphore_mem>>, %arg23: memref<!tpu.dma_semaphore, #tpu.memory_space<semaphore_mem>>, %arg24: memref<!tpu.dma_semaphore, #tpu.memory_space<semaphore_mem>>, %arg25: memref<!tpu.dma_semaphore, #tpu.memory_space<semaphore_mem>>) attributes {dimension_semantics = [#tpu.dimension_semantics<core_parallel>, #tpu.dimension_semantics<subcore_parallel>], iteration_bounds = array<i64: 2, 16>, scalar_prefetch = 0 : i64, scratch_operands = 19 : i64, tpu.core_type = #tpu.core_type<sc_vector_subcore>, window_params = [{transform_indices = #map}, {transform_indices = #map1}, {transform_indices = #map1}, {transform_indices = #map1}, {transform_indices = #map2}]} {
    %mul3A = arith.constant 2 : i32
    %mul3A_0 = arith.muli %arg1, %mul3A : i32
    %add3A = arith.addi %mul3A_0, %arg0 : i32
    %mul3A_1 = arith.constant 10000 : i32
    %mul3A_2 = arith.muli %add3A, %mul3A_1 : i32
    %dma_start3A = tpu.memref_slice %arg3[%mul3A_2] : memref<320000xi32, #tpu.memory_space<hbm>> -> memref<10000xi32, #tpu.memory_space<hbm>>
    %dma_start3A_3 = tpu.memref_slice %arg3[%mul3A_2] : memref<320000xi32, #tpu.memory_space<hbm>> -> memref<10000xi32, #tpu.memory_space<hbm>>
    tpu.enqueue_dma source(%dma_start3A_3 : memref<10000xi32, #tpu.memory_space<hbm>>) target(%arg7 : memref<10000xi32, #tpu.memory_space<vmem>>) target_semaphore(%arg20 : memref<!tpu.dma_semaphore, #tpu.memory_space<semaphore_mem>>)
    %broadcast_in_dim3A = arith.constant 0.000000e+00 : f32
    %broadcast_in_dim3A_4 = vector.broadcast %broadcast_in_dim3A : f32 to vector<16xf32>
    %parallel_loop3A = arith.constant 0 : i32
    %parallel_loop3A_5 = arith.constant 768 : i32
    %parallel_loop3A_6 = arith.constant 1 : i32
    scf.for %parallel_loop3A_137 = %parallel_loop3A to %parallel_loop3A_5 step %parallel_loop3A_6  : i32 {
      %parallel_loop3A_138 = arith.constant 8 : i32
      %parallel_loop3A_139 = arith.divsi %parallel_loop3A_137, %parallel_loop3A_138 : i32
      %parallel_loop3A_140 = arith.constant 0 : i32
      %parallel_loop3A_141 = arith.cmpi sgt, %parallel_loop3A_137, %parallel_loop3A_140 : i32
      %parallel_loop3A_142 = arith.extui %parallel_loop3A_141 : i1 to i32
      %parallel_loop3A_143 = arith.constant 0 : i32
      %parallel_loop3A_144 = arith.cmpi slt, %parallel_loop3A_137, %parallel_loop3A_143 : i32
      %parallel_loop3A_145 = arith.extui %parallel_loop3A_144 : i1 to i32
      %parallel_loop3A_146 = arith.subi %parallel_loop3A_142, %parallel_loop3A_145 : i32
      %parallel_loop3A_147 = arith.constant 0 : i32
      %parallel_loop3A_148 = arith.cmpi sgt, %parallel_loop3A_138, %parallel_loop3A_147 : i32
      %parallel_loop3A_149 = arith.extui %parallel_loop3A_148 : i1 to i32
      %parallel_loop3A_150 = arith.constant 0 : i32
      %parallel_loop3A_151 = arith.cmpi slt, %parallel_loop3A_138, %parallel_loop3A_150 : i32
      %parallel_loop3A_152 = arith.extui %parallel_loop3A_151 : i1 to i32
      %parallel_loop3A_153 = arith.subi %parallel_loop3A_149, %parallel_loop3A_152 : i32
      %parallel_loop3A_154 = arith.cmpi ne, %parallel_loop3A_146, %parallel_loop3A_153 : i32
      %parallel_loop3A_155 = arith.remsi %parallel_loop3A_137, %parallel_loop3A_138 : i32
      %parallel_loop3A_156 = arith.constant 0 : i32
      %parallel_loop3A_157 = arith.cmpi ne, %parallel_loop3A_155, %parallel_loop3A_156 : i32
      %parallel_loop3A_158 = arith.andi %parallel_loop3A_154, %parallel_loop3A_157 : i1
      %parallel_loop3A_159 = arith.constant 1 : i32
      %parallel_loop3A_160 = arith.subi %parallel_loop3A_139, %parallel_loop3A_159 : i32
      %parallel_loop3A_161 = arith.select %parallel_loop3A_158, %parallel_loop3A_160, %parallel_loop3A_139 : i32
      %parallel_loop3A_162 = arith.constant 8 : i32
      %parallel_loop3A_163 = arith.constant 0 : i32
      %parallel_loop3A_164 = arith.cmpi eq, %parallel_loop3A_162, %parallel_loop3A_163 : i32
      %parallel_loop3A_165 = arith.constant 1 : i32
      %parallel_loop3A_166 = arith.select %parallel_loop3A_164, %parallel_loop3A_165, %parallel_loop3A_162 : i32
      %parallel_loop3A_167 = arith.remsi %parallel_loop3A_137, %parallel_loop3A_166 : i32
      %parallel_loop3A_168 = arith.constant 0 : i32
      %parallel_loop3A_169 = arith.cmpi ne, %parallel_loop3A_167, %parallel_loop3A_168 : i32
      %parallel_loop3A_170 = arith.constant 0 : i32
      %parallel_loop3A_171 = arith.cmpi slt, %parallel_loop3A_167, %parallel_loop3A_170 : i32
      %parallel_loop3A_172 = arith.constant 0 : i32
      %parallel_loop3A_173 = arith.cmpi slt, %parallel_loop3A_166, %parallel_loop3A_172 : i32
      %parallel_loop3A_174 = arith.xori %parallel_loop3A_171, %parallel_loop3A_173 : i1
      %parallel_loop3A_175 = arith.andi %parallel_loop3A_174, %parallel_loop3A_169 : i1
      %parallel_loop3A_176 = arith.addi %parallel_loop3A_167, %parallel_loop3A_166 : i32
      %parallel_loop3A_177 = arith.select %parallel_loop3A_175, %parallel_loop3A_176, %parallel_loop3A_167 : i32
      %parallel_loop3A_178 = arith.constant 16 : i32
      %parallel_loop3A_179 = arith.muli %parallel_loop3A_177, %parallel_loop3A_178 : i32
      %parallel_loop3A_180 = arith.index_cast %parallel_loop3A_161 : i32 to index
      %parallel_loop3A_181 = arith.index_cast %parallel_loop3A_179 : i32 to index
      %parallel_loop3A_182 = tpu.vector_load %arg16[%parallel_loop3A_180, %parallel_loop3A_181] {strides = array<i32>} : memref<96x128xf32, #tpu.memory_space<vmem>>, vector<16xf32>,
      tpu.vector_store %arg16[%parallel_loop3A_180, %parallel_loop3A_181], %broadcast_in_dim3A_4 {strides = array<i32>} : memref<96x128xf32, #tpu.memory_space<vmem>>, vector<16xf32>,
    } {sc.loop_unroll_factor = 1 : i64, sc.parallel_access}
    %mul3A_7 = arith.constant 640 : i32
    %mul3A_8 = arith.muli %arg1, %mul3A_7 : i32
    %add3A_9 = arith.constant 0 : i32
    %add3A_10 = arith.addi %mul3A_8, %add3A_9 : i32
    "tpu.region"() ({
      %run_scoped3A = tpu.sem_alloc : memref<!tpu.dma_semaphore, #tpu.memory_space<semaphore_mem>>
      %dma_start3A_137 = arith.constant 0 : i32
      %dma_start3A_138 = tpu.memref_slice %arg19[%add3A_10, %dma_start3A_137] : memref<10240x128xf32, #tpu.memory_space<vmem_shared>> -> memref<96x128xf32, #tpu.memory_space<vmem_shared>>
      %dma_start3A_139 = arith.constant 0 : i32
      %dma_start3A_140 = tpu.memref_slice %arg19[%add3A_10, %dma_start3A_139] : memref<10240x128xf32, #tpu.memory_space<vmem_shared>> -> memref<96x128xf32, #tpu.memory_space<vmem_shared>>
      tpu.enqueue_dma source(%arg16 : memref<96x128xf32, #tpu.memory_space<vmem>>) target(%dma_start3A_140 : memref<96x128xf32, #tpu.memory_space<vmem_shared>>) target_semaphore(%run_scoped3A : memref<!tpu.dma_semaphore, #tpu.memory_space<semaphore_mem>>)
      %dma_wait3A_141 = arith.constant 0 : i32
      %dma_wait3A_142 = tpu.memref_slice %arg19[%add3A_10, %dma_wait3A_141] : memref<10240x128xf32, #tpu.memory_space<vmem_shared>> -> memref<96x128xf32, #tpu.memory_space<vmem_shared>>
      %dma_wait3A_143 = arith.constant 0 : i32
      %dma_wait3A_144 = tpu.memref_slice %arg19[%add3A_10, %dma_wait3A_143] : memref<10240x128xf32, #tpu.memory_space<vmem_shared>> -> memref<96x128xf32, #tpu.memory_space<vmem_shared>>
      tpu.wait_dma2 semaphore(%run_scoped3A : memref<!tpu.dma_semaphore, #tpu.memory_space<semaphore_mem>>) src(%arg16 : memref<96x128xf32, #tpu.memory_space<vmem>>) dst(%dma_wait3A_144 : memref<96x128xf32, #tpu.memory_space<vmem_shared>>)
      tpu.yield
    }) : () -> ()
    %add3A_11 = arith.constant 96 : i32
    %add3A_12 = arith.addi %mul3A_8, %add3A_11 : i32
    "tpu.region"() ({
      %run_scoped3A = tpu.sem_alloc : memref<!tpu.dma_semaphore, #tpu.memory_space<semaphore_mem>>
      %dma_start3A_137 = arith.constant 0 : i32
      %dma_start3A_138 = tpu.memref_slice %arg19[%add3A_12, %dma_start3A_137] : memref<10240x128xf32, #tpu.memory_space<vmem_shared>> -> memref<96x128xf32, #tpu.memory_space<vmem_shared>>
      %dma_start3A_139 = arith.constant 0 : i32
      %dma_start3A_140 = tpu.memref_slice %arg19[%add3A_12, %dma_start3A_139] : memref<10240x128xf32, #tpu.memory_space<vmem_shared>> -> memref<96x128xf32, #tpu.memory_space<vmem_shared>>
      tpu.enqueue_dma source(%arg16 : memref<96x128xf32, #tpu.memory_space<vmem>>) target(%dma_start3A_140 : memref<96x128xf32, #tpu.memory_space<vmem_shared>>) target_semaphore(%run_scoped3A : memref<!tpu.dma_semaphore, #tpu.memory_space<semaphore_mem>>)
      %dma_wait3A_141 = arith.constant 0 : i32
      %dma_wait3A_142 = tpu.memref_slice %arg19[%add3A_12, %dma_wait3A_141] : memref<10240x128xf32, #tpu.memory_space<vmem_shared>> -> memref<96x128xf32, #tpu.memory_space<vmem_shared>>
      %dma_wait3A_143 = arith.constant 0 : i32
      %dma_wait3A_144 = tpu.memref_slice %arg19[%add3A_12, %dma_wait3A_143] : memref<10240x128xf32, #tpu.memory_space<vmem_shared>> -> memref<96x128xf32, #tpu.memory_space<vmem_shared>>
      tpu.wait_dma2 semaphore(%run_scoped3A : memref<!tpu.dma_semaphore, #tpu.memory_space<semaphore_mem>>) src(%arg16 : memref<96x128xf32, #tpu.memory_space<vmem>>) dst(%dma_wait3A_144 : memref<96x128xf32, #tpu.memory_space<vmem_shared>>)
      tpu.yield
    }) : () -> ()
    %add3A_13 = arith.constant 192 : i32
    %add3A_14 = arith.addi %mul3A_8, %add3A_13 : i32
    "tpu.region"() ({
      %run_scoped3A = tpu.sem_alloc : memref<!tpu.dma_semaphore, #tpu.memory_space<semaphore_mem>>
      %dma_start3A_137 = arith.constant 0 : i32
      %dma_start3A_138 = tpu.memref_slice %arg19[%add3A_14, %dma_start3A_137] : memref<10240x128xf32, #tpu.memory_space<vmem_shared>> -> memref<96x128xf32, #tpu.memory_space<vmem_shared>>
      %dma_start3A_139 = arith.constant 0 : i32
      %dma_start3A_140 = tpu.memref_slice %arg19[%add3A_14, %dma_start3A_139] : memref<10240x128xf32, #tpu.memory_space<vmem_shared>> -> memref<96x128xf32, #tpu.memory_space<vmem_shared>>
      tpu.enqueue_dma source(%arg16 : memref<96x128xf32, #tpu.memory_space<vmem>>) target(%dma_start3A_140 : memref<96x128xf32, #tpu.memory_space<vmem_shared>>) target_semaphore(%run_scoped3A : memref<!tpu.dma_semaphore, #tpu.memory_space<semaphore_mem>>)
      %dma_wait3A_141 = arith.constant 0 : i32
      %dma_wait3A_142 = tpu.memref_slice %arg19[%add3A_14, %dma_wait3A_141] : memref<10240x128xf32, #tpu.memory_space<vmem_shared>> -> memref<96x128xf32, #tpu.memory_space<vmem_shared>>
      %dma_wait3A_143 = arith.constant 0 : i32
      %dma_wait3A_144 = tpu.memref_slice %arg19[%add3A_14, %dma_wait3A_143] : memref<10240x128xf32, #tpu.memory_space<vmem_shared>> -> memref<96x128xf32, #tpu.memory_space<vmem_shared>>
      tpu.wait_dma2 semaphore(%run_scoped3A : memref<!tpu.dma_semaphore, #tpu.memory_space<semaphore_mem>>) src(%arg16 : memref<96x128xf32, #tpu.memory_space<vmem>>) dst(%dma_wait3A_144 : memref<96x128xf32, #tpu.memory_space<vmem_shared>>)
      tpu.yield
    }) : () -> ()
    %add3A_15 = arith.constant 288 : i32
    %add3A_16 = arith.addi %mul3A_8, %add3A_15 : i32
    "tpu.region"() ({
      %run_scoped3A = tpu.sem_alloc : memref<!tpu.dma_semaphore, #tpu.memory_space<semaphore_mem>>
      %dma_start3A_137 = arith.constant 0 : i32
      %dma_start3A_138 = tpu.memref_slice %arg19[%add3A_16, %dma_start3A_137] : memref<10240x128xf32, #tpu.memory_space<vmem_shared>> -> memref<96x128xf32, #tpu.memory_space<vmem_shared>>
      %dma_start3A_139 = arith.constant 0 : i32
      %dma_start3A_140 = tpu.memref_slice %arg19[%add3A_16, %dma_start3A_139] : memref<10240x128xf32, #tpu.memory_space<vmem_shared>> -> memref<96x128xf32, #tpu.memory_space<vmem_shared>>
      tpu.enqueue_dma source(%arg16 : memref<96x128xf32, #tpu.memory_space<vmem>>) target(%dma_start3A_140 : memref<96x128xf32, #tpu.memory_space<vmem_shared>>) target_semaphore(%run_scoped3A : memref<!tpu.dma_semaphore, #tpu.memory_space<semaphore_mem>>)
      %dma_wait3A_141 = arith.constant 0 : i32
      %dma_wait3A_142 = tpu.memref_slice %arg19[%add3A_16, %dma_wait3A_141] : memref<10240x128xf32, #tpu.memory_space<vmem_shared>> -> memref<96x128xf32, #tpu.memory_space<vmem_shared>>
      %dma_wait3A_143 = arith.constant 0 : i32
      %dma_wait3A_144 = tpu.memref_slice %arg19[%add3A_16, %dma_wait3A_143] : memref<10240x128xf32, #tpu.memory_space<vmem_shared>> -> memref<96x128xf32, #tpu.memory_space<vmem_shared>>
      tpu.wait_dma2 semaphore(%run_scoped3A : memref<!tpu.dma_semaphore, #tpu.memory_space<semaphore_mem>>) src(%arg16 : memref<96x128xf32, #tpu.memory_space<vmem>>) dst(%dma_wait3A_144 : memref<96x128xf32, #tpu.memory_space<vmem_shared>>)
      tpu.yield
    }) : () -> ()
    %add3A_17 = arith.constant 384 : i32
    %add3A_18 = arith.addi %mul3A_8, %add3A_17 : i32
    "tpu.region"() ({
      %run_scoped3A = tpu.sem_alloc : memref<!tpu.dma_semaphore, #tpu.memory_space<semaphore_mem>>
      %dma_start3A_137 = arith.constant 0 : i32
      %dma_start3A_138 = tpu.memref_slice %arg19[%add3A_18, %dma_start3A_137] : memref<10240x128xf32, #tpu.memory_space<vmem_shared>> -> memref<96x128xf32, #tpu.memory_space<vmem_shared>>
      %dma_start3A_139 = arith.constant 0 : i32
      %dma_start3A_140 = tpu.memref_slice %arg19[%add3A_18, %dma_start3A_139] : memref<10240x128xf32, #tpu.memory_space<vmem_shared>> -> memref<96x128xf32, #tpu.memory_space<vmem_shared>>
      tpu.enqueue_dma source(%arg16 : memref<96x128xf32, #tpu.memory_space<vmem>>) target(%dma_start3A_140 : memref<96x128xf32, #tpu.memory_space<vmem_shared>>) target_semaphore(%run_scoped3A : memref<!tpu.dma_semaphore, #tpu.memory_space<semaphore_mem>>)
      %dma_wait3A_141 = arith.constant 0 : i32
      %dma_wait3A_142 = tpu.memref_slice %arg19[%add3A_18, %dma_wait3A_141] : memref<10240x128xf32, #tpu.memory_space<vmem_shared>> -> memref<96x128xf32, #tpu.memory_space<vmem_shared>>
      %dma_wait3A_143 = arith.constant 0 : i32
      %dma_wait3A_144 = tpu.memref_slice %arg19[%add3A_18, %dma_wait3A_143] : memref<10240x128xf32, #tpu.memory_space<vmem_shared>> -> memref<96x128xf32, #tpu.memory_space<vmem_shared>>
      tpu.wait_dma2 semaphore(%run_scoped3A : memref<!tpu.dma_semaphore, #tpu.memory_space<semaphore_mem>>) src(%arg16 : memref<96x128xf32, #tpu.memory_space<vmem>>) dst(%dma_wait3A_144 : memref<96x128xf32, #tpu.memory_space<vmem_shared>>)
      tpu.yield
    }) : () -> ()
    %add3A_19 = arith.constant 480 : i32
    %add3A_20 = arith.addi %mul3A_8, %add3A_19 : i32
    "tpu.region"() ({
      %run_scoped3A = tpu.sem_alloc : memref<!tpu.dma_semaphore, #tpu.memory_space<semaphore_mem>>
      %dma_start3A_137 = arith.constant 0 : i32
      %dma_start3A_138 = tpu.memref_slice %arg19[%add3A_20, %dma_start3A_137] : memref<10240x128xf32, #tpu.memory_space<vmem_shared>> -> memref<96x128xf32, #tpu.memory_space<vmem_shared>>
      %dma_start3A_139 = arith.constant 0 : i32
      %dma_start3A_140 = tpu.memref_slice %arg19[%add3A_20, %dma_start3A_139] : memref<10240x128xf32, #tpu.memory_space<vmem_shared>> -> memref<96x128xf32, #tpu.memory_space<vmem_shared>>
      tpu.enqueue_dma source(%arg16 : memref<96x128xf32, #tpu.memory_space<vmem>>) target(%dma_start3A_140 : memref<96x128xf32, #tpu.memory_space<vmem_shared>>) target_semaphore(%run_scoped3A : memref<!tpu.dma_semaphore, #tpu.memory_space<semaphore_mem>>)
      %dma_wait3A_141 = arith.constant 0 : i32
      %dma_wait3A_142 = tpu.memref_slice %arg19[%add3A_20, %dma_wait3A_141] : memref<10240x128xf32, #tpu.memory_space<vmem_shared>> -> memref<96x128xf32, #tpu.memory_space<vmem_shared>>
      %dma_wait3A_143 = arith.constant 0 : i32
      %dma_wait3A_144 = tpu.memref_slice %arg19[%add3A_20, %dma_wait3A_143] : memref<10240x128xf32, #tpu.memory_space<vmem_shared>> -> memref<96x128xf32, #tpu.memory_space<vmem_shared>>
      tpu.wait_dma2 semaphore(%run_scoped3A : memref<!tpu.dma_semaphore, #tpu.memory_space<semaphore_mem>>) src(%arg16 : memref<96x128xf32, #tpu.memory_space<vmem>>) dst(%dma_wait3A_144 : memref<96x128xf32, #tpu.memory_space<vmem_shared>>)
      tpu.yield
    }) : () -> ()
    %add3A_21 = arith.constant 576 : i32
    %add3A_22 = arith.addi %mul3A_8, %add3A_21 : i32
    "tpu.region"() ({
      %run_scoped3A = tpu.sem_alloc : memref<!tpu.dma_semaphore, #tpu.memory_space<semaphore_mem>>
      %dma_start3A_137 = arith.constant 0 : i32
      %dma_start3A_138 = arith.constant 0 : i32
      %dma_start3A_139 = tpu.memref_slice %arg16[%dma_start3A_137, %dma_start3A_138] : memref<96x128xf32, #tpu.memory_space<vmem>> -> memref<64x128xf32, #tpu.memory_space<vmem>>
      %dma_start3A_140 = arith.constant 0 : i32
      %dma_start3A_141 = tpu.memref_slice %arg19[%add3A_22, %dma_start3A_140] : memref<10240x128xf32, #tpu.memory_space<vmem_shared>> -> memref<64x128xf32, #tpu.memory_space<vmem_shared>>
      %dma_start3A_142 = arith.constant 0 : i32
      %dma_start3A_143 = tpu.memref_slice %arg19[%add3A_22, %dma_start3A_142] : memref<10240x128xf32, #tpu.memory_space<vmem_shared>> -> memref<64x128xf32, #tpu.memory_space<vmem_shared>>
      %dma_start3A_144 = arith.constant 0 : i32
      %dma_start3A_145 = arith.constant 0 : i32
      %dma_start3A_146 = tpu.memref_slice %arg16[%dma_start3A_144, %dma_start3A_145] : memref<96x128xf32, #tpu.memory_space<vmem>> -> memref<64x128xf32, #tpu.memory_space<vmem>>
      tpu.enqueue_dma source(%dma_start3A_146 : memref<64x128xf32, #tpu.memory_space<vmem>>) target(%dma_start3A_143 : memref<64x128xf32, #tpu.memory_space<vmem_shared>>) target_semaphore(%run_scoped3A : memref<!tpu.dma_semaphore, #tpu.memory_space<semaphore_mem>>)
      %dma_wait3A_147 = arith.constant 0 : i32
      %dma_wait3A_148 = arith.constant 0 : i32
      %dma_wait3A_149 = tpu.memref_slice %arg16[%dma_wait3A_147, %dma_wait3A_148] : memref<96x128xf32, #tpu.memory_space<vmem>> -> memref<64x128xf32, #tpu.memory_space<vmem>>
      %dma_wait3A_150 = arith.constant 0 : i32
      %dma_wait3A_151 = tpu.memref_slice %arg19[%add3A_22, %dma_wait3A_150] : memref<10240x128xf32, #tpu.memory_space<vmem_shared>> -> memref<64x128xf32, #tpu.memory_space<vmem_shared>>
      %dma_wait3A_152 = arith.constant 0 : i32
      %dma_wait3A_153 = tpu.memref_slice %arg19[%add3A_22, %dma_wait3A_152] : memref<10240x128xf32, #tpu.memory_space<vmem_shared>> -> memref<64x128xf32, #tpu.memory_space<vmem_shared>>
      %dma_wait3A_154 = arith.constant 0 : i32
      %dma_wait3A_155 = arith.constant 0 : i32
      %dma_wait3A_156 = tpu.memref_slice %arg16[%dma_wait3A_154, %dma_wait3A_155] : memref<96x128xf32, #tpu.memory_space<vmem>> -> memref<64x128xf32, #tpu.memory_space<vmem>>
      tpu.wait_dma2 semaphore(%run_scoped3A : memref<!tpu.dma_semaphore, #tpu.memory_space<semaphore_mem>>) src(%dma_wait3A_156 : memref<64x128xf32, #tpu.memory_space<vmem>>) dst(%dma_wait3A_153 : memref<64x128xf32, #tpu.memory_space<vmem_shared>>)
      tpu.yield
    }) : () -> ()
    %dma_wait3A = tpu.memref_slice %arg3[%mul3A_2] : memref<320000xi32, #tpu.memory_space<hbm>> -> memref<10000xi32, #tpu.memory_space<hbm>>
    %dma_wait3A_23 = tpu.memref_slice %arg3[%mul3A_2] : memref<320000xi32, #tpu.memory_space<hbm>> -> memref<10000xi32, #tpu.memory_space<hbm>>
    tpu.wait_dma2 semaphore(%arg20 : memref<!tpu.dma_semaphore, #tpu.memory_space<semaphore_mem>>) src(%dma_wait3A_23 : memref<10000xi32, #tpu.memory_space<hbm>>) dst(%arg7 : memref<10000xi32, #tpu.memory_space<vmem>>)
    %barrier3A = arith.constant 0 : index
    tpu.barrier barrier_id(%barrier3A)
    %dma_start3A_24 = arith.constant 0 : i32
    %dma_start3A_25 = tpu.memref_slice %arg7[%dma_start3A_24] : memref<10000xi32, #tpu.memory_space<vmem>> -> memref<96xi32, #tpu.memory_space<vmem>>
    %dma_start3A_26 = arith.constant 0 : i32
    %dma_start3A_27 = arith.constant 0 : i32
    %dma_start3A_28 = tpu.memref_slice %arg2[%dma_start3A_26, %dma_start3A_27] : memref<10000x128xf32, #tpu.memory_space<hbm>> -> memref<10000x128xf32, #tpu.memory_space<hbm>>
    tpu.enqueue_indirect_dma source(%dma_start3A_28 : memref<10000x128xf32, #tpu.memory_space<hbm>>) target(%arg16 : memref<96x128xf32, #tpu.memory_space<vmem>>) offsets(%dma_start3A_25 : memref<96xi32, #tpu.memory_space<vmem>>) semaphore(%arg20 : memref<!tpu.dma_semaphore, #tpu.memory_space<semaphore_mem>>)
    %add3A_29 = arith.constant 0 : i32
    %add3A_30 = arith.addi %mul3A_2, %add3A_29 : i32
    %dma_start3A_31 = tpu.memref_slice %arg4[%add3A_30] : memref<320000xi32, #tpu.memory_space<hbm>> -> memref<96xi32, #tpu.memory_space<hbm>>
    %dma_start3A_32 = tpu.memref_slice %arg4[%add3A_30] : memref<320000xi32, #tpu.memory_space<hbm>> -> memref<96xi32, #tpu.memory_space<hbm>>
    tpu.enqueue_dma source(%dma_start3A_32 : memref<96xi32, #tpu.memory_space<hbm>>) target(%arg8 : memref<96xi32, #tpu.memory_space<vmem>>) target_semaphore(%arg20 : memref<!tpu.dma_semaphore, #tpu.memory_space<semaphore_mem>>)
    %add3A_33 = arith.constant 0 : i32
    %add3A_34 = arith.addi %mul3A_2, %add3A_33 : i32
    %dma_start3A_35 = tpu.memref_slice %arg5[%add3A_34] : memref<320000xf32, #tpu.memory_space<hbm>> -> memref<96xf32, #tpu.memory_space<hbm>>
    %dma_start3A_36 = tpu.memref_slice %arg5[%add3A_34] : memref<320000xf32, #tpu.memory_space<hbm>> -> memref<96xf32, #tpu.memory_space<hbm>>
    tpu.enqueue_dma source(%dma_start3A_36 : memref<96xf32, #tpu.memory_space<hbm>>) target(%arg11 : memref<96xf32, #tpu.memory_space<vmem>>) target_semaphore(%arg20 : memref<!tpu.dma_semaphore, #tpu.memory_space<semaphore_mem>>)
    %dma_start3A_37 = arith.constant 96 : i32
    %dma_start3A_38 = tpu.memref_slice %arg7[%dma_start3A_37] : memref<10000xi32, #tpu.memory_space<vmem>> -> memref<96xi32, #tpu.memory_space<vmem>>
    %dma_start3A_39 = arith.constant 0 : i32
    %dma_start3A_40 = arith.constant 0 : i32
    %dma_start3A_41 = tpu.memref_slice %arg2[%dma_start3A_39, %dma_start3A_40] : memref<10000x128xf32, #tpu.memory_space<hbm>> -> memref<10000x128xf32, #tpu.memory_space<hbm>>
    tpu.enqueue_indirect_dma source(%dma_start3A_41 : memref<10000x128xf32, #tpu.memory_space<hbm>>) target(%arg17 : memref<96x128xf32, #tpu.memory_space<vmem>>) offsets(%dma_start3A_38 : memref<96xi32, #tpu.memory_space<vmem>>) semaphore(%arg21 : memref<!tpu.dma_semaphore, #tpu.memory_space<semaphore_mem>>)
    %add3A_42 = arith.constant 96 : i32
    %add3A_43 = arith.addi %mul3A_2, %add3A_42 : i32
    %dma_start3A_44 = tpu.memref_slice %arg4[%add3A_43] : memref<320000xi32, #tpu.memory_space<hbm>> -> memref<96xi32, #tpu.memory_space<hbm>>
    %dma_start3A_45 = tpu.memref_slice %arg4[%add3A_43] : memref<320000xi32, #tpu.memory_space<hbm>> -> memref<96xi32, #tpu.memory_space<hbm>>
    tpu.enqueue_dma source(%dma_start3A_45 : memref<96xi32, #tpu.memory_space<hbm>>) target(%arg9 : memref<96xi32, #tpu.memory_space<vmem>>) target_semaphore(%arg21 : memref<!tpu.dma_semaphore, #tpu.memory_space<semaphore_mem>>)
    %add3A_46 = arith.constant 96 : i32
    %add3A_47 = arith.addi %mul3A_2, %add3A_46 : i32
    %dma_start3A_48 = tpu.memref_slice %arg5[%add3A_47] : memref<320000xf32, #tpu.memory_space<hbm>> -> memref<96xf32, #tpu.memory_space<hbm>>
    %dma_start3A_49 = tpu.memref_slice %arg5[%add3A_47] : memref<320000xf32, #tpu.memory_space<hbm>> -> memref<96xf32, #tpu.memory_space<hbm>>
    tpu.enqueue_dma source(%dma_start3A_49 : memref<96xf32, #tpu.memory_space<hbm>>) target(%arg12 : memref<96xf32, #tpu.memory_space<vmem>>) target_semaphore(%arg21 : memref<!tpu.dma_semaphore, #tpu.memory_space<semaphore_mem>>)
    %scan3A = arith.constant 0 : i32
    %scan3A_50 = arith.constant 34 : i32
    %scan3A_51 = arith.addi %scan3A, %scan3A_50 : i32
    %scan3A_52 = arith.constant 1 : i32
    scf.for %scan3A_137 = %scan3A to %scan3A_51 step %scan3A_52  : i32 {
      %dma_wait3A_138 = arith.constant 0 : i32
      %dma_wait3A_139 = tpu.memref_slice %arg7[%dma_wait3A_138] : memref<10000xi32, #tpu.memory_space<vmem>> -> memref<96xi32, #tpu.memory_space<vmem>>
      %dma_wait3A_140 = arith.constant 0 : i32
      %dma_wait3A_141 = arith.constant 0 : i32
      %dma_wait3A_142 = tpu.memref_slice %arg2[%dma_wait3A_140, %dma_wait3A_141] : memref<10000x128xf32, #tpu.memory_space<hbm>> -> memref<10000x128xf32, #tpu.memory_space<hbm>>
      tpu.wait_indirect_dma semaphore(%arg20 : memref<!tpu.dma_semaphore, #tpu.memory_space<semaphore_mem>>) src(%dma_wait3A_142 : memref<10000x128xf32, #tpu.memory_space<hbm>>) dst(%arg16 : memref<96x128xf32, #tpu.memory_space<vmem>>)
      %dma_wait3A_143 = arith.constant 0 : i32
      %dma_wait3A_144 = tpu.memref_slice %arg4[%dma_wait3A_143] : memref<320000xi32, #tpu.memory_space<hbm>> -> memref<96xi32, #tpu.memory_space<hbm>>
      %dma_wait3A_145 = arith.constant 0 : i32
      %dma_wait3A_146 = tpu.memref_slice %arg4[%dma_wait3A_145] : memref<320000xi32, #tpu.memory_space<hbm>> -> memref<96xi32, #tpu.memory_space<hbm>>
      tpu.wait_dma2 semaphore(%arg20 : memref<!tpu.dma_semaphore, #tpu.memory_space<semaphore_mem>>) src(%dma_wait3A_146 : memref<96xi32, #tpu.memory_space<hbm>>) dst(%arg8 : memref<96xi32, #tpu.memory_space<vmem>>)
      %dma_wait3A_147 = arith.constant 0 : i32
      %dma_wait3A_148 = tpu.memref_slice %arg5[%dma_wait3A_147] : memref<320000xf32, #tpu.memory_space<hbm>> -> memref<96xf32, #tpu.memory_space<hbm>>
      %dma_wait3A_149 = arith.constant 0 : i32
      %dma_wait3A_150 = tpu.memref_slice %arg5[%dma_wait3A_149] : memref<320000xf32, #tpu.memory_space<hbm>> -> memref<96xf32, #tpu.memory_space<hbm>>
      tpu.wait_dma2 semaphore(%arg20 : memref<!tpu.dma_semaphore, #tpu.memory_space<semaphore_mem>>) src(%dma_wait3A_150 : memref<96xf32, #tpu.memory_space<hbm>>) dst(%arg11 : memref<96xf32, #tpu.memory_space<vmem>>)
      %parallel_loop3A_151 = arith.constant 0 : i32
      %parallel_loop3A_152 = arith.constant 96 : i32
      %parallel_loop3A_153 = arith.constant 2 : i32
      scf.for %parallel_loop3A_269 = %parallel_loop3A_151 to %parallel_loop3A_152 step %parallel_loop3A_153  : i32 {
        %parallel_loop3A_270 = arith.constant 0 : i32
        %parallel_loop3A_271 = arith.addi %parallel_loop3A_269, %parallel_loop3A_270 : i32
        %parallel_loop3A_272 = vector.broadcast %parallel_loop3A_271 : i32 to vector<16xi32>
        %parallel_loop3A_273 = tpu.vector_load_idx %arg11[%parallel_loop3A_272] : memref<96xf32, #tpu.memory_space<vmem>>[vector<16xi32>], vector<16xf32>,
        %parallel_loop3A_274 = arith.index_cast %parallel_loop3A_271 : i32 to index
        %parallel_loop3A_275 = arith.constant 0 : index
        %parallel_loop3A_276 = tpu.vector_load %arg16[%parallel_loop3A_274, %parallel_loop3A_275] {strides = array<i32>} : memref<96x128xf32, #tpu.memory_space<vmem>>, vector<16xf32>,
        %parallel_loop3A_277 = arith.mulf %parallel_loop3A_276, %parallel_loop3A_273 : vector<16xf32>
        %parallel_loop3A_278 = arith.index_cast %parallel_loop3A_271 : i32 to index
        %parallel_loop3A_279 = arith.constant 0 : index
        %parallel_loop3A_280 = tpu.vector_load %arg16[%parallel_loop3A_278, %parallel_loop3A_279] {strides = array<i32>} : memref<96x128xf32, #tpu.memory_space<vmem>>, vector<16xf32>,
        tpu.vector_store %arg16[%parallel_loop3A_278, %parallel_loop3A_279], %parallel_loop3A_277 {strides = array<i32>} : memref<96x128xf32, #tpu.memory_space<vmem>>, vector<16xf32>,
        %parallel_loop3A_281 = arith.index_cast %parallel_loop3A_271 : i32 to index
        %parallel_loop3A_282 = arith.constant 16 : index
        %parallel_loop3A_283 = tpu.vector_load %arg16[%parallel_loop3A_281, %parallel_loop3A_282] {strides = array<i32>} : memref<96x128xf32, #tpu.memory_space<vmem>>, vector<16xf32>,
        %parallel_loop3A_284 = arith.mulf %parallel_loop3A_283, %parallel_loop3A_273 : vector<16xf32>
        %parallel_loop3A_285 = arith.index_cast %parallel_loop3A_271 : i32 to index
        %parallel_loop3A_286 = arith.constant 16 : index
        %parallel_loop3A_287 = tpu.vector_load %arg16[%parallel_loop3A_285, %parallel_loop3A_286] {strides = array<i32>} : memref<96x128xf32, #tpu.memory_space<vmem>>, vector<16xf32>,
        tpu.vector_store %arg16[%parallel_loop3A_285, %parallel_loop3A_286], %parallel_loop3A_284 {strides = array<i32>} : memref<96x128xf32, #tpu.memory_space<vmem>>, vector<16xf32>,
        %parallel_loop3A_288 = arith.index_cast %parallel_loop3A_271 : i32 to index
        %parallel_loop3A_289 = arith.constant 32 : index
        %parallel_loop3A_290 = tpu.vector_load %arg16[%parallel_loop3A_288, %parallel_loop3A_289] {strides = array<i32>} : memref<96x128xf32, #tpu.memory_space<vmem>>, vector<16xf32>,
        %parallel_loop3A_291 = arith.mulf %parallel_loop3A_290, %parallel_loop3A_273 : vector<16xf32>
        %parallel_loop3A_292 = arith.index_cast %parallel_loop3A_271 : i32 to index
        %parallel_loop3A_293 = arith.constant 32 : index
        %parallel_loop3A_294 = tpu.vector_load %arg16[%parallel_loop3A_292, %parallel_loop3A_293] {strides = array<i32>} : memref<96x128xf32, #tpu.memory_space<vmem>>, vector<16xf32>,
        tpu.vector_store %arg16[%parallel_loop3A_292, %parallel_loop3A_293], %parallel_loop3A_291 {strides = array<i32>} : memref<96x128xf32, #tpu.memory_space<vmem>>, vector<16xf32>,
        %parallel_loop3A_295 = arith.index_cast %parallel_loop3A_271 : i32 to index
        %parallel_loop3A_296 = arith.constant 48 : index
        %parallel_loop3A_297 = tpu.vector_load %arg16[%parallel_loop3A_295, %parallel_loop3A_296] {strides = array<i32>} : memref<96x128xf32, #tpu.memory_space<vmem>>, vector<16xf32>,
        %parallel_loop3A_298 = arith.mulf %parallel_loop3A_297, %parallel_loop3A_273 : vector<16xf32>
        %parallel_loop3A_299 = arith.index_cast %parallel_loop3A_271 : i32 to index
        %parallel_loop3A_300 = arith.constant 48 : index
        %parallel_loop3A_301 = tpu.vector_load %arg16[%parallel_loop3A_299, %parallel_loop3A_300] {strides = array<i32>} : memref<96x128xf32, #tpu.memory_space<vmem>>, vector<16xf32>,
        tpu.vector_store %arg16[%parallel_loop3A_299, %parallel_loop3A_300], %parallel_loop3A_298 {strides = array<i32>} : memref<96x128xf32, #tpu.memory_space<vmem>>, vector<16xf32>,
        %parallel_loop3A_302 = arith.index_cast %parallel_loop3A_271 : i32 to index
        %parallel_loop3A_303 = arith.constant 64 : index
        %parallel_loop3A_304 = tpu.vector_load %arg16[%parallel_loop3A_302, %parallel_loop3A_303] {strides = array<i32>} : memref<96x128xf32, #tpu.memory_space<vmem>>, vector<16xf32>,
        %parallel_loop3A_305 = arith.mulf %parallel_loop3A_304, %parallel_loop3A_273 : vector<16xf32>
        %parallel_loop3A_306 = arith.index_cast %parallel_loop3A_271 : i32 to index
        %parallel_loop3A_307 = arith.constant 64 : index
        %parallel_loop3A_308 = tpu.vector_load %arg16[%parallel_loop3A_306, %parallel_loop3A_307] {strides = array<i32>} : memref<96x128xf32, #tpu.memory_space<vmem>>, vector<16xf32>,
        tpu.vector_store %arg16[%parallel_loop3A_306, %parallel_loop3A_307], %parallel_loop3A_305 {strides = array<i32>} : memref<96x128xf32, #tpu.memory_space<vmem>>, vector<16xf32>,
        %parallel_loop3A_309 = arith.index_cast %parallel_loop3A_271 : i32 to index
        %parallel_loop3A_310 = arith.constant 80 : index
        %parallel_loop3A_311 = tpu.vector_load %arg16[%parallel_loop3A_309, %parallel_loop3A_310] {strides = array<i32>} : memref<96x128xf32, #tpu.memory_space<vmem>>, vector<16xf32>,
        %parallel_loop3A_312 = arith.mulf %parallel_loop3A_311, %parallel_loop3A_273 : vector<16xf32>
        %parallel_loop3A_313 = arith.index_cast %parallel_loop3A_271 : i32 to index
        %parallel_loop3A_314 = arith.constant 80 : index
        %parallel_loop3A_315 = tpu.vector_load %arg16[%parallel_loop3A_313, %parallel_loop3A_314] {strides = array<i32>} : memref<96x128xf32, #tpu.memory_space<vmem>>, vector<16xf32>,
        tpu.vector_store %arg16[%parallel_loop3A_313, %parallel_loop3A_314], %parallel_loop3A_312 {strides = array<i32>} : memref<96x128xf32, #tpu.memory_space<vmem>>, vector<16xf32>,
        %parallel_loop3A_316 = arith.index_cast %parallel_loop3A_271 : i32 to index
        %parallel_loop3A_317 = arith.constant 96 : index
        %parallel_loop3A_318 = tpu.vector_load %arg16[%parallel_loop3A_316, %parallel_loop3A_317] {strides = array<i32>} : memref<96x128xf32, #tpu.memory_space<vmem>>, vector<16xf32>,
        %parallel_loop3A_319 = arith.mulf %parallel_loop3A_318, %parallel_loop3A_273 : vector<16xf32>
        %parallel_loop3A_320 = arith.index_cast %parallel_loop3A_271 : i32 to index
        %parallel_loop3A_321 = arith.constant 96 : index
        %parallel_loop3A_322 = tpu.vector_load %arg16[%parallel_loop3A_320, %parallel_loop3A_321] {strides = array<i32>} : memref<96x128xf32, #tpu.memory_space<vmem>>, vector<16xf32>,
        tpu.vector_store %arg16[%parallel_loop3A_320, %parallel_loop3A_321], %parallel_loop3A_319 {strides = array<i32>} : memref<96x128xf32, #tpu.memory_space<vmem>>, vector<16xf32>,
        %parallel_loop3A_323 = arith.index_cast %parallel_loop3A_271 : i32 to index
        %parallel_loop3A_324 = arith.constant 112 : index
        %parallel_loop3A_325 = tpu.vector_load %arg16[%parallel_loop3A_323, %parallel_loop3A_324] {strides = array<i32>} : memref<96x128xf32, #tpu.memory_space<vmem>>, vector<16xf32>,
        %parallel_loop3A_326 = arith.mulf %parallel_loop3A_325, %parallel_loop3A_273 : vector<16xf32>
        %parallel_loop3A_327 = arith.index_cast %parallel_loop3A_271 : i32 to index
        %parallel_loop3A_328 = arith.constant 112 : index
        %parallel_loop3A_329 = tpu.vector_load %arg16[%parallel_loop3A_327, %parallel_loop3A_328] {strides = array<i32>} : memref<96x128xf32, #tpu.memory_space<vmem>>, vector<16xf32>,
        tpu.vector_store %arg16[%parallel_loop3A_327, %parallel_loop3A_328], %parallel_loop3A_326 {strides = array<i32>} : memref<96x128xf32, #tpu.memory_space<vmem>>, vector<16xf32>,
        %parallel_loop3A_330 = arith.constant 1 : i32
        %parallel_loop3A_331 = arith.addi %parallel_loop3A_269, %parallel_loop3A_330 : i32
        %parallel_loop3A_332 = vector.broadcast %parallel_loop3A_331 : i32 to vector<16xi32>
        %parallel_loop3A_333 = tpu.vector_load_idx %arg11[%parallel_loop3A_332] : memref<96xf32, #tpu.memory_space<vmem>>[vector<16xi32>], vector<16xf32>,
        %parallel_loop3A_334 = arith.index_cast %parallel_loop3A_331 : i32 to index
        %parallel_loop3A_335 = arith.constant 0 : index
        %parallel_loop3A_336 = tpu.vector_load %arg16[%parallel_loop3A_334, %parallel_loop3A_335] {strides = array<i32>} : memref<96x128xf32, #tpu.memory_space<vmem>>, vector<16xf32>,
        %parallel_loop3A_337 = arith.mulf %parallel_loop3A_336, %parallel_loop3A_333 : vector<16xf32>
        %parallel_loop3A_338 = arith.index_cast %parallel_loop3A_331 : i32 to index
        %parallel_loop3A_339 = arith.constant 0 : index
        %parallel_loop3A_340 = tpu.vector_load %arg16[%parallel_loop3A_338, %parallel_loop3A_339] {strides = array<i32>} : memref<96x128xf32, #tpu.memory_space<vmem>>, vector<16xf32>,
        tpu.vector_store %arg16[%parallel_loop3A_338, %parallel_loop3A_339], %parallel_loop3A_337 {strides = array<i32>} : memref<96x128xf32, #tpu.memory_space<vmem>>, vector<16xf32>,
        %parallel_loop3A_341 = arith.index_cast %parallel_loop3A_331 : i32 to index
        %parallel_loop3A_342 = arith.constant 16 : index
        %parallel_loop3A_343 = tpu.vector_load %arg16[%parallel_loop3A_341, %parallel_loop3A_342] {strides = array<i32>} : memref<96x128xf32, #tpu.memory_space<vmem>>, vector<16xf32>,
        %parallel_loop3A_344 = arith.mulf %parallel_loop3A_343, %parallel_loop3A_333 : vector<16xf32>
        %parallel_loop3A_345 = arith.index_cast %parallel_loop3A_331 : i32 to index
        %parallel_loop3A_346 = arith.constant 16 : index
        %parallel_loop3A_347 = tpu.vector_load %arg16[%parallel_loop3A_345, %parallel_loop3A_346] {strides = array<i32>} : memref<96x128xf32, #tpu.memory_space<vmem>>, vector<16xf32>,
        tpu.vector_store %arg16[%parallel_loop3A_345, %parallel_loop3A_346], %parallel_loop3A_344 {strides = array<i32>} : memref<96x128xf32, #tpu.memory_space<vmem>>, vector<16xf32>,
        %parallel_loop3A_348 = arith.index_cast %parallel_loop3A_331 : i32 to index
        %parallel_loop3A_349 = arith.constant 32 : index
        %parallel_loop3A_350 = tpu.vector_load %arg16[%parallel_loop3A_348, %parallel_loop3A_349] {strides = array<i32>} : memref<96x128xf32, #tpu.memory_space<vmem>>, vector<16xf32>,
        %parallel_loop3A_351 = arith.mulf %parallel_loop3A_350, %parallel_loop3A_333 : vector<16xf32>
        %parallel_loop3A_352 = arith.index_cast %parallel_loop3A_331 : i32 to index
        %parallel_loop3A_353 = arith.constant 32 : index
        %parallel_loop3A_354 = tpu.vector_load %arg16[%parallel_loop3A_352, %parallel_loop3A_353] {strides = array<i32>} : memref<96x128xf32, #tpu.memory_space<vmem>>, vector<16xf32>,
        tpu.vector_store %arg16[%parallel_loop3A_352, %parallel_loop3A_353], %parallel_loop3A_351 {strides = array<i32>} : memref<96x128xf32, #tpu.memory_space<vmem>>, vector<16xf32>,
        %parallel_loop3A_355 = arith.index_cast %parallel_loop3A_331 : i32 to index
        %parallel_loop3A_356 = arith.constant 48 : index
        %parallel_loop3A_357 = tpu.vector_load %arg16[%parallel_loop3A_355, %parallel_loop3A_356] {strides = array<i32>} : memref<96x128xf32, #tpu.memory_space<vmem>>, vector<16xf32>,
        %parallel_loop3A_358 = arith.mulf %parallel_loop3A_357, %parallel_loop3A_333 : vector<16xf32>
        %parallel_loop3A_359 = arith.index_cast %parallel_loop3A_331 : i32 to index
        %parallel_loop3A_360 = arith.constant 48 : index
        %parallel_loop3A_361 = tpu.vector_load %arg16[%parallel_loop3A_359, %parallel_loop3A_360] {strides = array<i32>} : memref<96x128xf32, #tpu.memory_space<vmem>>, vector<16xf32>,
        tpu.vector_store %arg16[%parallel_loop3A_359, %parallel_loop3A_360], %parallel_loop3A_358 {strides = array<i32>} : memref<96x128xf32, #tpu.memory_space<vmem>>, vector<16xf32>,
        %parallel_loop3A_362 = arith.index_cast %parallel_loop3A_331 : i32 to index
        %parallel_loop3A_363 = arith.constant 64 : index
        %parallel_loop3A_364 = tpu.vector_load %arg16[%parallel_loop3A_362, %parallel_loop3A_363] {strides = array<i32>} : memref<96x128xf32, #tpu.memory_space<vmem>>, vector<16xf32>,
        %parallel_loop3A_365 = arith.mulf %parallel_loop3A_364, %parallel_loop3A_333 : vector<16xf32>
        %parallel_loop3A_366 = arith.index_cast %parallel_loop3A_331 : i32 to index
        %parallel_loop3A_367 = arith.constant 64 : index
        %parallel_loop3A_368 = tpu.vector_load %arg16[%parallel_loop3A_366, %parallel_loop3A_367] {strides = array<i32>} : memref<96x128xf32, #tpu.memory_space<vmem>>, vector<16xf32>,
        tpu.vector_store %arg16[%parallel_loop3A_366, %parallel_loop3A_367], %parallel_loop3A_365 {strides = array<i32>} : memref<96x128xf32, #tpu.memory_space<vmem>>, vector<16xf32>,
        %parallel_loop3A_369 = arith.index_cast %parallel_loop3A_331 : i32 to index
        %parallel_loop3A_370 = arith.constant 80 : index
        %parallel_loop3A_371 = tpu.vector_load %arg16[%parallel_loop3A_369, %parallel_loop3A_370] {strides = array<i32>} : memref<96x128xf32, #tpu.memory_space<vmem>>, vector<16xf32>,
        %parallel_loop3A_372 = arith.mulf %parallel_loop3A_371, %parallel_loop3A_333 : vector<16xf32>
        %parallel_loop3A_373 = arith.index_cast %parallel_loop3A_331 : i32 to index
        %parallel_loop3A_374 = arith.constant 80 : index
        %parallel_loop3A_375 = tpu.vector_load %arg16[%parallel_loop3A_373, %parallel_loop3A_374] {strides = array<i32>} : memref<96x128xf32, #tpu.memory_space<vmem>>, vector<16xf32>,
        tpu.vector_store %arg16[%parallel_loop3A_373, %parallel_loop3A_374], %parallel_loop3A_372 {strides = array<i32>} : memref<96x128xf32, #tpu.memory_space<vmem>>, vector<16xf32>,
        %parallel_loop3A_376 = arith.index_cast %parallel_loop3A_331 : i32 to index
        %parallel_loop3A_377 = arith.constant 96 : index
        %parallel_loop3A_378 = tpu.vector_load %arg16[%parallel_loop3A_376, %parallel_loop3A_377] {strides = array<i32>} : memref<96x128xf32, #tpu.memory_space<vmem>>, vector<16xf32>,
        %parallel_loop3A_379 = arith.mulf %parallel_loop3A_378, %parallel_loop3A_333 : vector<16xf32>
        %parallel_loop3A_380 = arith.index_cast %parallel_loop3A_331 : i32 to index
        %parallel_loop3A_381 = arith.constant 96 : index
        %parallel_loop3A_382 = tpu.vector_load %arg16[%parallel_loop3A_380, %parallel_loop3A_381] {strides = array<i32>} : memref<96x128xf32, #tpu.memory_space<vmem>>, vector<16xf32>,
        tpu.vector_store %arg16[%parallel_loop3A_380, %parallel_loop3A_381], %parallel_loop3A_379 {strides = array<i32>} : memref<96x128xf32, #tpu.memory_space<vmem>>, vector<16xf32>,
        %parallel_loop3A_383 = arith.index_cast %parallel_loop3A_331 : i32 to index
        %parallel_loop3A_384 = arith.constant 112 : index
        %parallel_loop3A_385 = tpu.vector_load %arg16[%parallel_loop3A_383, %parallel_loop3A_384] {strides = array<i32>} : memref<96x128xf32, #tpu.memory_space<vmem>>, vector<16xf32>,
        %parallel_loop3A_386 = arith.mulf %parallel_loop3A_385, %parallel_loop3A_333 : vector<16xf32>
        %parallel_loop3A_387 = arith.index_cast %parallel_loop3A_331 : i32 to index
        %parallel_loop3A_388 = arith.constant 112 : index
        %parallel_loop3A_389 = tpu.vector_load %arg16[%parallel_loop3A_387, %parallel_loop3A_388] {strides = array<i32>} : memref<96x128xf32, #tpu.memory_space<vmem>>, vector<16xf32>,
        tpu.vector_store %arg16[%parallel_loop3A_387, %parallel_loop3A_388], %parallel_loop3A_386 {strides = array<i32>} : memref<96x128xf32, #tpu.memory_space<vmem>>, vector<16xf32>,
      } {sc.loop_unroll_factor = 1 : i64, sc.parallel_access}
      %dma_start3A_154 = arith.constant 0 : i32
      %dma_start3A_155 = arith.constant 0 : i32
      %dma_start3A_156 = tpu.memref_slice %arg19[%dma_start3A_154, %dma_start3A_155] : memref<10240x128xf32, #tpu.memory_space<vmem_shared>> -> memref<10240x128xf32, #tpu.memory_space<vmem_shared>>
      tpu.enqueue_indirect_dma source(%arg16 : memref<96x128xf32, #tpu.memory_space<vmem>>) target(%dma_start3A_156 : memref<10240x128xf32, #tpu.memory_space<vmem_shared>>) offsets(%arg8 : memref<96xi32, #tpu.memory_space<vmem>>) semaphore(%arg23 : memref<!tpu.dma_semaphore, #tpu.memory_space<semaphore_mem>>) {add = true}
      %gt3A = arith.constant 0 : i32
      %gt3A_157 = arith.cmpi sgt, %scan3A_137, %gt3A : i32
      %convert_element_type3A = arith.extui %gt3A_157 : i1 to i32
      %cond3A = arith.constant 0 : i32
      %cond3A_158 = arith.cmpi ne, %convert_element_type3A, %cond3A : i32
      scf.if %cond3A_158 {
        %dma_wait3A_269 = arith.constant 0 : i32
        %dma_wait3A_270 = arith.constant 0 : i32
        %dma_wait3A_271 = tpu.memref_slice %arg19[%dma_wait3A_269, %dma_wait3A_270] : memref<10240x128xf32, #tpu.memory_space<vmem_shared>> -> memref<10240x128xf32, #tpu.memory_space<vmem_shared>>
        tpu.wait_indirect_dma semaphore(%arg25 : memref<!tpu.dma_semaphore, #tpu.memory_space<semaphore_mem>>) src(%arg18 : memref<96x128xf32, #tpu.memory_space<vmem>>) dst(%dma_wait3A_271 : memref<10240x128xf32, #tpu.memory_space<vmem_shared>>)
      } else {
      }
      %mul3A_159 = arith.constant 3 : i32
      %mul3A_160 = arith.muli %mul3A_159, %scan3A_137 : i32
      %add3A_161 = arith.constant 0 : i32
      %add3A_162 = arith.addi %mul3A_160, %add3A_161 : i32
      %add3A_163 = arith.constant 2 : i32
      %add3A_164 = arith.addi %add3A_162, %add3A_163 : i32
      %mul3A_165 = arith.constant 96 : i32
      %mul3A_166 = arith.muli %add3A_164, %mul3A_165 : i32
      %dma_start3A_167 = tpu.memref_slice %arg7[%mul3A_166] : memref<10000xi32, #tpu.memory_space<vmem>> -> memref<96xi32, #tpu.memory_space<vmem>>
      %dma_start3A_168 = arith.constant 0 : i32
      %dma_start3A_169 = arith.constant 0 : i32
      %dma_start3A_170 = tpu.memref_slice %arg2[%dma_start3A_168, %dma_start3A_169] : memref<10000x128xf32, #tpu.memory_space<hbm>> -> memref<10000x128xf32, #tpu.memory_space<hbm>>
      tpu.enqueue_indirect_dma source(%dma_start3A_170 : memref<10000x128xf32, #tpu.memory_space<hbm>>) target(%arg18 : memref<96x128xf32, #tpu.memory_space<vmem>>) offsets(%dma_start3A_167 : memref<96xi32, #tpu.memory_space<vmem>>) semaphore(%arg22 : memref<!tpu.dma_semaphore, #tpu.memory_space<semaphore_mem>>)
      %mul3A_171 = arith.constant 96 : i32
      %mul3A_172 = arith.muli %add3A_164, %mul3A_171 : i32
      %add3A_173 = arith.addi %mul3A_2, %mul3A_172 : i32
      %dma_start3A_174 = tpu.memref_slice %arg4[%add3A_173] : memref<320000xi32, #tpu.memory_space<hbm>> -> memref<96xi32, #tpu.memory_space<hbm>>
      %dma_start3A_175 = tpu.memref_slice %arg4[%add3A_173] : memref<320000xi32, #tpu.memory_space<hbm>> -> memref<96xi32, #tpu.memory_space<hbm>>
      tpu.enqueue_dma source(%dma_start3A_175 : memref<96xi32, #tpu.memory_space<hbm>>) target(%arg10 : memref<96xi32, #tpu.memory_space<vmem>>) target_semaphore(%arg22 : memref<!tpu.dma_semaphore, #tpu.memory_space<semaphore_mem>>)
      %mul3A_176 = arith.constant 96 : i32
      %mul3A_177 = arith.muli %add3A_164, %mul3A_176 : i32
      %add3A_178 = arith.addi %mul3A_2, %mul3A_177 : i32
      %dma_start3A_179 = tpu.memref_slice %arg5[%add3A_178] : memref<320000xf32, #tpu.memory_space<hbm>> -> memref<96xf32, #tpu.memory_space<hbm>>
      %dma_start3A_180 = tpu.memref_slice %arg5[%add3A_178] : memref<320000xf32, #tpu.memory_space<hbm>> -> memref<96xf32, #tpu.memory_space<hbm>>
      tpu.enqueue_dma source(%dma_start3A_180 : memref<96xf32, #tpu.memory_space<hbm>>) target(%arg13 : memref<96xf32, #tpu.memory_space<vmem>>) target_semaphore(%arg22 : memref<!tpu.dma_semaphore, #tpu.memory_space<semaphore_mem>>)
      %dma_wait3A_181 = arith.constant 0 : i32
      %dma_wait3A_182 = tpu.memref_slice %arg7[%dma_wait3A_181] : memref<10000xi32, #tpu.memory_space<vmem>> -> memref<96xi32, #tpu.memory_space<vmem>>
      %dma_wait3A_183 = arith.constant 0 : i32
      %dma_wait3A_184 = arith.constant 0 : i32
      %dma_wait3A_185 = tpu.memref_slice %arg2[%dma_wait3A_183, %dma_wait3A_184] : memref<10000x128xf32, #tpu.memory_space<hbm>> -> memref<10000x128xf32, #tpu.memory_space<hbm>>
      tpu.wait_indirect_dma semaphore(%arg21 : memref<!tpu.dma_semaphore, #tpu.memory_space<semaphore_mem>>) src(%dma_wait3A_185 : memref<10000x128xf32, #tpu.memory_space<hbm>>) dst(%arg17 : memref<96x128xf32, #tpu.memory_space<vmem>>)
      %dma_wait3A_186 = arith.constant 0 : i32
      %dma_wait3A_187 = tpu.memref_slice %arg4[%dma_wait3A_186] : memref<320000xi32, #tpu.memory_space<hbm>> -> memref<96xi32, #tpu.memory_space<hbm>>
      %dma_wait3A_188 = arith.constant 0 : i32
      %dma_wait3A_189 = tpu.memref_slice %arg4[%dma_wait3A_188] : memref<320000xi32, #tpu.memory_space<hbm>> -> memref<96xi32, #tpu.memory_space<hbm>>
      tpu.wait_dma2 semaphore(%arg21 : memref<!tpu.dma_semaphore, #tpu.memory_space<semaphore_mem>>) src(%dma_wait3A_189 : memref<96xi32, #tpu.memory_space<hbm>>) dst(%arg9 : memref<96xi32, #tpu.memory_space<vmem>>)
      %dma_wait3A_190 = arith.constant 0 : i32
      %dma_wait3A_191 = tpu.memref_slice %arg5[%dma_wait3A_190] : memref<320000xf32, #tpu.memory_space<hbm>> -> memref<96xf32, #tpu.memory_space<hbm>>
      %dma_wait3A_192 = arith.constant 0 : i32
      %dma_wait3A_193 = tpu.memref_slice %arg5[%dma_wait3A_192] : memref<320000xf32, #tpu.memory_space<hbm>> -> memref<96xf32, #tpu.memory_space<hbm>>
      tpu.wait_dma2 semaphore(%arg21 : memref<!tpu.dma_semaphore, #tpu.memory_space<semaphore_mem>>) src(%dma_wait3A_193 : memref<96xf32, #tpu.memory_space<hbm>>) dst(%arg12 : memref<96xf32, #tpu.memory_space<vmem>>)
      %parallel_loop3A_194 = arith.constant 0 : i32
      %parallel_loop3A_195 = arith.constant 96 : i32
      %parallel_loop3A_196 = arith.constant 2 : i32
      scf.for %parallel_loop3A_269 = %parallel_loop3A_194 to %parallel_loop3A_195 step %parallel_loop3A_196  : i32 {
        %parallel_loop3A_270 = arith.constant 0 : i32
        %parallel_loop3A_271 = arith.addi %parallel_loop3A_269, %parallel_loop3A_270 : i32
        %parallel_loop3A_272 = vector.broadcast %parallel_loop3A_271 : i32 to vector<16xi32>
        %parallel_loop3A_273 = tpu.vector_load_idx %arg12[%parallel_loop3A_272] : memref<96xf32, #tpu.memory_space<vmem>>[vector<16xi32>], vector<16xf32>,
        %parallel_loop3A_274 = arith.index_cast %parallel_loop3A_271 : i32 to index
        %parallel_loop3A_275 = arith.constant 0 : index
        %parallel_loop3A_276 = tpu.vector_load %arg17[%parallel_loop3A_274, %parallel_loop3A_275] {strides = array<i32>} : memref<96x128xf32, #tpu.memory_space<vmem>>, vector<16xf32>,
        %parallel_loop3A_277 = arith.mulf %parallel_loop3A_276, %parallel_loop3A_273 : vector<16xf32>
        %parallel_loop3A_278 = arith.index_cast %parallel_loop3A_271 : i32 to index
        %parallel_loop3A_279 = arith.constant 0 : index
        %parallel_loop3A_280 = tpu.vector_load %arg17[%parallel_loop3A_278, %parallel_loop3A_279] {strides = array<i32>} : memref<96x128xf32, #tpu.memory_space<vmem>>, vector<16xf32>,
        tpu.vector_store %arg17[%parallel_loop3A_278, %parallel_loop3A_279], %parallel_loop3A_277 {strides = array<i32>} : memref<96x128xf32, #tpu.memory_space<vmem>>, vector<16xf32>,
        %parallel_loop3A_281 = arith.index_cast %parallel_loop3A_271 : i32 to index
        %parallel_loop3A_282 = arith.constant 16 : index
        %parallel_loop3A_283 = tpu.vector_load %arg17[%parallel_loop3A_281, %parallel_loop3A_282] {strides = array<i32>} : memref<96x128xf32, #tpu.memory_space<vmem>>, vector<16xf32>,
        %parallel_loop3A_284 = arith.mulf %parallel_loop3A_283, %parallel_loop3A_273 : vector<16xf32>
        %parallel_loop3A_285 = arith.index_cast %parallel_loop3A_271 : i32 to index
        %parallel_loop3A_286 = arith.constant 16 : index
        %parallel_loop3A_287 = tpu.vector_load %arg17[%parallel_loop3A_285, %parallel_loop3A_286] {strides = array<i32>} : memref<96x128xf32, #tpu.memory_space<vmem>>, vector<16xf32>,
        tpu.vector_store %arg17[%parallel_loop3A_285, %parallel_loop3A_286], %parallel_loop3A_284 {strides = array<i32>} : memref<96x128xf32, #tpu.memory_space<vmem>>, vector<16xf32>,
        %parallel_loop3A_288 = arith.index_cast %parallel_loop3A_271 : i32 to index
        %parallel_loop3A_289 = arith.constant 32 : index
        %parallel_loop3A_290 = tpu.vector_load %arg17[%parallel_loop3A_288, %parallel_loop3A_289] {strides = array<i32>} : memref<96x128xf32, #tpu.memory_space<vmem>>, vector<16xf32>,
        %parallel_loop3A_291 = arith.mulf %parallel_loop3A_290, %parallel_loop3A_273 : vector<16xf32>
        %parallel_loop3A_292 = arith.index_cast %parallel_loop3A_271 : i32 to index
        %parallel_loop3A_293 = arith.constant 32 : index
        %parallel_loop3A_294 = tpu.vector_load %arg17[%parallel_loop3A_292, %parallel_loop3A_293] {strides = array<i32>} : memref<96x128xf32, #tpu.memory_space<vmem>>, vector<16xf32>,
        tpu.vector_store %arg17[%parallel_loop3A_292, %parallel_loop3A_293], %parallel_loop3A_291 {strides = array<i32>} : memref<96x128xf32, #tpu.memory_space<vmem>>, vector<16xf32>,
        %parallel_loop3A_295 = arith.index_cast %parallel_loop3A_271 : i32 to index
        %parallel_loop3A_296 = arith.constant 48 : index
        %parallel_loop3A_297 = tpu.vector_load %arg17[%parallel_loop3A_295, %parallel_loop3A_296] {strides = array<i32>} : memref<96x128xf32, #tpu.memory_space<vmem>>, vector<16xf32>,
        %parallel_loop3A_298 = arith.mulf %parallel_loop3A_297, %parallel_loop3A_273 : vector<16xf32>
        %parallel_loop3A_299 = arith.index_cast %parallel_loop3A_271 : i32 to index
        %parallel_loop3A_300 = arith.constant 48 : index
        %parallel_loop3A_301 = tpu.vector_load %arg17[%parallel_loop3A_299, %parallel_loop3A_300] {strides = array<i32>} : memref<96x128xf32, #tpu.memory_space<vmem>>, vector<16xf32>,
        tpu.vector_store %arg17[%parallel_loop3A_299, %parallel_loop3A_300], %parallel_loop3A_298 {strides = array<i32>} : memref<96x128xf32, #tpu.memory_space<vmem>>, vector<16xf32>,
        %parallel_loop3A_302 = arith.index_cast %parallel_loop3A_271 : i32 to index
        %parallel_loop3A_303 = arith.constant 64 : index
        %parallel_loop3A_304 = tpu.vector_load %arg17[%parallel_loop3A_302, %parallel_loop3A_303] {strides = array<i32>} : memref<96x128xf32, #tpu.memory_space<vmem>>, vector<16xf32>,
        %parallel_loop3A_305 = arith.mulf %parallel_loop3A_304, %parallel_loop3A_273 : vector<16xf32>
        %parallel_loop3A_306 = arith.index_cast %parallel_loop3A_271 : i32 to index
        %parallel_loop3A_307 = arith.constant 64 : index
        %parallel_loop3A_308 = tpu.vector_load %arg17[%parallel_loop3A_306, %parallel_loop3A_307] {strides = array<i32>} : memref<96x128xf32, #tpu.memory_space<vmem>>, vector<16xf32>,
        tpu.vector_store %arg17[%parallel_loop3A_306, %parallel_loop3A_307], %parallel_loop3A_305 {strides = array<i32>} : memref<96x128xf32, #tpu.memory_space<vmem>>, vector<16xf32>,
        %parallel_loop3A_309 = arith.index_cast %parallel_loop3A_271 : i32 to index
        %parallel_loop3A_310 = arith.constant 80 : index
        %parallel_loop3A_311 = tpu.vector_load %arg17[%parallel_loop3A_309, %parallel_loop3A_310] {strides = array<i32>} : memref<96x128xf32, #tpu.memory_space<vmem>>, vector<16xf32>,
        %parallel_loop3A_312 = arith.mulf %parallel_loop3A_311, %parallel_loop3A_273 : vector<16xf32>
        %parallel_loop3A_313 = arith.index_cast %parallel_loop3A_271 : i32 to index
        %parallel_loop3A_314 = arith.constant 80 : index
        %parallel_loop3A_315 = tpu.vector_load %arg17[%parallel_loop3A_313, %parallel_loop3A_314] {strides = array<i32>} : memref<96x128xf32, #tpu.memory_space<vmem>>, vector<16xf32>,
        tpu.vector_store %arg17[%parallel_loop3A_313, %parallel_loop3A_314], %parallel_loop3A_312 {strides = array<i32>} : memref<96x128xf32, #tpu.memory_space<vmem>>, vector<16xf32>,
        %parallel_loop3A_316 = arith.index_cast %parallel_loop3A_271 : i32 to index
        %parallel_loop3A_317 = arith.constant 96 : index
        %parallel_loop3A_318 = tpu.vector_load %arg17[%parallel_loop3A_316, %parallel_loop3A_317] {strides = array<i32>} : memref<96x128xf32, #tpu.memory_space<vmem>>, vector<16xf32>,
        %parallel_loop3A_319 = arith.mulf %parallel_loop3A_318, %parallel_loop3A_273 : vector<16xf32>
        %parallel_loop3A_320 = arith.index_cast %parallel_loop3A_271 : i32 to index
        %parallel_loop3A_321 = arith.constant 96 : index
        %parallel_loop3A_322 = tpu.vector_load %arg17[%parallel_loop3A_320, %parallel_loop3A_321] {strides = array<i32>} : memref<96x128xf32, #tpu.memory_space<vmem>>, vector<16xf32>,
        tpu.vector_store %arg17[%parallel_loop3A_320, %parallel_loop3A_321], %parallel_loop3A_319 {strides = array<i32>} : memref<96x128xf32, #tpu.memory_space<vmem>>, vector<16xf32>,
        %parallel_loop3A_323 = arith.index_cast %parallel_loop3A_271 : i32 to index
        %parallel_loop3A_324 = arith.constant 112 : index
        %parallel_loop3A_325 = tpu.vector_load %arg17[%parallel_loop3A_323, %parallel_loop3A_324] {strides = array<i32>} : memref<96x128xf32, #tpu.memory_space<vmem>>, vector<16xf32>,
        %parallel_loop3A_326 = arith.mulf %parallel_loop3A_325, %parallel_loop3A_273 : vector<16xf32>
        %parallel_loop3A_327 = arith.index_cast %parallel_loop3A_271 : i32 to index
        %parallel_loop3A_328 = arith.constant 112 : index
        %parallel_loop3A_329 = tpu.vector_load %arg17[%parallel_loop3A_327, %parallel_loop3A_328] {strides = array<i32>} : memref<96x128xf32, #tpu.memory_space<vmem>>, vector<16xf32>,
        tpu.vector_store %arg17[%parallel_loop3A_327, %parallel_loop3A_328], %parallel_loop3A_326 {strides = array<i32>} : memref<96x128xf32, #tpu.memory_space<vmem>>, vector<16xf32>,
        %parallel_loop3A_330 = arith.constant 1 : i32
        %parallel_loop3A_331 = arith.addi %parallel_loop3A_269, %parallel_loop3A_330 : i32
        %parallel_loop3A_332 = vector.broadcast %parallel_loop3A_331 : i32 to vector<16xi32>
        %parallel_loop3A_333 = tpu.vector_load_idx %arg12[%parallel_loop3A_332] : memref<96xf32, #tpu.memory_space<vmem>>[vector<16xi32>], vector<16xf32>,
        %parallel_loop3A_334 = arith.index_cast %parallel_loop3A_331 : i32 to index
        %parallel_loop3A_335 = arith.constant 0 : index
        %parallel_loop3A_336 = tpu.vector_load %arg17[%parallel_loop3A_334, %parallel_loop3A_335] {strides = array<i32>} : memref<96x128xf32, #tpu.memory_space<vmem>>, vector<16xf32>,
        %parallel_loop3A_337 = arith.mulf %parallel_loop3A_336, %parallel_loop3A_333 : vector<16xf32>
        %parallel_loop3A_338 = arith.index_cast %parallel_loop3A_331 : i32 to index
        %parallel_loop3A_339 = arith.constant 0 : index
        %parallel_loop3A_340 = tpu.vector_load %arg17[%parallel_loop3A_338, %parallel_loop3A_339] {strides = array<i32>} : memref<96x128xf32, #tpu.memory_space<vmem>>, vector<16xf32>,
        tpu.vector_store %arg17[%parallel_loop3A_338, %parallel_loop3A_339], %parallel_loop3A_337 {strides = array<i32>} : memref<96x128xf32, #tpu.memory_space<vmem>>, vector<16xf32>,
        %parallel_loop3A_341 = arith.index_cast %parallel_loop3A_331 : i32 to index
        %parallel_loop3A_342 = arith.constant 16 : index
        %parallel_loop3A_343 = tpu.vector_load %arg17[%parallel_loop3A_341, %parallel_loop3A_342] {strides = array<i32>} : memref<96x128xf32, #tpu.memory_space<vmem>>, vector<16xf32>,
        %parallel_loop3A_344 = arith.mulf %parallel_loop3A_343, %parallel_loop3A_333 : vector<16xf32>
        %parallel_loop3A_345 = arith.index_cast %parallel_loop3A_331 : i32 to index
        %parallel_loop3A_346 = arith.constant 16 : index
        %parallel_loop3A_347 = tpu.vector_load %arg17[%parallel_loop3A_345, %parallel_loop3A_346] {strides = array<i32>} : memref<96x128xf32, #tpu.memory_space<vmem>>, vector<16xf32>,
        tpu.vector_store %arg17[%parallel_loop3A_345, %parallel_loop3A_346], %parallel_loop3A_344 {strides = array<i32>} : memref<96x128xf32, #tpu.memory_space<vmem>>, vector<16xf32>,
        %parallel_loop3A_348 = arith.index_cast %parallel_loop3A_331 : i32 to index
        %parallel_loop3A_349 = arith.constant 32 : index
        %parallel_loop3A_350 = tpu.vector_load %arg17[%parallel_loop3A_348, %parallel_loop3A_349] {strides = array<i32>} : memref<96x128xf32, #tpu.memory_space<vmem>>, vector<16xf32>,
        %parallel_loop3A_351 = arith.mulf %parallel_loop3A_350, %parallel_loop3A_333 : vector<16xf32>
        %parallel_loop3A_352 = arith.index_cast %parallel_loop3A_331 : i32 to index
        %parallel_loop3A_353 = arith.constant 32 : index
        %parallel_loop3A_354 = tpu.vector_load %arg17[%parallel_loop3A_352, %parallel_loop3A_353] {strides = array<i32>} : memref<96x128xf32, #tpu.memory_space<vmem>>, vector<16xf32>,
        tpu.vector_store %arg17[%parallel_loop3A_352, %parallel_loop3A_353], %parallel_loop3A_351 {strides = array<i32>} : memref<96x128xf32, #tpu.memory_space<vmem>>, vector<16xf32>,
        %parallel_loop3A_355 = arith.index_cast %parallel_loop3A_331 : i32 to index
        %parallel_loop3A_356 = arith.constant 48 : index
        %parallel_loop3A_357 = tpu.vector_load %arg17[%parallel_loop3A_355, %parallel_loop3A_356] {strides = array<i32>} : memref<96x128xf32, #tpu.memory_space<vmem>>, vector<16xf32>,
        %parallel_loop3A_358 = arith.mulf %parallel_loop3A_357, %parallel_loop3A_333 : vector<16xf32>
        %parallel_loop3A_359 = arith.index_cast %parallel_loop3A_331 : i32 to index
        %parallel_loop3A_360 = arith.constant 48 : index
        %parallel_loop3A_361 = tpu.vector_load %arg17[%parallel_loop3A_359, %parallel_loop3A_360] {strides = array<i32>} : memref<96x128xf32, #tpu.memory_space<vmem>>, vector<16xf32>,
        tpu.vector_store %arg17[%parallel_loop3A_359, %parallel_loop3A_360], %parallel_loop3A_358 {strides = array<i32>} : memref<96x128xf32, #tpu.memory_space<vmem>>, vector<16xf32>,
        %parallel_loop3A_362 = arith.index_cast %parallel_loop3A_331 : i32 to index
        %parallel_loop3A_363 = arith.constant 64 : index
        %parallel_loop3A_364 = tpu.vector_load %arg17[%parallel_loop3A_362, %parallel_loop3A_363] {strides = array<i32>} : memref<96x128xf32, #tpu.memory_space<vmem>>, vector<16xf32>,
        %parallel_loop3A_365 = arith.mulf %parallel_loop3A_364, %parallel_loop3A_333 : vector<16xf32>
        %parallel_loop3A_366 = arith.index_cast %parallel_loop3A_331 : i32 to index
        %parallel_loop3A_367 = arith.constant 64 : index
        %parallel_loop3A_368 = tpu.vector_load %arg17[%parallel_loop3A_366, %parallel_loop3A_367] {strides = array<i32>} : memref<96x128xf32, #tpu.memory_space<vmem>>, vector<16xf32>,
        tpu.vector_store %arg17[%parallel_loop3A_366, %parallel_loop3A_367], %parallel_loop3A_365 {strides = array<i32>} : memref<96x128xf32, #tpu.memory_space<vmem>>, vector<16xf32>,
        %parallel_loop3A_369 = arith.index_cast %parallel_loop3A_331 : i32 to index
        %parallel_loop3A_370 = arith.constant 80 : index
        %parallel_loop3A_371 = tpu.vector_load %arg17[%parallel_loop3A_369, %parallel_loop3A_370] {strides = array<i32>} : memref<96x128xf32, #tpu.memory_space<vmem>>, vector<16xf32>,
        %parallel_loop3A_372 = arith.mulf %parallel_loop3A_371, %parallel_loop3A_333 : vector<16xf32>
        %parallel_loop3A_373 = arith.index_cast %parallel_loop3A_331 : i32 to index
        %parallel_loop3A_374 = arith.constant 80 : index
        %parallel_loop3A_375 = tpu.vector_load %arg17[%parallel_loop3A_373, %parallel_loop3A_374] {strides = array<i32>} : memref<96x128xf32, #tpu.memory_space<vmem>>, vector<16xf32>,
        tpu.vector_store %arg17[%parallel_loop3A_373, %parallel_loop3A_374], %parallel_loop3A_372 {strides = array<i32>} : memref<96x128xf32, #tpu.memory_space<vmem>>, vector<16xf32>,
        %parallel_loop3A_376 = arith.index_cast %parallel_loop3A_331 : i32 to index
        %parallel_loop3A_377 = arith.constant 96 : index
        %parallel_loop3A_378 = tpu.vector_load %arg17[%parallel_loop3A_376, %parallel_loop3A_377] {strides = array<i32>} : memref<96x128xf32, #tpu.memory_space<vmem>>, vector<16xf32>,
        %parallel_loop3A_379 = arith.mulf %parallel_loop3A_378, %parallel_loop3A_333 : vector<16xf32>
        %parallel_loop3A_380 = arith.index_cast %parallel_loop3A_331 : i32 to index
        %parallel_loop3A_381 = arith.constant 96 : index
        %parallel_loop3A_382 = tpu.vector_load %arg17[%parallel_loop3A_380, %parallel_loop3A_381] {strides = array<i32>} : memref<96x128xf32, #tpu.memory_space<vmem>>, vector<16xf32>,
        tpu.vector_store %arg17[%parallel_loop3A_380, %parallel_loop3A_381], %parallel_loop3A_379 {strides = array<i32>} : memref<96x128xf32, #tpu.memory_space<vmem>>, vector<16xf32>,
        %parallel_loop3A_383 = arith.index_cast %parallel_loop3A_331 : i32 to index
        %parallel_loop3A_384 = arith.constant 112 : index
        %parallel_loop3A_385 = tpu.vector_load %arg17[%parallel_loop3A_383, %parallel_loop3A_384] {strides = array<i32>} : memref<96x128xf32, #tpu.memory_space<vmem>>, vector<16xf32>,
        %parallel_loop3A_386 = arith.mulf %parallel_loop3A_385, %parallel_loop3A_333 : vector<16xf32>
        %parallel_loop3A_387 = arith.index_cast %parallel_loop3A_331 : i32 to index
        %parallel_loop3A_388 = arith.constant 112 : index
        %parallel_loop3A_389 = tpu.vector_load %arg17[%parallel_loop3A_387, %parallel_loop3A_388] {strides = array<i32>} : memref<96x128xf32, #tpu.memory_space<vmem>>, vector<16xf32>,
        tpu.vector_store %arg17[%parallel_loop3A_387, %parallel_loop3A_388], %parallel_loop3A_386 {strides = array<i32>} : memref<96x128xf32, #tpu.memory_space<vmem>>, vector<16xf32>,
      } {sc.loop_unroll_factor = 1 : i64, sc.parallel_access}
      %dma_start3A_197 = arith.constant 0 : i32
      %dma_start3A_198 = arith.constant 0 : i32
      %dma_start3A_199 = tpu.memref_slice %arg19[%dma_start3A_197, %dma_start3A_198] : memref<10240x128xf32, #tpu.memory_space<vmem_shared>> -> memref<10240x128xf32, #tpu.memory_space<vmem_shared>>
      tpu.enqueue_indirect_dma source(%arg17 : memref<96x128xf32, #tpu.memory_space<vmem>>) target(%dma_start3A_199 : memref<10240x128xf32, #tpu.memory_space<vmem_shared>>) offsets(%arg9 : memref<96xi32, #tpu.memory_space<vmem>>) semaphore(%arg24 : memref<!tpu.dma_semaphore, #tpu.memory_space<semaphore_mem>>) {add = true}
      %dma_wait3A_200 = arith.constant 0 : i32
      %dma_wait3A_201 = arith.constant 0 : i32
      %dma_wait3A_202 = tpu.memref_slice %arg19[%dma_wait3A_200, %dma_wait3A_201] : memref<10240x128xf32, #tpu.memory_space<vmem_shared>> -> memref<10240x128xf32, #tpu.memory_space<vmem_shared>>
      tpu.wait_indirect_dma semaphore(%arg23 : memref<!tpu.dma_semaphore, #tpu.memory_space<semaphore_mem>>) src(%arg16 : memref<96x128xf32, #tpu.memory_space<vmem>>) dst(%dma_wait3A_202 : memref<10240x128xf32, #tpu.memory_space<vmem_shared>>)
      %mul3A_203 = arith.constant 3 : i32
      %mul3A_204 = arith.muli %mul3A_203, %scan3A_137 : i32
      %add3A_205 = arith.constant 1 : i32
      %add3A_206 = arith.addi %mul3A_204, %add3A_205 : i32
      %add3A_207 = arith.constant 2 : i32
      %add3A_208 = arith.addi %add3A_206, %add3A_207 : i32
      %mul3A_209 = arith.constant 96 : i32
      %mul3A_210 = arith.muli %add3A_208, %mul3A_209 : i32
      %dma_start3A_211 = tpu.memref_slice %arg7[%mul3A_210] : memref<10000xi32, #tpu.memory_space<vmem>> -> memref<96xi32, #tpu.memory_space<vmem>>
      %dma_start3A_212 = arith.constant 0 : i32
      %dma_start3A_213 = arith.constant 0 : i32
      %dma_start3A_214 = tpu.memref_slice %arg2[%dma_start3A_212, %dma_start3A_213] : memref<10000x128xf32, #tpu.memory_space<hbm>> -> memref<10000x128xf32, #tpu.memory_space<hbm>>
      tpu.enqueue_indirect_dma source(%dma_start3A_214 : memref<10000x128xf32, #tpu.memory_space<hbm>>) target(%arg16 : memref<96x128xf32, #tpu.memory_space<vmem>>) offsets(%dma_start3A_211 : memref<96xi32, #tpu.memory_space<vmem>>) semaphore(%arg20 : memref<!tpu.dma_semaphore, #tpu.memory_space<semaphore_mem>>)
      %mul3A_215 = arith.constant 96 : i32
      %mul3A_216 = arith.muli %add3A_208, %mul3A_215 : i32
      %add3A_217 = arith.addi %mul3A_2, %mul3A_216 : i32
      %dma_start3A_218 = tpu.memref_slice %arg4[%add3A_217] : memref<320000xi32, #tpu.memory_space<hbm>> -> memref<96xi32, #tpu.memory_space<hbm>>
      %dma_start3A_219 = tpu.memref_slice %arg4[%add3A_217] : memref<320000xi32, #tpu.memory_space<hbm>> -> memref<96xi32, #tpu.memory_space<hbm>>
      tpu.enqueue_dma source(%dma_start3A_219 : memref<96xi32, #tpu.memory_space<hbm>>) target(%arg8 : memref<96xi32, #tpu.memory_space<vmem>>) target_semaphore(%arg20 : memref<!tpu.dma_semaphore, #tpu.memory_space<semaphore_mem>>)
      %mul3A_220 = arith.constant 96 : i32
      %mul3A_221 = arith.muli %add3A_208, %mul3A_220 : i32
      %add3A_222 = arith.addi %mul3A_2, %mul3A_221 : i32
      %dma_start3A_223 = tpu.memref_slice %arg5[%add3A_222] : memref<320000xf32, #tpu.memory_space<hbm>> -> memref<96xf32, #tpu.memory_space<hbm>>
      %dma_start3A_224 = tpu.memref_slice %arg5[%add3A_222] : memref<320000xf32, #tpu.memory_space<hbm>> -> memref<96xf32, #tpu.memory_space<hbm>>
      tpu.enqueue_dma source(%dma_start3A_224 : memref<96xf32, #tpu.memory_space<hbm>>) target(%arg11 : memref<96xf32, #tpu.memory_space<vmem>>) target_semaphore(%arg20 : memref<!tpu.dma_semaphore, #tpu.memory_space<semaphore_mem>>)
      %dma_wait3A_225 = arith.constant 0 : i32
      %dma_wait3A_226 = tpu.memref_slice %arg7[%dma_wait3A_225] : memref<10000xi32, #tpu.memory_space<vmem>> -> memref<96xi32, #tpu.memory_space<vmem>>
      %dma_wait3A_227 = arith.constant 0 : i32
      %dma_wait3A_228 = arith.constant 0 : i32
      %dma_wait3A_229 = tpu.memref_slice %arg2[%dma_wait3A_227, %dma_wait3A_228] : memref<10000x128xf32, #tpu.memory_space<hbm>> -> memref<10000x128xf32, #tpu.memory_space<hbm>>
      tpu.wait_indirect_dma semaphore(%arg22 : memref<!tpu.dma_semaphore, #tpu.memory_space<semaphore_mem>>) src(%dma_wait3A_229 : memref<10000x128xf32, #tpu.memory_space<hbm>>) dst(%arg18 : memref<96x128xf32, #tpu.memory_space<vmem>>)
      %dma_wait3A_230 = arith.constant 0 : i32
      %dma_wait3A_231 = tpu.memref_slice %arg4[%dma_wait3A_230] : memref<320000xi32, #tpu.memory_space<hbm>> -> memref<96xi32, #tpu.memory_space<hbm>>
      %dma_wait3A_232 = arith.constant 0 : i32
      %dma_wait3A_233 = tpu.memref_slice %arg4[%dma_wait3A_232] : memref<320000xi32, #tpu.memory_space<hbm>> -> memref<96xi32, #tpu.memory_space<hbm>>
      tpu.wait_dma2 semaphore(%arg22 : memref<!tpu.dma_semaphore, #tpu.memory_space<semaphore_mem>>) src(%dma_wait3A_233 : memref<96xi32, #tpu.memory_space<hbm>>) dst(%arg10 : memref<96xi32, #tpu.memory_space<vmem>>)
      %dma_wait3A_234 = arith.constant 0 : i32
      %dma_wait3A_235 = tpu.memref_slice %arg5[%dma_wait3A_234] : memref<320000xf32, #tpu.memory_space<hbm>> -> memref<96xf32, #tpu.memory_space<hbm>>
      %dma_wait3A_236 = arith.constant 0 : i32
      %dma_wait3A_237 = tpu.memref_slice %arg5[%dma_wait3A_236] : memref<320000xf32, #tpu.memory_space<hbm>> -> memref<96xf32, #tpu.memory_space<hbm>>
      tpu.wait_dma2 semaphore(%arg22 : memref<!tpu.dma_semaphore, #tpu.memory_space<semaphore_mem>>) src(%dma_wait3A_237 : memref<96xf32, #tpu.memory_space<hbm>>) dst(%arg13 : memref<96xf32, #tpu.memory_space<vmem>>)
      %parallel_loop3A_238 = arith.constant 0 : i32
      %parallel_loop3A_239 = arith.constant 96 : i32
      %parallel_loop3A_240 = arith.constant 2 : i32
      scf.for %parallel_loop3A_269 = %parallel_loop3A_238 to %parallel_loop3A_239 step %parallel_loop3A_240  : i32 {
        %parallel_loop3A_270 = arith.constant 0 : i32
        %parallel_loop3A_271 = arith.addi %parallel_loop3A_269, %parallel_loop3A_270 : i32
        %parallel_loop3A_272 = vector.broadcast %parallel_loop3A_271 : i32 to vector<16xi32>
        %parallel_loop3A_273 = tpu.vector_load_idx %arg13[%parallel_loop3A_272] : memref<96xf32, #tpu.memory_space<vmem>>[vector<16xi32>], vector<16xf32>,
        %parallel_loop3A_274 = arith.index_cast %parallel_loop3A_271 : i32 to index
        %parallel_loop3A_275 = arith.constant 0 : index
        %parallel_loop3A_276 = tpu.vector_load %arg18[%parallel_loop3A_274, %parallel_loop3A_275] {strides = array<i32>} : memref<96x128xf32, #tpu.memory_space<vmem>>, vector<16xf32>,
        %parallel_loop3A_277 = arith.mulf %parallel_loop3A_276, %parallel_loop3A_273 : vector<16xf32>
        %parallel_loop3A_278 = arith.index_cast %parallel_loop3A_271 : i32 to index
        %parallel_loop3A_279 = arith.constant 0 : index
        %parallel_loop3A_280 = tpu.vector_load %arg18[%parallel_loop3A_278, %parallel_loop3A_279] {strides = array<i32>} : memref<96x128xf32, #tpu.memory_space<vmem>>, vector<16xf32>,
        tpu.vector_store %arg18[%parallel_loop3A_278, %parallel_loop3A_279], %parallel_loop3A_277 {strides = array<i32>} : memref<96x128xf32, #tpu.memory_space<vmem>>, vector<16xf32>,
        %parallel_loop3A_281 = arith.index_cast %parallel_loop3A_271 : i32 to index
        %parallel_loop3A_282 = arith.constant 16 : index
        %parallel_loop3A_283 = tpu.vector_load %arg18[%parallel_loop3A_281, %parallel_loop3A_282] {strides = array<i32>} : memref<96x128xf32, #tpu.memory_space<vmem>>, vector<16xf32>,
        %parallel_loop3A_284 = arith.mulf %parallel_loop3A_283, %parallel_loop3A_273 : vector<16xf32>
        %parallel_loop3A_285 = arith.index_cast %parallel_loop3A_271 : i32 to index
        %parallel_loop3A_286 = arith.constant 16 : index
        %parallel_loop3A_287 = tpu.vector_load %arg18[%parallel_loop3A_285, %parallel_loop3A_286] {strides = array<i32>} : memref<96x128xf32, #tpu.memory_space<vmem>>, vector<16xf32>,
        tpu.vector_store %arg18[%parallel_loop3A_285, %parallel_loop3A_286], %parallel_loop3A_284 {strides = array<i32>} : memref<96x128xf32, #tpu.memory_space<vmem>>, vector<16xf32>,
        %parallel_loop3A_288 = arith.index_cast %parallel_loop3A_271 : i32 to index
        %parallel_loop3A_289 = arith.constant 32 : index
        %parallel_loop3A_290 = tpu.vector_load %arg18[%parallel_loop3A_288, %parallel_loop3A_289] {strides = array<i32>} : memref<96x128xf32, #tpu.memory_space<vmem>>, vector<16xf32>,
        %parallel_loop3A_291 = arith.mulf %parallel_loop3A_290, %parallel_loop3A_273 : vector<16xf32>
        %parallel_loop3A_292 = arith.index_cast %parallel_loop3A_271 : i32 to index
        %parallel_loop3A_293 = arith.constant 32 : index
        %parallel_loop3A_294 = tpu.vector_load %arg18[%parallel_loop3A_292, %parallel_loop3A_293] {strides = array<i32>} : memref<96x128xf32, #tpu.memory_space<vmem>>, vector<16xf32>,
        tpu.vector_store %arg18[%parallel_loop3A_292, %parallel_loop3A_293], %parallel_loop3A_291 {strides = array<i32>} : memref<96x128xf32, #tpu.memory_space<vmem>>, vector<16xf32>,
        %parallel_loop3A_295 = arith.index_cast %parallel_loop3A_271 : i32 to index
        %parallel_loop3A_296 = arith.constant 48 : index
        %parallel_loop3A_297 = tpu.vector_load %arg18[%parallel_loop3A_295, %parallel_loop3A_296] {strides = array<i32>} : memref<96x128xf32, #tpu.memory_space<vmem>>, vector<16xf32>,
        %parallel_loop3A_298 = arith.mulf %parallel_loop3A_297, %parallel_loop3A_273 : vector<16xf32>
        %parallel_loop3A_299 = arith.index_cast %parallel_loop3A_271 : i32 to index
        %parallel_loop3A_300 = arith.constant 48 : index
        %parallel_loop3A_301 = tpu.vector_load %arg18[%parallel_loop3A_299, %parallel_loop3A_300] {strides = array<i32>} : memref<96x128xf32, #tpu.memory_space<vmem>>, vector<16xf32>,
        tpu.vector_store %arg18[%parallel_loop3A_299, %parallel_loop3A_300], %parallel_loop3A_298 {strides = array<i32>} : memref<96x128xf32, #tpu.memory_space<vmem>>, vector<16xf32>,
        %parallel_loop3A_302 = arith.index_cast %parallel_loop3A_271 : i32 to index
        %parallel_loop3A_303 = arith.constant 64 : index
        %parallel_loop3A_304 = tpu.vector_load %arg18[%parallel_loop3A_302, %parallel_loop3A_303] {strides = array<i32>} : memref<96x128xf32, #tpu.memory_space<vmem>>, vector<16xf32>,
        %parallel_loop3A_305 = arith.mulf %parallel_loop3A_304, %parallel_loop3A_273 : vector<16xf32>
        %parallel_loop3A_306 = arith.index_cast %parallel_loop3A_271 : i32 to index
        %parallel_loop3A_307 = arith.constant 64 : index
        %parallel_loop3A_308 = tpu.vector_load %arg18[%parallel_loop3A_306, %parallel_loop3A_307] {strides = array<i32>} : memref<96x128xf32, #tpu.memory_space<vmem>>, vector<16xf32>,
        tpu.vector_store %arg18[%parallel_loop3A_306, %parallel_loop3A_307], %parallel_loop3A_305 {strides = array<i32>} : memref<96x128xf32, #tpu.memory_space<vmem>>, vector<16xf32>,
        %parallel_loop3A_309 = arith.index_cast %parallel_loop3A_271 : i32 to index
        %parallel_loop3A_310 = arith.constant 80 : index
        %parallel_loop3A_311 = tpu.vector_load %arg18[%parallel_loop3A_309, %parallel_loop3A_310] {strides = array<i32>} : memref<96x128xf32, #tpu.memory_space<vmem>>, vector<16xf32>,
        %parallel_loop3A_312 = arith.mulf %parallel_loop3A_311, %parallel_loop3A_273 : vector<16xf32>
        %parallel_loop3A_313 = arith.index_cast %parallel_loop3A_271 : i32 to index
        %parallel_loop3A_314 = arith.constant 80 : index
        %parallel_loop3A_315 = tpu.vector_load %arg18[%parallel_loop3A_313, %parallel_loop3A_314] {strides = array<i32>} : memref<96x128xf32, #tpu.memory_space<vmem>>, vector<16xf32>,
        tpu.vector_store %arg18[%parallel_loop3A_313, %parallel_loop3A_314], %parallel_loop3A_312 {strides = array<i32>} : memref<96x128xf32, #tpu.memory_space<vmem>>, vector<16xf32>,
        %parallel_loop3A_316 = arith.index_cast %parallel_loop3A_271 : i32 to index
        %parallel_loop3A_317 = arith.constant 96 : index
        %parallel_loop3A_318 = tpu.vector_load %arg18[%parallel_loop3A_316, %parallel_loop3A_317] {strides = array<i32>} : memref<96x128xf32, #tpu.memory_space<vmem>>, vector<16xf32>,
        %parallel_loop3A_319 = arith.mulf %parallel_loop3A_318, %parallel_loop3A_273 : vector<16xf32>
        %parallel_loop3A_320 = arith.index_cast %parallel_loop3A_271 : i32 to index
        %parallel_loop3A_321 = arith.constant 96 : index
        %parallel_loop3A_322 = tpu.vector_load %arg18[%parallel_loop3A_320, %parallel_loop3A_321] {strides = array<i32>} : memref<96x128xf32, #tpu.memory_space<vmem>>, vector<16xf32>,
        tpu.vector_store %arg18[%parallel_loop3A_320, %parallel_loop3A_321], %parallel_loop3A_319 {strides = array<i32>} : memref<96x128xf32, #tpu.memory_space<vmem>>, vector<16xf32>,
        %parallel_loop3A_323 = arith.index_cast %parallel_loop3A_271 : i32 to index
        %parallel_loop3A_324 = arith.constant 112 : index
        %parallel_loop3A_325 = tpu.vector_load %arg18[%parallel_loop3A_323, %parallel_loop3A_324] {strides = array<i32>} : memref<96x128xf32, #tpu.memory_space<vmem>>, vector<16xf32>,
        %parallel_loop3A_326 = arith.mulf %parallel_loop3A_325, %parallel_loop3A_273 : vector<16xf32>
        %parallel_loop3A_327 = arith.index_cast %parallel_loop3A_271 : i32 to index
        %parallel_loop3A_328 = arith.constant 112 : index
        %parallel_loop3A_329 = tpu.vector_load %arg18[%parallel_loop3A_327, %parallel_loop3A_328] {strides = array<i32>} : memref<96x128xf32, #tpu.memory_space<vmem>>, vector<16xf32>,
        tpu.vector_store %arg18[%parallel_loop3A_327, %parallel_loop3A_328], %parallel_loop3A_326 {strides = array<i32>} : memref<96x128xf32, #tpu.memory_space<vmem>>, vector<16xf32>,
        %parallel_loop3A_330 = arith.constant 1 : i32
        %parallel_loop3A_331 = arith.addi %parallel_loop3A_269, %parallel_loop3A_330 : i32
        %parallel_loop3A_332 = vector.broadcast %parallel_loop3A_331 : i32 to vector<16xi32>
        %parallel_loop3A_333 = tpu.vector_load_idx %arg13[%parallel_loop3A_332] : memref<96xf32, #tpu.memory_space<vmem>>[vector<16xi32>], vector<16xf32>,
        %parallel_loop3A_334 = arith.index_cast %parallel_loop3A_331 : i32 to index
        %parallel_loop3A_335 = arith.constant 0 : index
        %parallel_loop3A_336 = tpu.vector_load %arg18[%parallel_loop3A_334, %parallel_loop3A_335] {strides = array<i32>} : memref<96x128xf32, #tpu.memory_space<vmem>>, vector<16xf32>,
        %parallel_loop3A_337 = arith.mulf %parallel_loop3A_336, %parallel_loop3A_333 : vector<16xf32>
        %parallel_loop3A_338 = arith.index_cast %parallel_loop3A_331 : i32 to index
        %parallel_loop3A_339 = arith.constant 0 : index
        %parallel_loop3A_340 = tpu.vector_load %arg18[%parallel_loop3A_338, %parallel_loop3A_339] {strides = array<i32>} : memref<96x128xf32, #tpu.memory_space<vmem>>, vector<16xf32>,
        tpu.vector_store %arg18[%parallel_loop3A_338, %parallel_loop3A_339], %parallel_loop3A_337 {strides = array<i32>} : memref<96x128xf32, #tpu.memory_space<vmem>>, vector<16xf32>,
        %parallel_loop3A_341 = arith.index_cast %parallel_loop3A_331 : i32 to index
        %parallel_loop3A_342 = arith.constant 16 : index
        %parallel_loop3A_343 = tpu.vector_load %arg18[%parallel_loop3A_341, %parallel_loop3A_342] {strides = array<i32>} : memref<96x128xf32, #tpu.memory_space<vmem>>, vector<16xf32>,
        %parallel_loop3A_344 = arith.mulf %parallel_loop3A_343, %parallel_loop3A_333 : vector<16xf32>
        %parallel_loop3A_345 = arith.index_cast %parallel_loop3A_331 : i32 to index
        %parallel_loop3A_346 = arith.constant 16 : index
        %parallel_loop3A_347 = tpu.vector_load %arg18[%parallel_loop3A_345, %parallel_loop3A_346] {strides = array<i32>} : memref<96x128xf32, #tpu.memory_space<vmem>>, vector<16xf32>,
        tpu.vector_store %arg18[%parallel_loop3A_345, %parallel_loop3A_346], %parallel_loop3A_344 {strides = array<i32>} : memref<96x128xf32, #tpu.memory_space<vmem>>, vector<16xf32>,
        %parallel_loop3A_348 = arith.index_cast %parallel_loop3A_331 : i32 to index
        %parallel_loop3A_349 = arith.constant 32 : index
        %parallel_loop3A_350 = tpu.vector_load %arg18[%parallel_loop3A_348, %parallel_loop3A_349] {strides = array<i32>} : memref<96x128xf32, #tpu.memory_space<vmem>>, vector<16xf32>,
        %parallel_loop3A_351 = arith.mulf %parallel_loop3A_350, %parallel_loop3A_333 : vector<16xf32>
        %parallel_loop3A_352 = arith.index_cast %parallel_loop3A_331 : i32 to index
        %parallel_loop3A_353 = arith.constant 32 : index
        %parallel_loop3A_354 = tpu.vector_load %arg18[%parallel_loop3A_352, %parallel_loop3A_353] {strides = array<i32>} : memref<96x128xf32, #tpu.memory_space<vmem>>, vector<16xf32>,
        tpu.vector_store %arg18[%parallel_loop3A_352, %parallel_loop3A_353], %parallel_loop3A_351 {strides = array<i32>} : memref<96x128xf32, #tpu.memory_space<vmem>>, vector<16xf32>,
        %parallel_loop3A_355 = arith.index_cast %parallel_loop3A_331 : i32 to index
        %parallel_loop3A_356 = arith.constant 48 : index
        %parallel_loop3A_357 = tpu.vector_load %arg18[%parallel_loop3A_355, %parallel_loop3A_356] {strides = array<i32>} : memref<96x128xf32, #tpu.memory_space<vmem>>, vector<16xf32>,
        %parallel_loop3A_358 = arith.mulf %parallel_loop3A_357, %parallel_loop3A_333 : vector<16xf32>
        %parallel_loop3A_359 = arith.index_cast %parallel_loop3A_331 : i32 to index
        %parallel_loop3A_360 = arith.constant 48 : index
        %parallel_loop3A_361 = tpu.vector_load %arg18[%parallel_loop3A_359, %parallel_loop3A_360] {strides = array<i32>} : memref<96x128xf32, #tpu.memory_space<vmem>>, vector<16xf32>,
        tpu.vector_store %arg18[%parallel_loop3A_359, %parallel_loop3A_360], %parallel_loop3A_358 {strides = array<i32>} : memref<96x128xf32, #tpu.memory_space<vmem>>, vector<16xf32>,
        %parallel_loop3A_362 = arith.index_cast %parallel_loop3A_331 : i32 to index
        %parallel_loop3A_363 = arith.constant 64 : index
        %parallel_loop3A_364 = tpu.vector_load %arg18[%parallel_loop3A_362, %parallel_loop3A_363] {strides = array<i32>} : memref<96x128xf32, #tpu.memory_space<vmem>>, vector<16xf32>,
        %parallel_loop3A_365 = arith.mulf %parallel_loop3A_364, %parallel_loop3A_333 : vector<16xf32>
        %parallel_loop3A_366 = arith.index_cast %parallel_loop3A_331 : i32 to index
        %parallel_loop3A_367 = arith.constant 64 : index
        %parallel_loop3A_368 = tpu.vector_load %arg18[%parallel_loop3A_366, %parallel_loop3A_367] {strides = array<i32>} : memref<96x128xf32, #tpu.memory_space<vmem>>, vector<16xf32>,
        tpu.vector_store %arg18[%parallel_loop3A_366, %parallel_loop3A_367], %parallel_loop3A_365 {strides = array<i32>} : memref<96x128xf32, #tpu.memory_space<vmem>>, vector<16xf32>,
        %parallel_loop3A_369 = arith.index_cast %parallel_loop3A_331 : i32 to index
        %parallel_loop3A_370 = arith.constant 80 : index
        %parallel_loop3A_371 = tpu.vector_load %arg18[%parallel_loop3A_369, %parallel_loop3A_370] {strides = array<i32>} : memref<96x128xf32, #tpu.memory_space<vmem>>, vector<16xf32>,
        %parallel_loop3A_372 = arith.mulf %parallel_loop3A_371, %parallel_loop3A_333 : vector<16xf32>
        %parallel_loop3A_373 = arith.index_cast %parallel_loop3A_331 : i32 to index
        %parallel_loop3A_374 = arith.constant 80 : index
        %parallel_loop3A_375 = tpu.vector_load %arg18[%parallel_loop3A_373, %parallel_loop3A_374] {strides = array<i32>} : memref<96x128xf32, #tpu.memory_space<vmem>>, vector<16xf32>,
        tpu.vector_store %arg18[%parallel_loop3A_373, %parallel_loop3A_374], %parallel_loop3A_372 {strides = array<i32>} : memref<96x128xf32, #tpu.memory_space<vmem>>, vector<16xf32>,
        %parallel_loop3A_376 = arith.index_cast %parallel_loop3A_331 : i32 to index
        %parallel_loop3A_377 = arith.constant 96 : index
        %parallel_loop3A_378 = tpu.vector_load %arg18[%parallel_loop3A_376, %parallel_loop3A_377] {strides = array<i32>} : memref<96x128xf32, #tpu.memory_space<vmem>>, vector<16xf32>,
        %parallel_loop3A_379 = arith.mulf %parallel_loop3A_378, %parallel_loop3A_333 : vector<16xf32>
        %parallel_loop3A_380 = arith.index_cast %parallel_loop3A_331 : i32 to index
        %parallel_loop3A_381 = arith.constant 96 : index
        %parallel_loop3A_382 = tpu.vector_load %arg18[%parallel_loop3A_380, %parallel_loop3A_381] {strides = array<i32>} : memref<96x128xf32, #tpu.memory_space<vmem>>, vector<16xf32>,
        tpu.vector_store %arg18[%parallel_loop3A_380, %parallel_loop3A_381], %parallel_loop3A_379 {strides = array<i32>} : memref<96x128xf32, #tpu.memory_space<vmem>>, vector<16xf32>,
        %parallel_loop3A_383 = arith.index_cast %parallel_loop3A_331 : i32 to index
        %parallel_loop3A_384 = arith.constant 112 : index
        %parallel_loop3A_385 = tpu.vector_load %arg18[%parallel_loop3A_383, %parallel_loop3A_384] {strides = array<i32>} : memref<96x128xf32, #tpu.memory_space<vmem>>, vector<16xf32>,
        %parallel_loop3A_386 = arith.mulf %parallel_loop3A_385, %parallel_loop3A_333 : vector<16xf32>
        %parallel_loop3A_387 = arith.index_cast %parallel_loop3A_331 : i32 to index
        %parallel_loop3A_388 = arith.constant 112 : index
        %parallel_loop3A_389 = tpu.vector_load %arg18[%parallel_loop3A_387, %parallel_loop3A_388] {strides = array<i32>} : memref<96x128xf32, #tpu.memory_space<vmem>>, vector<16xf32>,
        tpu.vector_store %arg18[%parallel_loop3A_387, %parallel_loop3A_388], %parallel_loop3A_386 {strides = array<i32>} : memref<96x128xf32, #tpu.memory_space<vmem>>, vector<16xf32>,
      } {sc.loop_unroll_factor = 1 : i64, sc.parallel_access}
      %dma_start3A_241 = arith.constant 0 : i32
      %dma_start3A_242 = arith.constant 0 : i32
      %dma_start3A_243 = tpu.memref_slice %arg19[%dma_start3A_241, %dma_start3A_242] : memref<10240x128xf32, #tpu.memory_space<vmem_shared>> -> memref<10240x128xf32, #tpu.memory_space<vmem_shared>>
      tpu.enqueue_indirect_dma source(%arg18 : memref<96x128xf32, #tpu.memory_space<vmem>>) target(%dma_start3A_243 : memref<10240x128xf32, #tpu.memory_space<vmem_shared>>) offsets(%arg10 : memref<96xi32, #tpu.memory_space<vmem>>) semaphore(%arg25 : memref<!tpu.dma_semaphore, #tpu.memory_space<semaphore_mem>>) {add = true}
      %dma_wait3A_244 = arith.constant 0 : i32
      %dma_wait3A_245 = arith.constant 0 : i32
      %dma_wait3A_246 = tpu.memref_slice %arg19[%dma_wait3A_244, %dma_wait3A_245] : memref<10240x128xf32, #tpu.memory_space<vmem_shared>> -> memref<10240x128xf32, #tpu.memory_space<vmem_shared>>
      tpu.wait_indirect_dma semaphore(%arg24 : memref<!tpu.dma_semaphore, #tpu.memory_space<semaphore_mem>>) src(%arg17 : memref<96x128xf32, #tpu.memory_space<vmem>>) dst(%dma_wait3A_246 : memref<10240x128xf32, #tpu.memory_space<vmem_shared>>)
      %mul3A_247 = arith.constant 3 : i32
      %mul3A_248 = arith.muli %mul3A_247, %scan3A_137 : i32
      %add3A_249 = arith.constant 2 : i32
      %add3A_250 = arith.addi %mul3A_248, %add3A_249 : i32
      %add3A_251 = arith.constant 2 : i32
      %add3A_252 = arith.addi %add3A_250, %add3A_251 : i32
      %mul3A_253 = arith.constant 96 : i32
      %mul3A_254 = arith.muli %add3A_252, %mul3A_253 : i32
      %dma_start3A_255 = tpu.memref_slice %arg7[%mul3A_254] : memref<10000xi32, #tpu.memory_space<vmem>> -> memref<96xi32, #tpu.memory_space<vmem>>
      %dma_start3A_256 = arith.constant 0 : i32
      %dma_start3A_257 = arith.constant 0 : i32
      %dma_start3A_258 = tpu.memref_slice %arg2[%dma_start3A_256, %dma_start3A_257] : memref<10000x128xf32, #tpu.memory_space<hbm>> -> memref<10000x128xf32, #tpu.memory_space<hbm>>
      tpu.enqueue_indirect_dma source(%dma_start3A_258 : memref<10000x128xf32, #tpu.memory_space<hbm>>) target(%arg17 : memref<96x128xf32, #tpu.memory_space<vmem>>) offsets(%dma_start3A_255 : memref<96xi32, #tpu.memory_space<vmem>>) semaphore(%arg21 : memref<!tpu.dma_semaphore, #tpu.memory_space<semaphore_mem>>)
      %mul3A_259 = arith.constant 96 : i32
      %mul3A_260 = arith.muli %add3A_252, %mul3A_259 : i32
      %add3A_261 = arith.addi %mul3A_2, %mul3A_260 : i32
      %dma_start3A_262 = tpu.memref_slice %arg4[%add3A_261] : memref<320000xi32, #tpu.memory_space<hbm>> -> memref<96xi32, #tpu.memory_space<hbm>>
      %dma_start3A_263 = tpu.memref_slice %arg4[%add3A_261] : memref<320000xi32, #tpu.memory_space<hbm>> -> memref<96xi32, #tpu.memory_space<hbm>>
      tpu.enqueue_dma source(%dma_start3A_263 : memref<96xi32, #tpu.memory_space<hbm>>) target(%arg9 : memref<96xi32, #tpu.memory_space<vmem>>) target_semaphore(%arg21 : memref<!tpu.dma_semaphore, #tpu.memory_space<semaphore_mem>>)
      %mul3A_264 = arith.constant 96 : i32
      %mul3A_265 = arith.muli %add3A_252, %mul3A_264 : i32
      %add3A_266 = arith.addi %mul3A_2, %mul3A_265 : i32
      %dma_start3A_267 = tpu.memref_slice %arg5[%add3A_266] : memref<320000xf32, #tpu.memory_space<hbm>> -> memref<96xf32, #tpu.memory_space<hbm>>
      %dma_start3A_268 = tpu.memref_slice %arg5[%add3A_266] : memref<320000xf32, #tpu.memory_space<hbm>> -> memref<96xf32, #tpu.memory_space<hbm>>
      tpu.enqueue_dma source(%dma_start3A_268 : memref<96xf32, #tpu.memory_space<hbm>>) target(%arg12 : memref<96xf32, #tpu.memory_space<vmem>>) target_semaphore(%arg21 : memref<!tpu.dma_semaphore, #tpu.memory_space<semaphore_mem>>)
    }
    %scan3A_53 = arith.constant 34 : i32
    %dma_wait3A_54 = arith.constant 0 : i32
    %dma_wait3A_55 = tpu.memref_slice %arg7[%dma_wait3A_54] : memref<10000xi32, #tpu.memory_space<vmem>> -> memref<96xi32, #tpu.memory_space<vmem>>
    %dma_wait3A_56 = arith.constant 0 : i32
    %dma_wait3A_57 = arith.constant 0 : i32
    %dma_wait3A_58 = tpu.memref_slice %arg2[%dma_wait3A_56, %dma_wait3A_57] : memref<10000x128xf32, #tpu.memory_space<hbm>> -> memref<10000x128xf32, #tpu.memory_space<hbm>>
    tpu.wait_indirect_dma semaphore(%arg20 : memref<!tpu.dma_semaphore, #tpu.memory_space<semaphore_mem>>) src(%dma_wait3A_58 : memref<10000x128xf32, #tpu.memory_space<hbm>>) dst(%arg16 : memref<96x128xf32, #tpu.memory_space<vmem>>)
    %dma_wait3A_59 = arith.constant 0 : i32
    %dma_wait3A_60 = tpu.memref_slice %arg4[%dma_wait3A_59] : memref<320000xi32, #tpu.memory_space<hbm>> -> memref<96xi32, #tpu.memory_space<hbm>>
    %dma_wait3A_61 = arith.constant 0 : i32
    %dma_wait3A_62 = tpu.memref_slice %arg4[%dma_wait3A_61] : memref<320000xi32, #tpu.memory_space<hbm>> -> memref<96xi32, #tpu.memory_space<hbm>>
    tpu.wait_dma2 semaphore(%arg20 : memref<!tpu.dma_semaphore, #tpu.memory_space<semaphore_mem>>) src(%dma_wait3A_62 : memref<96xi32, #tpu.memory_space<hbm>>) dst(%arg8 : memref<96xi32, #tpu.memory_space<vmem>>)
    %dma_wait3A_63 = arith.constant 0 : i32
    %dma_wait3A_64 = tpu.memref_slice %arg5[%dma_wait3A_63] : memref<320000xf32, #tpu.memory_space<hbm>> -> memref<96xf32, #tpu.memory_space<hbm>>
    %dma_wait3A_65 = arith.constant 0 : i32
    %dma_wait3A_66 = tpu.memref_slice %arg5[%dma_wait3A_65] : memref<320000xf32, #tpu.memory_space<hbm>> -> memref<96xf32, #tpu.memory_space<hbm>>
    tpu.wait_dma2 semaphore(%arg20 : memref<!tpu.dma_semaphore, #tpu.memory_space<semaphore_mem>>) src(%dma_wait3A_66 : memref<96xf32, #tpu.memory_space<hbm>>) dst(%arg11 : memref<96xf32, #tpu.memory_space<vmem>>)
    %parallel_loop3A_67 = arith.constant 0 : i32
    %parallel_loop3A_68 = arith.constant 96 : i32
    %parallel_loop3A_69 = arith.constant 2 : i32
    scf.for %parallel_loop3A_137 = %parallel_loop3A_67 to %parallel_loop3A_68 step %parallel_loop3A_69  : i32 {
      %parallel_loop3A_138 = arith.constant 0 : i32
      %parallel_loop3A_139 = arith.addi %parallel_loop3A_137, %parallel_loop3A_138 : i32
      %parallel_loop3A_140 = vector.broadcast %parallel_loop3A_139 : i32 to vector<16xi32>
      %parallel_loop3A_141 = tpu.vector_load_idx %arg11[%parallel_loop3A_140] : memref<96xf32, #tpu.memory_space<vmem>>[vector<16xi32>], vector<16xf32>,
      %parallel_loop3A_142 = arith.index_cast %parallel_loop3A_139 : i32 to index
      %parallel_loop3A_143 = arith.constant 0 : index
      %parallel_loop3A_144 = tpu.vector_load %arg16[%parallel_loop3A_142, %parallel_loop3A_143] {strides = array<i32>} : memref<96x128xf32, #tpu.memory_space<vmem>>, vector<16xf32>,
      %parallel_loop3A_145 = arith.mulf %parallel_loop3A_144, %parallel_loop3A_141 : vector<16xf32>
      %parallel_loop3A_146 = arith.index_cast %parallel_loop3A_139 : i32 to index
      %parallel_loop3A_147 = arith.constant 0 : index
      %parallel_loop3A_148 = tpu.vector_load %arg16[%parallel_loop3A_146, %parallel_loop3A_147] {strides = array<i32>} : memref<96x128xf32, #tpu.memory_space<vmem>>, vector<16xf32>,
      tpu.vector_store %arg16[%parallel_loop3A_146, %parallel_loop3A_147], %parallel_loop3A_145 {strides = array<i32>} : memref<96x128xf32, #tpu.memory_space<vmem>>, vector<16xf32>,
      %parallel_loop3A_149 = arith.index_cast %parallel_loop3A_139 : i32 to index
      %parallel_loop3A_150 = arith.constant 16 : index
      %parallel_loop3A_151 = tpu.vector_load %arg16[%parallel_loop3A_149, %parallel_loop3A_150] {strides = array<i32>} : memref<96x128xf32, #tpu.memory_space<vmem>>, vector<16xf32>,
      %parallel_loop3A_152 = arith.mulf %parallel_loop3A_151, %parallel_loop3A_141 : vector<16xf32>
      %parallel_loop3A_153 = arith.index_cast %parallel_loop3A_139 : i32 to index
      %parallel_loop3A_154 = arith.constant 16 : index
      %parallel_loop3A_155 = tpu.vector_load %arg16[%parallel_loop3A_153, %parallel_loop3A_154] {strides = array<i32>} : memref<96x128xf32, #tpu.memory_space<vmem>>, vector<16xf32>,
      tpu.vector_store %arg16[%parallel_loop3A_153, %parallel_loop3A_154], %parallel_loop3A_152 {strides = array<i32>} : memref<96x128xf32, #tpu.memory_space<vmem>>, vector<16xf32>,
      %parallel_loop3A_156 = arith.index_cast %parallel_loop3A_139 : i32 to index
      %parallel_loop3A_157 = arith.constant 32 : index
      %parallel_loop3A_158 = tpu.vector_load %arg16[%parallel_loop3A_156, %parallel_loop3A_157] {strides = array<i32>} : memref<96x128xf32, #tpu.memory_space<vmem>>, vector<16xf32>,
      %parallel_loop3A_159 = arith.mulf %parallel_loop3A_158, %parallel_loop3A_141 : vector<16xf32>
      %parallel_loop3A_160 = arith.index_cast %parallel_loop3A_139 : i32 to index
      %parallel_loop3A_161 = arith.constant 32 : index
      %parallel_loop3A_162 = tpu.vector_load %arg16[%parallel_loop3A_160, %parallel_loop3A_161] {strides = array<i32>} : memref<96x128xf32, #tpu.memory_space<vmem>>, vector<16xf32>,
      tpu.vector_store %arg16[%parallel_loop3A_160, %parallel_loop3A_161], %parallel_loop3A_159 {strides = array<i32>} : memref<96x128xf32, #tpu.memory_space<vmem>>, vector<16xf32>,
      %parallel_loop3A_163 = arith.index_cast %parallel_loop3A_139 : i32 to index
      %parallel_loop3A_164 = arith.constant 48 : index
      %parallel_loop3A_165 = tpu.vector_load %arg16[%parallel_loop3A_163, %parallel_loop3A_164] {strides = array<i32>} : memref<96x128xf32, #tpu.memory_space<vmem>>, vector<16xf32>,
      %parallel_loop3A_166 = arith.mulf %parallel_loop3A_165, %parallel_loop3A_141 : vector<16xf32>
      %parallel_loop3A_167 = arith.index_cast %parallel_loop3A_139 : i32 to index
      %parallel_loop3A_168 = arith.constant 48 : index
      %parallel_loop3A_169 = tpu.vector_load %arg16[%parallel_loop3A_167, %parallel_loop3A_168] {strides = array<i32>} : memref<96x128xf32, #tpu.memory_space<vmem>>, vector<16xf32>,
      tpu.vector_store %arg16[%parallel_loop3A_167, %parallel_loop3A_168], %parallel_loop3A_166 {strides = array<i32>} : memref<96x128xf32, #tpu.memory_space<vmem>>, vector<16xf32>,
      %parallel_loop3A_170 = arith.index_cast %parallel_loop3A_139 : i32 to index
      %parallel_loop3A_171 = arith.constant 64 : index
      %parallel_loop3A_172 = tpu.vector_load %arg16[%parallel_loop3A_170, %parallel_loop3A_171] {strides = array<i32>} : memref<96x128xf32, #tpu.memory_space<vmem>>, vector<16xf32>,
      %parallel_loop3A_173 = arith.mulf %parallel_loop3A_172, %parallel_loop3A_141 : vector<16xf32>
      %parallel_loop3A_174 = arith.index_cast %parallel_loop3A_139 : i32 to index
      %parallel_loop3A_175 = arith.constant 64 : index
      %parallel_loop3A_176 = tpu.vector_load %arg16[%parallel_loop3A_174, %parallel_loop3A_175] {strides = array<i32>} : memref<96x128xf32, #tpu.memory_space<vmem>>, vector<16xf32>,
      tpu.vector_store %arg16[%parallel_loop3A_174, %parallel_loop3A_175], %parallel_loop3A_173 {strides = array<i32>} : memref<96x128xf32, #tpu.memory_space<vmem>>, vector<16xf32>,
      %parallel_loop3A_177 = arith.index_cast %parallel_loop3A_139 : i32 to index
      %parallel_loop3A_178 = arith.constant 80 : index
      %parallel_loop3A_179 = tpu.vector_load %arg16[%parallel_loop3A_177, %parallel_loop3A_178] {strides = array<i32>} : memref<96x128xf32, #tpu.memory_space<vmem>>, vector<16xf32>,
      %parallel_loop3A_180 = arith.mulf %parallel_loop3A_179, %parallel_loop3A_141 : vector<16xf32>
      %parallel_loop3A_181 = arith.index_cast %parallel_loop3A_139 : i32 to index
      %parallel_loop3A_182 = arith.constant 80 : index
      %parallel_loop3A_183 = tpu.vector_load %arg16[%parallel_loop3A_181, %parallel_loop3A_182] {strides = array<i32>} : memref<96x128xf32, #tpu.memory_space<vmem>>, vector<16xf32>,
      tpu.vector_store %arg16[%parallel_loop3A_181, %parallel_loop3A_182], %parallel_loop3A_180 {strides = array<i32>} : memref<96x128xf32, #tpu.memory_space<vmem>>, vector<16xf32>,
      %parallel_loop3A_184 = arith.index_cast %parallel_loop3A_139 : i32 to index
      %parallel_loop3A_185 = arith.constant 96 : index
      %parallel_loop3A_186 = tpu.vector_load %arg16[%parallel_loop3A_184, %parallel_loop3A_185] {strides = array<i32>} : memref<96x128xf32, #tpu.memory_space<vmem>>, vector<16xf32>,
      %parallel_loop3A_187 = arith.mulf %parallel_loop3A_186, %parallel_loop3A_141 : vector<16xf32>
      %parallel_loop3A_188 = arith.index_cast %parallel_loop3A_139 : i32 to index
      %parallel_loop3A_189 = arith.constant 96 : index
      %parallel_loop3A_190 = tpu.vector_load %arg16[%parallel_loop3A_188, %parallel_loop3A_189] {strides = array<i32>} : memref<96x128xf32, #tpu.memory_space<vmem>>, vector<16xf32>,
      tpu.vector_store %arg16[%parallel_loop3A_188, %parallel_loop3A_189], %parallel_loop3A_187 {strides = array<i32>} : memref<96x128xf32, #tpu.memory_space<vmem>>, vector<16xf32>,
      %parallel_loop3A_191 = arith.index_cast %parallel_loop3A_139 : i32 to index
      %parallel_loop3A_192 = arith.constant 112 : index
      %parallel_loop3A_193 = tpu.vector_load %arg16[%parallel_loop3A_191, %parallel_loop3A_192] {strides = array<i32>} : memref<96x128xf32, #tpu.memory_space<vmem>>, vector<16xf32>,
      %parallel_loop3A_194 = arith.mulf %parallel_loop3A_193, %parallel_loop3A_141 : vector<16xf32>
      %parallel_loop3A_195 = arith.index_cast %parallel_loop3A_139 : i32 to index
      %parallel_loop3A_196 = arith.constant 112 : index
      %parallel_loop3A_197 = tpu.vector_load %arg16[%parallel_loop3A_195, %parallel_loop3A_196] {strides = array<i32>} : memref<96x128xf32, #tpu.memory_space<vmem>>, vector<16xf32>,
      tpu.vector_store %arg16[%parallel_loop3A_195, %parallel_loop3A_196], %parallel_loop3A_194 {strides = array<i32>} : memref<96x128xf32, #tpu.memory_space<vmem>>, vector<16xf32>,
      %parallel_loop3A_198 = arith.constant 1 : i32
      %parallel_loop3A_199 = arith.addi %parallel_loop3A_137, %parallel_loop3A_198 : i32
      %parallel_loop3A_200 = vector.broadcast %parallel_loop3A_199 : i32 to vector<16xi32>
      %parallel_loop3A_201 = tpu.vector_load_idx %arg11[%parallel_loop3A_200] : memref<96xf32, #tpu.memory_space<vmem>>[vector<16xi32>], vector<16xf32>,
      %parallel_loop3A_202 = arith.index_cast %parallel_loop3A_199 : i32 to index
      %parallel_loop3A_203 = arith.constant 0 : index
      %parallel_loop3A_204 = tpu.vector_load %arg16[%parallel_loop3A_202, %parallel_loop3A_203] {strides = array<i32>} : memref<96x128xf32, #tpu.memory_space<vmem>>, vector<16xf32>,
      %parallel_loop3A_205 = arith.mulf %parallel_loop3A_204, %parallel_loop3A_201 : vector<16xf32>
      %parallel_loop3A_206 = arith.index_cast %parallel_loop3A_199 : i32 to index
      %parallel_loop3A_207 = arith.constant 0 : index
      %parallel_loop3A_208 = tpu.vector_load %arg16[%parallel_loop3A_206, %parallel_loop3A_207] {strides = array<i32>} : memref<96x128xf32, #tpu.memory_space<vmem>>, vector<16xf32>,
      tpu.vector_store %arg16[%parallel_loop3A_206, %parallel_loop3A_207], %parallel_loop3A_205 {strides = array<i32>} : memref<96x128xf32, #tpu.memory_space<vmem>>, vector<16xf32>,
      %parallel_loop3A_209 = arith.index_cast %parallel_loop3A_199 : i32 to index
      %parallel_loop3A_210 = arith.constant 16 : index
      %parallel_loop3A_211 = tpu.vector_load %arg16[%parallel_loop3A_209, %parallel_loop3A_210] {strides = array<i32>} : memref<96x128xf32, #tpu.memory_space<vmem>>, vector<16xf32>,
      %parallel_loop3A_212 = arith.mulf %parallel_loop3A_211, %parallel_loop3A_201 : vector<16xf32>
      %parallel_loop3A_213 = arith.index_cast %parallel_loop3A_199 : i32 to index
      %parallel_loop3A_214 = arith.constant 16 : index
      %parallel_loop3A_215 = tpu.vector_load %arg16[%parallel_loop3A_213, %parallel_loop3A_214] {strides = array<i32>} : memref<96x128xf32, #tpu.memory_space<vmem>>, vector<16xf32>,
      tpu.vector_store %arg16[%parallel_loop3A_213, %parallel_loop3A_214], %parallel_loop3A_212 {strides = array<i32>} : memref<96x128xf32, #tpu.memory_space<vmem>>, vector<16xf32>,
      %parallel_loop3A_216 = arith.index_cast %parallel_loop3A_199 : i32 to index
      %parallel_loop3A_217 = arith.constant 32 : index
      %parallel_loop3A_218 = tpu.vector_load %arg16[%parallel_loop3A_216, %parallel_loop3A_217] {strides = array<i32>} : memref<96x128xf32, #tpu.memory_space<vmem>>, vector<16xf32>,
      %parallel_loop3A_219 = arith.mulf %parallel_loop3A_218, %parallel_loop3A_201 : vector<16xf32>
      %parallel_loop3A_220 = arith.index_cast %parallel_loop3A_199 : i32 to index
      %parallel_loop3A_221 = arith.constant 32 : index
      %parallel_loop3A_222 = tpu.vector_load %arg16[%parallel_loop3A_220, %parallel_loop3A_221] {strides = array<i32>} : memref<96x128xf32, #tpu.memory_space<vmem>>, vector<16xf32>,
      tpu.vector_store %arg16[%parallel_loop3A_220, %parallel_loop3A_221], %parallel_loop3A_219 {strides = array<i32>} : memref<96x128xf32, #tpu.memory_space<vmem>>, vector<16xf32>,
      %parallel_loop3A_223 = arith.index_cast %parallel_loop3A_199 : i32 to index
      %parallel_loop3A_224 = arith.constant 48 : index
      %parallel_loop3A_225 = tpu.vector_load %arg16[%parallel_loop3A_223, %parallel_loop3A_224] {strides = array<i32>} : memref<96x128xf32, #tpu.memory_space<vmem>>, vector<16xf32>,
      %parallel_loop3A_226 = arith.mulf %parallel_loop3A_225, %parallel_loop3A_201 : vector<16xf32>
      %parallel_loop3A_227 = arith.index_cast %parallel_loop3A_199 : i32 to index
      %parallel_loop3A_228 = arith.constant 48 : index
      %parallel_loop3A_229 = tpu.vector_load %arg16[%parallel_loop3A_227, %parallel_loop3A_228] {strides = array<i32>} : memref<96x128xf32, #tpu.memory_space<vmem>>, vector<16xf32>,
      tpu.vector_store %arg16[%parallel_loop3A_227, %parallel_loop3A_228], %parallel_loop3A_226 {strides = array<i32>} : memref<96x128xf32, #tpu.memory_space<vmem>>, vector<16xf32>,
      %parallel_loop3A_230 = arith.index_cast %parallel_loop3A_199 : i32 to index
      %parallel_loop3A_231 = arith.constant 64 : index
      %parallel_loop3A_232 = tpu.vector_load %arg16[%parallel_loop3A_230, %parallel_loop3A_231] {strides = array<i32>} : memref<96x128xf32, #tpu.memory_space<vmem>>, vector<16xf32>,
      %parallel_loop3A_233 = arith.mulf %parallel_loop3A_232, %parallel_loop3A_201 : vector<16xf32>
      %parallel_loop3A_234 = arith.index_cast %parallel_loop3A_199 : i32 to index
      %parallel_loop3A_235 = arith.constant 64 : index
      %parallel_loop3A_236 = tpu.vector_load %arg16[%parallel_loop3A_234, %parallel_loop3A_235] {strides = array<i32>} : memref<96x128xf32, #tpu.memory_space<vmem>>, vector<16xf32>,
      tpu.vector_store %arg16[%parallel_loop3A_234, %parallel_loop3A_235], %parallel_loop3A_233 {strides = array<i32>} : memref<96x128xf32, #tpu.memory_space<vmem>>, vector<16xf32>,
      %parallel_loop3A_237 = arith.index_cast %parallel_loop3A_199 : i32 to index
      %parallel_loop3A_238 = arith.constant 80 : index
      %parallel_loop3A_239 = tpu.vector_load %arg16[%parallel_loop3A_237, %parallel_loop3A_238] {strides = array<i32>} : memref<96x128xf32, #tpu.memory_space<vmem>>, vector<16xf32>,
      %parallel_loop3A_240 = arith.mulf %parallel_loop3A_239, %parallel_loop3A_201 : vector<16xf32>
      %parallel_loop3A_241 = arith.index_cast %parallel_loop3A_199 : i32 to index
      %parallel_loop3A_242 = arith.constant 80 : index
      %parallel_loop3A_243 = tpu.vector_load %arg16[%parallel_loop3A_241, %parallel_loop3A_242] {strides = array<i32>} : memref<96x128xf32, #tpu.memory_space<vmem>>, vector<16xf32>,
      tpu.vector_store %arg16[%parallel_loop3A_241, %parallel_loop3A_242], %parallel_loop3A_240 {strides = array<i32>} : memref<96x128xf32, #tpu.memory_space<vmem>>, vector<16xf32>,
      %parallel_loop3A_244 = arith.index_cast %parallel_loop3A_199 : i32 to index
      %parallel_loop3A_245 = arith.constant 96 : index
      %parallel_loop3A_246 = tpu.vector_load %arg16[%parallel_loop3A_244, %parallel_loop3A_245] {strides = array<i32>} : memref<96x128xf32, #tpu.memory_space<vmem>>, vector<16xf32>,
      %parallel_loop3A_247 = arith.mulf %parallel_loop3A_246, %parallel_loop3A_201 : vector<16xf32>
      %parallel_loop3A_248 = arith.index_cast %parallel_loop3A_199 : i32 to index
      %parallel_loop3A_249 = arith.constant 96 : index
      %parallel_loop3A_250 = tpu.vector_load %arg16[%parallel_loop3A_248, %parallel_loop3A_249] {strides = array<i32>} : memref<96x128xf32, #tpu.memory_space<vmem>>, vector<16xf32>,
      tpu.vector_store %arg16[%parallel_loop3A_248, %parallel_loop3A_249], %parallel_loop3A_247 {strides = array<i32>} : memref<96x128xf32, #tpu.memory_space<vmem>>, vector<16xf32>,
      %parallel_loop3A_251 = arith.index_cast %parallel_loop3A_199 : i32 to index
      %parallel_loop3A_252 = arith.constant 112 : index
      %parallel_loop3A_253 = tpu.vector_load %arg16[%parallel_loop3A_251, %parallel_loop3A_252] {strides = array<i32>} : memref<96x128xf32, #tpu.memory_space<vmem>>, vector<16xf32>,
      %parallel_loop3A_254 = arith.mulf %parallel_loop3A_253, %parallel_loop3A_201 : vector<16xf32>
      %parallel_loop3A_255 = arith.index_cast %parallel_loop3A_199 : i32 to index
      %parallel_loop3A_256 = arith.constant 112 : index
      %parallel_loop3A_257 = tpu.vector_load %arg16[%parallel_loop3A_255, %parallel_loop3A_256] {strides = array<i32>} : memref<96x128xf32, #tpu.memory_space<vmem>>, vector<16xf32>,
      tpu.vector_store %arg16[%parallel_loop3A_255, %parallel_loop3A_256], %parallel_loop3A_254 {strides = array<i32>} : memref<96x128xf32, #tpu.memory_space<vmem>>, vector<16xf32>,
    } {sc.loop_unroll_factor = 1 : i64, sc.parallel_access}
    %dma_start3A_70 = arith.constant 0 : i32
    %dma_start3A_71 = arith.constant 0 : i32
    %dma_start3A_72 = tpu.memref_slice %arg19[%dma_start3A_70, %dma_start3A_71] : memref<10240x128xf32, #tpu.memory_space<vmem_shared>> -> memref<10240x128xf32, #tpu.memory_space<vmem_shared>>
    tpu.enqueue_indirect_dma source(%arg16 : memref<96x128xf32, #tpu.memory_space<vmem>>) target(%dma_start3A_72 : memref<10240x128xf32, #tpu.memory_space<vmem_shared>>) offsets(%arg8 : memref<96xi32, #tpu.memory_space<vmem>>) semaphore(%arg23 : memref<!tpu.dma_semaphore, #tpu.memory_space<semaphore_mem>>) {add = true}
    %dma_wait3A_73 = arith.constant 0 : i32
    %dma_wait3A_74 = arith.constant 0 : i32
    %dma_wait3A_75 = tpu.memref_slice %arg19[%dma_wait3A_73, %dma_wait3A_74] : memref<10240x128xf32, #tpu.memory_space<vmem_shared>> -> memref<10240x128xf32, #tpu.memory_space<vmem_shared>>
    tpu.wait_indirect_dma semaphore(%arg25 : memref<!tpu.dma_semaphore, #tpu.memory_space<semaphore_mem>>) src(%arg18 : memref<96x128xf32, #tpu.memory_space<vmem>>) dst(%dma_wait3A_75 : memref<10240x128xf32, #tpu.memory_space<vmem_shared>>)
    %dma_wait3A_76 = arith.constant 0 : i32
    %dma_wait3A_77 = tpu.memref_slice %arg7[%dma_wait3A_76] : memref<10000xi32, #tpu.memory_space<vmem>> -> memref<96xi32, #tpu.memory_space<vmem>>
    %dma_wait3A_78 = arith.constant 0 : i32
    %dma_wait3A_79 = arith.constant 0 : i32
    %dma_wait3A_80 = tpu.memref_slice %arg2[%dma_wait3A_78, %dma_wait3A_79] : memref<10000x128xf32, #tpu.memory_space<hbm>> -> memref<10000x128xf32, #tpu.memory_space<hbm>>
    tpu.wait_indirect_dma semaphore(%arg21 : memref<!tpu.dma_semaphore, #tpu.memory_space<semaphore_mem>>) src(%dma_wait3A_80 : memref<10000x128xf32, #tpu.memory_space<hbm>>) dst(%arg17 : memref<96x128xf32, #tpu.memory_space<vmem>>)
    %dma_wait3A_81 = arith.constant 0 : i32
    %dma_wait3A_82 = tpu.memref_slice %arg4[%dma_wait3A_81] : memref<320000xi32, #tpu.memory_space<hbm>> -> memref<96xi32, #tpu.memory_space<hbm>>
    %dma_wait3A_83 = arith.constant 0 : i32
    %dma_wait3A_84 = tpu.memref_slice %arg4[%dma_wait3A_83] : memref<320000xi32, #tpu.memory_space<hbm>> -> memref<96xi32, #tpu.memory_space<hbm>>
    tpu.wait_dma2 semaphore(%arg21 : memref<!tpu.dma_semaphore, #tpu.memory_space<semaphore_mem>>) src(%dma_wait3A_84 : memref<96xi32, #tpu.memory_space<hbm>>) dst(%arg9 : memref<96xi32, #tpu.memory_space<vmem>>)
    %dma_wait3A_85 = arith.constant 0 : i32
    %dma_wait3A_86 = tpu.memref_slice %arg5[%dma_wait3A_85] : memref<320000xf32, #tpu.memory_space<hbm>> -> memref<96xf32, #tpu.memory_space<hbm>>
    %dma_wait3A_87 = arith.constant 0 : i32
    %dma_wait3A_88 = tpu.memref_slice %arg5[%dma_wait3A_87] : memref<320000xf32, #tpu.memory_space<hbm>> -> memref<96xf32, #tpu.memory_space<hbm>>
    tpu.wait_dma2 semaphore(%arg21 : memref<!tpu.dma_semaphore, #tpu.memory_space<semaphore_mem>>) src(%dma_wait3A_88 : memref<96xf32, #tpu.memory_space<hbm>>) dst(%arg12 : memref<96xf32, #tpu.memory_space<vmem>>)
    %parallel_loop3A_89 = arith.constant 0 : i32
    %parallel_loop3A_90 = arith.constant 96 : i32
    %parallel_loop3A_91 = arith.constant 2 : i32
    scf.for %parallel_loop3A_137 = %parallel_loop3A_89 to %parallel_loop3A_90 step %parallel_loop3A_91  : i32 {
      %parallel_loop3A_138 = arith.constant 0 : i32
      %parallel_loop3A_139 = arith.addi %parallel_loop3A_137, %parallel_loop3A_138 : i32
      %parallel_loop3A_140 = vector.broadcast %parallel_loop3A_139 : i32 to vector<16xi32>
      %parallel_loop3A_141 = tpu.vector_load_idx %arg12[%parallel_loop3A_140] : memref<96xf32, #tpu.memory_space<vmem>>[vector<16xi32>], vector<16xf32>,
      %parallel_loop3A_142 = arith.index_cast %parallel_loop3A_139 : i32 to index
      %parallel_loop3A_143 = arith.constant 0 : index
      %parallel_loop3A_144 = tpu.vector_load %arg17[%parallel_loop3A_142, %parallel_loop3A_143] {strides = array<i32>} : memref<96x128xf32, #tpu.memory_space<vmem>>, vector<16xf32>,
      %parallel_loop3A_145 = arith.mulf %parallel_loop3A_144, %parallel_loop3A_141 : vector<16xf32>
      %parallel_loop3A_146 = arith.index_cast %parallel_loop3A_139 : i32 to index
      %parallel_loop3A_147 = arith.constant 0 : index
      %parallel_loop3A_148 = tpu.vector_load %arg17[%parallel_loop3A_146, %parallel_loop3A_147] {strides = array<i32>} : memref<96x128xf32, #tpu.memory_space<vmem>>, vector<16xf32>,
      tpu.vector_store %arg17[%parallel_loop3A_146, %parallel_loop3A_147], %parallel_loop3A_145 {strides = array<i32>} : memref<96x128xf32, #tpu.memory_space<vmem>>, vector<16xf32>,
      %parallel_loop3A_149 = arith.index_cast %parallel_loop3A_139 : i32 to index
      %parallel_loop3A_150 = arith.constant 16 : index
      %parallel_loop3A_151 = tpu.vector_load %arg17[%parallel_loop3A_149, %parallel_loop3A_150] {strides = array<i32>} : memref<96x128xf32, #tpu.memory_space<vmem>>, vector<16xf32>,
      %parallel_loop3A_152 = arith.mulf %parallel_loop3A_151, %parallel_loop3A_141 : vector<16xf32>
      %parallel_loop3A_153 = arith.index_cast %parallel_loop3A_139 : i32 to index
      %parallel_loop3A_154 = arith.constant 16 : index
      %parallel_loop3A_155 = tpu.vector_load %arg17[%parallel_loop3A_153, %parallel_loop3A_154] {strides = array<i32>} : memref<96x128xf32, #tpu.memory_space<vmem>>, vector<16xf32>,
      tpu.vector_store %arg17[%parallel_loop3A_153, %parallel_loop3A_154], %parallel_loop3A_152 {strides = array<i32>} : memref<96x128xf32, #tpu.memory_space<vmem>>, vector<16xf32>,
      %parallel_loop3A_156 = arith.index_cast %parallel_loop3A_139 : i32 to index
      %parallel_loop3A_157 = arith.constant 32 : index
      %parallel_loop3A_158 = tpu.vector_load %arg17[%parallel_loop3A_156, %parallel_loop3A_157] {strides = array<i32>} : memref<96x128xf32, #tpu.memory_space<vmem>>, vector<16xf32>,
      %parallel_loop3A_159 = arith.mulf %parallel_loop3A_158, %parallel_loop3A_141 : vector<16xf32>
      %parallel_loop3A_160 = arith.index_cast %parallel_loop3A_139 : i32 to index
      %parallel_loop3A_161 = arith.constant 32 : index
      %parallel_loop3A_162 = tpu.vector_load %arg17[%parallel_loop3A_160, %parallel_loop3A_161] {strides = array<i32>} : memref<96x128xf32, #tpu.memory_space<vmem>>, vector<16xf32>,
      tpu.vector_store %arg17[%parallel_loop3A_160, %parallel_loop3A_161], %parallel_loop3A_159 {strides = array<i32>} : memref<96x128xf32, #tpu.memory_space<vmem>>, vector<16xf32>,
      %parallel_loop3A_163 = arith.index_cast %parallel_loop3A_139 : i32 to index
      %parallel_loop3A_164 = arith.constant 48 : index
      %parallel_loop3A_165 = tpu.vector_load %arg17[%parallel_loop3A_163, %parallel_loop3A_164] {strides = array<i32>} : memref<96x128xf32, #tpu.memory_space<vmem>>, vector<16xf32>,
      %parallel_loop3A_166 = arith.mulf %parallel_loop3A_165, %parallel_loop3A_141 : vector<16xf32>
      %parallel_loop3A_167 = arith.index_cast %parallel_loop3A_139 : i32 to index
      %parallel_loop3A_168 = arith.constant 48 : index
      %parallel_loop3A_169 = tpu.vector_load %arg17[%parallel_loop3A_167, %parallel_loop3A_168] {strides = array<i32>} : memref<96x128xf32, #tpu.memory_space<vmem>>, vector<16xf32>,
      tpu.vector_store %arg17[%parallel_loop3A_167, %parallel_loop3A_168], %parallel_loop3A_166 {strides = array<i32>} : memref<96x128xf32, #tpu.memory_space<vmem>>, vector<16xf32>,
      %parallel_loop3A_170 = arith.index_cast %parallel_loop3A_139 : i32 to index
      %parallel_loop3A_171 = arith.constant 64 : index
      %parallel_loop3A_172 = tpu.vector_load %arg17[%parallel_loop3A_170, %parallel_loop3A_171] {strides = array<i32>} : memref<96x128xf32, #tpu.memory_space<vmem>>, vector<16xf32>,
      %parallel_loop3A_173 = arith.mulf %parallel_loop3A_172, %parallel_loop3A_141 : vector<16xf32>
      %parallel_loop3A_174 = arith.index_cast %parallel_loop3A_139 : i32 to index
      %parallel_loop3A_175 = arith.constant 64 : index
      %parallel_loop3A_176 = tpu.vector_load %arg17[%parallel_loop3A_174, %parallel_loop3A_175] {strides = array<i32>} : memref<96x128xf32, #tpu.memory_space<vmem>>, vector<16xf32>,
      tpu.vector_store %arg17[%parallel_loop3A_174, %parallel_loop3A_175], %parallel_loop3A_173 {strides = array<i32>} : memref<96x128xf32, #tpu.memory_space<vmem>>, vector<16xf32>,
      %parallel_loop3A_177 = arith.index_cast %parallel_loop3A_139 : i32 to index
      %parallel_loop3A_178 = arith.constant 80 : index
      %parallel_loop3A_179 = tpu.vector_load %arg17[%parallel_loop3A_177, %parallel_loop3A_178] {strides = array<i32>} : memref<96x128xf32, #tpu.memory_space<vmem>>, vector<16xf32>,
      %parallel_loop3A_180 = arith.mulf %parallel_loop3A_179, %parallel_loop3A_141 : vector<16xf32>
      %parallel_loop3A_181 = arith.index_cast %parallel_loop3A_139 : i32 to index
      %parallel_loop3A_182 = arith.constant 80 : index
      %parallel_loop3A_183 = tpu.vector_load %arg17[%parallel_loop3A_181, %parallel_loop3A_182] {strides = array<i32>} : memref<96x128xf32, #tpu.memory_space<vmem>>, vector<16xf32>,
      tpu.vector_store %arg17[%parallel_loop3A_181, %parallel_loop3A_182], %parallel_loop3A_180 {strides = array<i32>} : memref<96x128xf32, #tpu.memory_space<vmem>>, vector<16xf32>,
      %parallel_loop3A_184 = arith.index_cast %parallel_loop3A_139 : i32 to index
      %parallel_loop3A_185 = arith.constant 96 : index
      %parallel_loop3A_186 = tpu.vector_load %arg17[%parallel_loop3A_184, %parallel_loop3A_185] {strides = array<i32>} : memref<96x128xf32, #tpu.memory_space<vmem>>, vector<16xf32>,
      %parallel_loop3A_187 = arith.mulf %parallel_loop3A_186, %parallel_loop3A_141 : vector<16xf32>
      %parallel_loop3A_188 = arith.index_cast %parallel_loop3A_139 : i32 to index
      %parallel_loop3A_189 = arith.constant 96 : index
      %parallel_loop3A_190 = tpu.vector_load %arg17[%parallel_loop3A_188, %parallel_loop3A_189] {strides = array<i32>} : memref<96x128xf32, #tpu.memory_space<vmem>>, vector<16xf32>,
      tpu.vector_store %arg17[%parallel_loop3A_188, %parallel_loop3A_189], %parallel_loop3A_187 {strides = array<i32>} : memref<96x128xf32, #tpu.memory_space<vmem>>, vector<16xf32>,
      %parallel_loop3A_191 = arith.index_cast %parallel_loop3A_139 : i32 to index
      %parallel_loop3A_192 = arith.constant 112 : index
      %parallel_loop3A_193 = tpu.vector_load %arg17[%parallel_loop3A_191, %parallel_loop3A_192] {strides = array<i32>} : memref<96x128xf32, #tpu.memory_space<vmem>>, vector<16xf32>,
      %parallel_loop3A_194 = arith.mulf %parallel_loop3A_193, %parallel_loop3A_141 : vector<16xf32>
      %parallel_loop3A_195 = arith.index_cast %parallel_loop3A_139 : i32 to index
      %parallel_loop3A_196 = arith.constant 112 : index
      %parallel_loop3A_197 = tpu.vector_load %arg17[%parallel_loop3A_195, %parallel_loop3A_196] {strides = array<i32>} : memref<96x128xf32, #tpu.memory_space<vmem>>, vector<16xf32>,
      tpu.vector_store %arg17[%parallel_loop3A_195, %parallel_loop3A_196], %parallel_loop3A_194 {strides = array<i32>} : memref<96x128xf32, #tpu.memory_space<vmem>>, vector<16xf32>,
      %parallel_loop3A_198 = arith.constant 1 : i32
      %parallel_loop3A_199 = arith.addi %parallel_loop3A_137, %parallel_loop3A_198 : i32
      %parallel_loop3A_200 = vector.broadcast %parallel_loop3A_199 : i32 to vector<16xi32>
      %parallel_loop3A_201 = tpu.vector_load_idx %arg12[%parallel_loop3A_200] : memref<96xf32, #tpu.memory_space<vmem>>[vector<16xi32>], vector<16xf32>,
      %parallel_loop3A_202 = arith.index_cast %parallel_loop3A_199 : i32 to index
      %parallel_loop3A_203 = arith.constant 0 : index
      %parallel_loop3A_204 = tpu.vector_load %arg17[%parallel_loop3A_202, %parallel_loop3A_203] {strides = array<i32>} : memref<96x128xf32, #tpu.memory_space<vmem>>, vector<16xf32>,
      %parallel_loop3A_205 = arith.mulf %parallel_loop3A_204, %parallel_loop3A_201 : vector<16xf32>
      %parallel_loop3A_206 = arith.index_cast %parallel_loop3A_199 : i32 to index
      %parallel_loop3A_207 = arith.constant 0 : index
      %parallel_loop3A_208 = tpu.vector_load %arg17[%parallel_loop3A_206, %parallel_loop3A_207] {strides = array<i32>} : memref<96x128xf32, #tpu.memory_space<vmem>>, vector<16xf32>,
      tpu.vector_store %arg17[%parallel_loop3A_206, %parallel_loop3A_207], %parallel_loop3A_205 {strides = array<i32>} : memref<96x128xf32, #tpu.memory_space<vmem>>, vector<16xf32>,
      %parallel_loop3A_209 = arith.index_cast %parallel_loop3A_199 : i32 to index
      %parallel_loop3A_210 = arith.constant 16 : index
      %parallel_loop3A_211 = tpu.vector_load %arg17[%parallel_loop3A_209, %parallel_loop3A_210] {strides = array<i32>} : memref<96x128xf32, #tpu.memory_space<vmem>>, vector<16xf32>,
      %parallel_loop3A_212 = arith.mulf %parallel_loop3A_211, %parallel_loop3A_201 : vector<16xf32>
      %parallel_loop3A_213 = arith.index_cast %parallel_loop3A_199 : i32 to index
      %parallel_loop3A_214 = arith.constant 16 : index
      %parallel_loop3A_215 = tpu.vector_load %arg17[%parallel_loop3A_213, %parallel_loop3A_214] {strides = array<i32>} : memref<96x128xf32, #tpu.memory_space<vmem>>, vector<16xf32>,
      tpu.vector_store %arg17[%parallel_loop3A_213, %parallel_loop3A_214], %parallel_loop3A_212 {strides = array<i32>} : memref<96x128xf32, #tpu.memory_space<vmem>>, vector<16xf32>,
      %parallel_loop3A_216 = arith.index_cast %parallel_loop3A_199 : i32 to index
      %parallel_loop3A_217 = arith.constant 32 : index
      %parallel_loop3A_218 = tpu.vector_load %arg17[%parallel_loop3A_216, %parallel_loop3A_217] {strides = array<i32>} : memref<96x128xf32, #tpu.memory_space<vmem>>, vector<16xf32>,
      %parallel_loop3A_219 = arith.mulf %parallel_loop3A_218, %parallel_loop3A_201 : vector<16xf32>
      %parallel_loop3A_220 = arith.index_cast %parallel_loop3A_199 : i32 to index
      %parallel_loop3A_221 = arith.constant 32 : index
      %parallel_loop3A_222 = tpu.vector_load %arg17[%parallel_loop3A_220, %parallel_loop3A_221] {strides = array<i32>} : memref<96x128xf32, #tpu.memory_space<vmem>>, vector<16xf32>,
      tpu.vector_store %arg17[%parallel_loop3A_220, %parallel_loop3A_221], %parallel_loop3A_219 {strides = array<i32>} : memref<96x128xf32, #tpu.memory_space<vmem>>, vector<16xf32>,
      %parallel_loop3A_223 = arith.index_cast %parallel_loop3A_199 : i32 to index
      %parallel_loop3A_224 = arith.constant 48 : index
      %parallel_loop3A_225 = tpu.vector_load %arg17[%parallel_loop3A_223, %parallel_loop3A_224] {strides = array<i32>} : memref<96x128xf32, #tpu.memory_space<vmem>>, vector<16xf32>,
      %parallel_loop3A_226 = arith.mulf %parallel_loop3A_225, %parallel_loop3A_201 : vector<16xf32>
      %parallel_loop3A_227 = arith.index_cast %parallel_loop3A_199 : i32 to index
      %parallel_loop3A_228 = arith.constant 48 : index
      %parallel_loop3A_229 = tpu.vector_load %arg17[%parallel_loop3A_227, %parallel_loop3A_228] {strides = array<i32>} : memref<96x128xf32, #tpu.memory_space<vmem>>, vector<16xf32>,
      tpu.vector_store %arg17[%parallel_loop3A_227, %parallel_loop3A_228], %parallel_loop3A_226 {strides = array<i32>} : memref<96x128xf32, #tpu.memory_space<vmem>>, vector<16xf32>,
      %parallel_loop3A_230 = arith.index_cast %parallel_loop3A_199 : i32 to index
      %parallel_loop3A_231 = arith.constant 64 : index
      %parallel_loop3A_232 = tpu.vector_load %arg17[%parallel_loop3A_230, %parallel_loop3A_231] {strides = array<i32>} : memref<96x128xf32, #tpu.memory_space<vmem>>, vector<16xf32>,
      %parallel_loop3A_233 = arith.mulf %parallel_loop3A_232, %parallel_loop3A_201 : vector<16xf32>
      %parallel_loop3A_234 = arith.index_cast %parallel_loop3A_199 : i32 to index
      %parallel_loop3A_235 = arith.constant 64 : index
      %parallel_loop3A_236 = tpu.vector_load %arg17[%parallel_loop3A_234, %parallel_loop3A_235] {strides = array<i32>} : memref<96x128xf32, #tpu.memory_space<vmem>>, vector<16xf32>,
      tpu.vector_store %arg17[%parallel_loop3A_234, %parallel_loop3A_235], %parallel_loop3A_233 {strides = array<i32>} : memref<96x128xf32, #tpu.memory_space<vmem>>, vector<16xf32>,
      %parallel_loop3A_237 = arith.index_cast %parallel_loop3A_199 : i32 to index
      %parallel_loop3A_238 = arith.constant 80 : index
      %parallel_loop3A_239 = tpu.vector_load %arg17[%parallel_loop3A_237, %parallel_loop3A_238] {strides = array<i32>} : memref<96x128xf32, #tpu.memory_space<vmem>>, vector<16xf32>,
      %parallel_loop3A_240 = arith.mulf %parallel_loop3A_239, %parallel_loop3A_201 : vector<16xf32>
      %parallel_loop3A_241 = arith.index_cast %parallel_loop3A_199 : i32 to index
      %parallel_loop3A_242 = arith.constant 80 : index
      %parallel_loop3A_243 = tpu.vector_load %arg17[%parallel_loop3A_241, %parallel_loop3A_242] {strides = array<i32>} : memref<96x128xf32, #tpu.memory_space<vmem>>, vector<16xf32>,
      tpu.vector_store %arg17[%parallel_loop3A_241, %parallel_loop3A_242], %parallel_loop3A_240 {strides = array<i32>} : memref<96x128xf32, #tpu.memory_space<vmem>>, vector<16xf32>,
      %parallel_loop3A_244 = arith.index_cast %parallel_loop3A_199 : i32 to index
      %parallel_loop3A_245 = arith.constant 96 : index
      %parallel_loop3A_246 = tpu.vector_load %arg17[%parallel_loop3A_244, %parallel_loop3A_245] {strides = array<i32>} : memref<96x128xf32, #tpu.memory_space<vmem>>, vector<16xf32>,
      %parallel_loop3A_247 = arith.mulf %parallel_loop3A_246, %parallel_loop3A_201 : vector<16xf32>
      %parallel_loop3A_248 = arith.index_cast %parallel_loop3A_199 : i32 to index
      %parallel_loop3A_249 = arith.constant 96 : index
      %parallel_loop3A_250 = tpu.vector_load %arg17[%parallel_loop3A_248, %parallel_loop3A_249] {strides = array<i32>} : memref<96x128xf32, #tpu.memory_space<vmem>>, vector<16xf32>,
      tpu.vector_store %arg17[%parallel_loop3A_248, %parallel_loop3A_249], %parallel_loop3A_247 {strides = array<i32>} : memref<96x128xf32, #tpu.memory_space<vmem>>, vector<16xf32>,
      %parallel_loop3A_251 = arith.index_cast %parallel_loop3A_199 : i32 to index
      %parallel_loop3A_252 = arith.constant 112 : index
      %parallel_loop3A_253 = tpu.vector_load %arg17[%parallel_loop3A_251, %parallel_loop3A_252] {strides = array<i32>} : memref<96x128xf32, #tpu.memory_space<vmem>>, vector<16xf32>,
      %parallel_loop3A_254 = arith.mulf %parallel_loop3A_253, %parallel_loop3A_201 : vector<16xf32>
      %parallel_loop3A_255 = arith.index_cast %parallel_loop3A_199 : i32 to index
      %parallel_loop3A_256 = arith.constant 112 : index
      %parallel_loop3A_257 = tpu.vector_load %arg17[%parallel_loop3A_255, %parallel_loop3A_256] {strides = array<i32>} : memref<96x128xf32, #tpu.memory_space<vmem>>, vector<16xf32>,
      tpu.vector_store %arg17[%parallel_loop3A_255, %parallel_loop3A_256], %parallel_loop3A_254 {strides = array<i32>} : memref<96x128xf32, #tpu.memory_space<vmem>>, vector<16xf32>,
    } {sc.loop_unroll_factor = 1 : i64, sc.parallel_access}
    %dma_start3A_92 = arith.constant 0 : i32
    %dma_start3A_93 = arith.constant 0 : i32
    %dma_start3A_94 = tpu.memref_slice %arg19[%dma_start3A_92, %dma_start3A_93] : memref<10240x128xf32, #tpu.memory_space<vmem_shared>> -> memref<10240x128xf32, #tpu.memory_space<vmem_shared>>
    tpu.enqueue_indirect_dma source(%arg17 : memref<96x128xf32, #tpu.memory_space<vmem>>) target(%dma_start3A_94 : memref<10240x128xf32, #tpu.memory_space<vmem_shared>>) offsets(%arg9 : memref<96xi32, #tpu.memory_space<vmem>>) semaphore(%arg24 : memref<!tpu.dma_semaphore, #tpu.memory_space<semaphore_mem>>) {add = true}
    %dma_wait3A_95 = arith.constant 0 : i32
    %dma_wait3A_96 = arith.constant 0 : i32
    %dma_wait3A_97 = tpu.memref_slice %arg19[%dma_wait3A_95, %dma_wait3A_96] : memref<10240x128xf32, #tpu.memory_space<vmem_shared>> -> memref<10240x128xf32, #tpu.memory_space<vmem_shared>>
    tpu.wait_indirect_dma semaphore(%arg23 : memref<!tpu.dma_semaphore, #tpu.memory_space<semaphore_mem>>) src(%arg16 : memref<96x128xf32, #tpu.memory_space<vmem>>) dst(%dma_wait3A_97 : memref<10240x128xf32, #tpu.memory_space<vmem_shared>>)
    %dma_wait3A_98 = arith.constant 0 : i32
    %dma_wait3A_99 = arith.constant 0 : i32
    %dma_wait3A_100 = tpu.memref_slice %arg19[%dma_wait3A_98, %dma_wait3A_99] : memref<10240x128xf32, #tpu.memory_space<vmem_shared>> -> memref<10240x128xf32, #tpu.memory_space<vmem_shared>>
    tpu.wait_indirect_dma semaphore(%arg24 : memref<!tpu.dma_semaphore, #tpu.memory_space<semaphore_mem>>) src(%arg17 : memref<96x128xf32, #tpu.memory_space<vmem>>) dst(%dma_wait3A_100 : memref<10240x128xf32, #tpu.memory_space<vmem_shared>>)
    %dma_start3A_101 = arith.constant 0 : i32
    %dma_start3A_102 = arith.constant 0 : i32
    %dma_start3A_103 = tpu.memref_slice %arg18[%dma_start3A_101, %dma_start3A_102] : memref<96x128xf32, #tpu.memory_space<vmem>> -> memref<16x128xf32, #tpu.memory_space<vmem>>
    %dma_start3A_104 = arith.constant 9984 : i32
    %dma_start3A_105 = tpu.memref_slice %arg7[%dma_start3A_104] : memref<10000xi32, #tpu.memory_space<vmem>> -> memref<16xi32, #tpu.memory_space<vmem>>
    %dma_start3A_106 = arith.constant 0 : i32
    %dma_start3A_107 = arith.constant 0 : i32
    %dma_start3A_108 = tpu.memref_slice %arg2[%dma_start3A_106, %dma_start3A_107] : memref<10000x128xf32, #tpu.memory_space<hbm>> -> memref<10000x128xf32, #tpu.memory_space<hbm>>
    tpu.enqueue_indirect_dma source(%dma_start3A_108 : memref<10000x128xf32, #tpu.memory_space<hbm>>) target(%dma_start3A_103 : memref<16x128xf32, #tpu.memory_space<vmem>>) offsets(%dma_start3A_105 : memref<16xi32, #tpu.memory_space<vmem>>) semaphore(%arg22 : memref<!tpu.dma_semaphore, #tpu.memory_space<semaphore_mem>>)
    %add3A_109 = arith.constant 9984 : i32
    %add3A_110 = arith.addi %mul3A_2, %add3A_109 : i32
    %dma_start3A_111 = tpu.memref_slice %arg4[%add3A_110] : memref<320000xi32, #tpu.memory_space<hbm>> -> memref<16xi32, #tpu.memory_space<hbm>>
    %dma_start3A_112 = tpu.memref_slice %arg4[%add3A_110] : memref<320000xi32, #tpu.memory_space<hbm>> -> memref<16xi32, #tpu.memory_space<hbm>>
    tpu.enqueue_dma source(%dma_start3A_112 : memref<16xi32, #tpu.memory_space<hbm>>) target(%arg14 : memref<16xi32, #tpu.memory_space<vmem>>) target_semaphore(%arg22 : memref<!tpu.dma_semaphore, #tpu.memory_space<semaphore_mem>>)
    %add3A_113 = arith.constant 9984 : i32
    %add3A_114 = arith.addi %mul3A_2, %add3A_113 : i32
    %dma_start3A_115 = tpu.memref_slice %arg5[%add3A_114] : memref<320000xf32, #tpu.memory_space<hbm>> -> memref<16xf32, #tpu.memory_space<hbm>>
    %dma_start3A_116 = tpu.memref_slice %arg5[%add3A_114] : memref<320000xf32, #tpu.memory_space<hbm>> -> memref<16xf32, #tpu.memory_space<hbm>>
    tpu.enqueue_dma source(%dma_start3A_116 : memref<16xf32, #tpu.memory_space<hbm>>) target(%arg15 : memref<16xf32, #tpu.memory_space<vmem>>) target_semaphore(%arg22 : memref<!tpu.dma_semaphore, #tpu.memory_space<semaphore_mem>>)
    %dma_wait3A_117 = arith.constant 0 : i32
    %dma_wait3A_118 = arith.constant 0 : i32
    %dma_wait3A_119 = tpu.memref_slice %arg18[%dma_wait3A_117, %dma_wait3A_118] : memref<96x128xf32, #tpu.memory_space<vmem>> -> memref<16x128xf32, #tpu.memory_space<vmem>>
    %dma_wait3A_120 = arith.constant 9984 : i32
    %dma_wait3A_121 = tpu.memref_slice %arg7[%dma_wait3A_120] : memref<10000xi32, #tpu.memory_space<vmem>> -> memref<16xi32, #tpu.memory_space<vmem>>
    %dma_wait3A_122 = arith.constant 0 : i32
    %dma_wait3A_123 = arith.constant 0 : i32
    %dma_wait3A_124 = tpu.memref_slice %arg2[%dma_wait3A_122, %dma_wait3A_123] : memref<10000x128xf32, #tpu.memory_space<hbm>> -> memref<10000x128xf32, #tpu.memory_space<hbm>>
    tpu.wait_indirect_dma semaphore(%arg22 : memref<!tpu.dma_semaphore, #tpu.memory_space<semaphore_mem>>) src(%dma_wait3A_124 : memref<10000x128xf32, #tpu.memory_space<hbm>>) dst(%dma_wait3A_119 : memref<16x128xf32, #tpu.memory_space<vmem>>)
    %dma_wait3A_125 = arith.constant 0 : i32
    %dma_wait3A_126 = tpu.memref_slice %arg4[%dma_wait3A_125] : memref<320000xi32, #tpu.memory_space<hbm>> -> memref<16xi32, #tpu.memory_space<hbm>>
    %dma_wait3A_127 = arith.constant 0 : i32
    %dma_wait3A_128 = tpu.memref_slice %arg4[%dma_wait3A_127] : memref<320000xi32, #tpu.memory_space<hbm>> -> memref<16xi32, #tpu.memory_space<hbm>>
    tpu.wait_dma2 semaphore(%arg22 : memref<!tpu.dma_semaphore, #tpu.memory_space<semaphore_mem>>) src(%dma_wait3A_128 : memref<16xi32, #tpu.memory_space<hbm>>) dst(%arg14 : memref<16xi32, #tpu.memory_space<vmem>>)
    %dma_wait3A_129 = arith.constant 0 : i32
    %dma_wait3A_130 = tpu.memref_slice %arg5[%dma_wait3A_129] : memref<320000xf32, #tpu.memory_space<hbm>> -> memref<16xf32, #tpu.memory_space<hbm>>
    %dma_wait3A_131 = arith.constant 0 : i32
    %dma_wait3A_132 = tpu.memref_slice %arg5[%dma_wait3A_131] : memref<320000xf32, #tpu.memory_space<hbm>> -> memref<16xf32, #tpu.memory_space<hbm>>
    tpu.wait_dma2 semaphore(%arg22 : memref<!tpu.dma_semaphore, #tpu.memory_space<semaphore_mem>>) src(%dma_wait3A_132 : memref<16xf32, #tpu.memory_space<hbm>>) dst(%arg15 : memref<16xf32, #tpu.memory_space<vmem>>)
    %parallel_loop3A_133 = arith.constant 0 : i32
    %parallel_loop3A_134 = arith.constant 16 : i32
    %parallel_loop3A_135 = arith.constant 1 : i32
    scf.for %parallel_loop3A_137 = %parallel_loop3A_133 to %parallel_loop3A_134 step %parallel_loop3A_135  : i32 {
      %parallel_loop3A_138 = vector.broadcast %parallel_loop3A_137 : i32 to vector<16xi32>
      %parallel_loop3A_139 = tpu.vector_load_idx %arg15[%parallel_loop3A_138] : memref<16xf32, #tpu.memory_space<vmem>>[vector<16xi32>], vector<16xf32>,
      %parallel_loop3A_140 = arith.index_cast %parallel_loop3A_137 : i32 to index
      %parallel_loop3A_141 = arith.constant 0 : index
      %parallel_loop3A_142 = tpu.vector_load %arg18[%parallel_loop3A_140, %parallel_loop3A_141] {strides = array<i32>} : memref<96x128xf32, #tpu.memory_space<vmem>>, vector<16xf32>,
      %parallel_loop3A_143 = arith.mulf %parallel_loop3A_142, %parallel_loop3A_139 : vector<16xf32>
      %parallel_loop3A_144 = arith.index_cast %parallel_loop3A_137 : i32 to index
      %parallel_loop3A_145 = arith.constant 0 : index
      %parallel_loop3A_146 = tpu.vector_load %arg18[%parallel_loop3A_144, %parallel_loop3A_145] {strides = array<i32>} : memref<96x128xf32, #tpu.memory_space<vmem>>, vector<16xf32>,
      tpu.vector_store %arg18[%parallel_loop3A_144, %parallel_loop3A_145], %parallel_loop3A_143 {strides = array<i32>} : memref<96x128xf32, #tpu.memory_space<vmem>>, vector<16xf32>,
      %parallel_loop3A_147 = arith.index_cast %parallel_loop3A_137 : i32 to index
      %parallel_loop3A_148 = arith.constant 16 : index
      %parallel_loop3A_149 = tpu.vector_load %arg18[%parallel_loop3A_147, %parallel_loop3A_148] {strides = array<i32>} : memref<96x128xf32, #tpu.memory_space<vmem>>, vector<16xf32>,
      %parallel_loop3A_150 = arith.mulf %parallel_loop3A_149, %parallel_loop3A_139 : vector<16xf32>
      %parallel_loop3A_151 = arith.index_cast %parallel_loop3A_137 : i32 to index
      %parallel_loop3A_152 = arith.constant 16 : index
      %parallel_loop3A_153 = tpu.vector_load %arg18[%parallel_loop3A_151, %parallel_loop3A_152] {strides = array<i32>} : memref<96x128xf32, #tpu.memory_space<vmem>>, vector<16xf32>,
      tpu.vector_store %arg18[%parallel_loop3A_151, %parallel_loop3A_152], %parallel_loop3A_150 {strides = array<i32>} : memref<96x128xf32, #tpu.memory_space<vmem>>, vector<16xf32>,
      %parallel_loop3A_154 = arith.index_cast %parallel_loop3A_137 : i32 to index
      %parallel_loop3A_155 = arith.constant 32 : index
      %parallel_loop3A_156 = tpu.vector_load %arg18[%parallel_loop3A_154, %parallel_loop3A_155] {strides = array<i32>} : memref<96x128xf32, #tpu.memory_space<vmem>>, vector<16xf32>,
      %parallel_loop3A_157 = arith.mulf %parallel_loop3A_156, %parallel_loop3A_139 : vector<16xf32>
      %parallel_loop3A_158 = arith.index_cast %parallel_loop3A_137 : i32 to index
      %parallel_loop3A_159 = arith.constant 32 : index
      %parallel_loop3A_160 = tpu.vector_load %arg18[%parallel_loop3A_158, %parallel_loop3A_159] {strides = array<i32>} : memref<96x128xf32, #tpu.memory_space<vmem>>, vector<16xf32>,
      tpu.vector_store %arg18[%parallel_loop3A_158, %parallel_loop3A_159], %parallel_loop3A_157 {strides = array<i32>} : memref<96x128xf32, #tpu.memory_space<vmem>>, vector<16xf32>,
      %parallel_loop3A_161 = arith.index_cast %parallel_loop3A_137 : i32 to index
      %parallel_loop3A_162 = arith.constant 48 : index
      %parallel_loop3A_163 = tpu.vector_load %arg18[%parallel_loop3A_161, %parallel_loop3A_162] {strides = array<i32>} : memref<96x128xf32, #tpu.memory_space<vmem>>, vector<16xf32>,
      %parallel_loop3A_164 = arith.mulf %parallel_loop3A_163, %parallel_loop3A_139 : vector<16xf32>
      %parallel_loop3A_165 = arith.index_cast %parallel_loop3A_137 : i32 to index
      %parallel_loop3A_166 = arith.constant 48 : index
      %parallel_loop3A_167 = tpu.vector_load %arg18[%parallel_loop3A_165, %parallel_loop3A_166] {strides = array<i32>} : memref<96x128xf32, #tpu.memory_space<vmem>>, vector<16xf32>,
      tpu.vector_store %arg18[%parallel_loop3A_165, %parallel_loop3A_166], %parallel_loop3A_164 {strides = array<i32>} : memref<96x128xf32, #tpu.memory_space<vmem>>, vector<16xf32>,
      %parallel_loop3A_168 = arith.index_cast %parallel_loop3A_137 : i32 to index
      %parallel_loop3A_169 = arith.constant 64 : index
      %parallel_loop3A_170 = tpu.vector_load %arg18[%parallel_loop3A_168, %parallel_loop3A_169] {strides = array<i32>} : memref<96x128xf32, #tpu.memory_space<vmem>>, vector<16xf32>,
      %parallel_loop3A_171 = arith.mulf %parallel_loop3A_170, %parallel_loop3A_139 : vector<16xf32>
      %parallel_loop3A_172 = arith.index_cast %parallel_loop3A_137 : i32 to index
      %parallel_loop3A_173 = arith.constant 64 : index
      %parallel_loop3A_174 = tpu.vector_load %arg18[%parallel_loop3A_172, %parallel_loop3A_173] {strides = array<i32>} : memref<96x128xf32, #tpu.memory_space<vmem>>, vector<16xf32>,
      tpu.vector_store %arg18[%parallel_loop3A_172, %parallel_loop3A_173], %parallel_loop3A_171 {strides = array<i32>} : memref<96x128xf32, #tpu.memory_space<vmem>>, vector<16xf32>,
      %parallel_loop3A_175 = arith.index_cast %parallel_loop3A_137 : i32 to index
      %parallel_loop3A_176 = arith.constant 80 : index
      %parallel_loop3A_177 = tpu.vector_load %arg18[%parallel_loop3A_175, %parallel_loop3A_176] {strides = array<i32>} : memref<96x128xf32, #tpu.memory_space<vmem>>, vector<16xf32>,
      %parallel_loop3A_178 = arith.mulf %parallel_loop3A_177, %parallel_loop3A_139 : vector<16xf32>
      %parallel_loop3A_179 = arith.index_cast %parallel_loop3A_137 : i32 to index
      %parallel_loop3A_180 = arith.constant 80 : index
      %parallel_loop3A_181 = tpu.vector_load %arg18[%parallel_loop3A_179, %parallel_loop3A_180] {strides = array<i32>} : memref<96x128xf32, #tpu.memory_space<vmem>>, vector<16xf32>,
      tpu.vector_store %arg18[%parallel_loop3A_179, %parallel_loop3A_180], %parallel_loop3A_178 {strides = array<i32>} : memref<96x128xf32, #tpu.memory_space<vmem>>, vector<16xf32>,
      %parallel_loop3A_182 = arith.index_cast %parallel_loop3A_137 : i32 to index
      %parallel_loop3A_183 = arith.constant 96 : index
      %parallel_loop3A_184 = tpu.vector_load %arg18[%parallel_loop3A_182, %parallel_loop3A_183] {strides = array<i32>} : memref<96x128xf32, #tpu.memory_space<vmem>>, vector<16xf32>,
      %parallel_loop3A_185 = arith.mulf %parallel_loop3A_184, %parallel_loop3A_139 : vector<16xf32>
      %parallel_loop3A_186 = arith.index_cast %parallel_loop3A_137 : i32 to index
      %parallel_loop3A_187 = arith.constant 96 : index
      %parallel_loop3A_188 = tpu.vector_load %arg18[%parallel_loop3A_186, %parallel_loop3A_187] {strides = array<i32>} : memref<96x128xf32, #tpu.memory_space<vmem>>, vector<16xf32>,
      tpu.vector_store %arg18[%parallel_loop3A_186, %parallel_loop3A_187], %parallel_loop3A_185 {strides = array<i32>} : memref<96x128xf32, #tpu.memory_space<vmem>>, vector<16xf32>,
      %parallel_loop3A_189 = arith.index_cast %parallel_loop3A_137 : i32 to index
      %parallel_loop3A_190 = arith.constant 112 : index
      %parallel_loop3A_191 = tpu.vector_load %arg18[%parallel_loop3A_189, %parallel_loop3A_190] {strides = array<i32>} : memref<96x128xf32, #tpu.memory_space<vmem>>, vector<16xf32>,
      %parallel_loop3A_192 = arith.mulf %parallel_loop3A_191, %parallel_loop3A_139 : vector<16xf32>
      %parallel_loop3A_193 = arith.index_cast %parallel_loop3A_137 : i32 to index
      %parallel_loop3A_194 = arith.constant 112 : index
      %parallel_loop3A_195 = tpu.vector_load %arg18[%parallel_loop3A_193, %parallel_loop3A_194] {strides = array<i32>} : memref<96x128xf32, #tpu.memory_space<vmem>>, vector<16xf32>,
      tpu.vector_store %arg18[%parallel_loop3A_193, %parallel_loop3A_194], %parallel_loop3A_192 {strides = array<i32>} : memref<96x128xf32, #tpu.memory_space<vmem>>, vector<16xf32>,
    } {sc.loop_unroll_factor = 1 : i64, sc.parallel_access}
    "tpu.region"() ({
      %run_scoped3A = tpu.sem_alloc : memref<!tpu.dma_semaphore, #tpu.memory_space<semaphore_mem>>
      %dma_start3A_137 = arith.constant 0 : i32
      %dma_start3A_138 = arith.constant 0 : i32
      %dma_start3A_139 = tpu.memref_slice %arg18[%dma_start3A_137, %dma_start3A_138] : memref<96x128xf32, #tpu.memory_space<vmem>> -> memref<16x128xf32, #tpu.memory_space<vmem>>
      %dma_start3A_140 = arith.constant 0 : i32
      %dma_start3A_141 = arith.constant 0 : i32
      %dma_start3A_142 = tpu.memref_slice %arg19[%dma_start3A_140, %dma_start3A_141] : memref<10240x128xf32, #tpu.memory_space<vmem_shared>> -> memref<10240x128xf32, #tpu.memory_space<vmem_shared>>
      tpu.enqueue_indirect_dma source(%dma_start3A_139 : memref<16x128xf32, #tpu.memory_space<vmem>>) target(%dma_start3A_142 : memref<10240x128xf32, #tpu.memory_space<vmem_shared>>) offsets(%arg14 : memref<16xi32, #tpu.memory_space<vmem>>) semaphore(%run_scoped3A : memref<!tpu.dma_semaphore, #tpu.memory_space<semaphore_mem>>) {add = true}
      %dma_wait3A_143 = arith.constant 0 : i32
      %dma_wait3A_144 = arith.constant 0 : i32
      %dma_wait3A_145 = tpu.memref_slice %arg18[%dma_wait3A_143, %dma_wait3A_144] : memref<96x128xf32, #tpu.memory_space<vmem>> -> memref<16x128xf32, #tpu.memory_space<vmem>>
      %dma_wait3A_146 = arith.constant 0 : i32
      %dma_wait3A_147 = arith.constant 0 : i32
      %dma_wait3A_148 = tpu.memref_slice %arg19[%dma_wait3A_146, %dma_wait3A_147] : memref<10240x128xf32, #tpu.memory_space<vmem_shared>> -> memref<10240x128xf32, #tpu.memory_space<vmem_shared>>
      tpu.wait_indirect_dma semaphore(%run_scoped3A : memref<!tpu.dma_semaphore, #tpu.memory_space<semaphore_mem>>) src(%dma_wait3A_145 : memref<16x128xf32, #tpu.memory_space<vmem>>) dst(%dma_wait3A_148 : memref<10240x128xf32, #tpu.memory_space<vmem_shared>>)
      tpu.yield
    }) : () -> ()
    %barrier3A_136 = arith.constant 0 : index
    tpu.barrier barrier_id(%barrier3A_136)
    "tpu.region"() ({
      %run_scoped3A = tpu.sem_alloc : memref<!tpu.dma_semaphore, #tpu.memory_space<semaphore_mem>>
      %dma_start3A_137 = arith.constant 0 : i32
      %dma_start3A_138 = tpu.memref_slice %arg6[%arg0, %mul3A_8, %dma_start3A_137] : memref<2x10240x128xf32, #tpu.memory_space<hbm>> -> memref<1x640x128xf32, #tpu.memory_space<hbm>>
      %dma_start3A_139 = tpu.memref_squeeze %dma_start3A_138 : memref<1x640x128xf32, #tpu.memory_space<hbm>> -> memref<640x128xf32, #tpu.memory_space<hbm>>
      %dma_start3A_140 = arith.constant 0 : i32
      %dma_start3A_141 = tpu.memref_slice %arg19[%mul3A_8, %dma_start3A_140] : memref<10240x128xf32, #tpu.memory_space<vmem_shared>> -> memref<640x128xf32, #tpu.memory_space<vmem_shared>>
      tpu.enqueue_dma source(%dma_start3A_141 : memref<640x128xf32, #tpu.memory_space<vmem_shared>>) target(%dma_start3A_139 : memref<640x128xf32, #tpu.memory_space<hbm>>) target_semaphore(%run_scoped3A : memref<!tpu.dma_semaphore, #tpu.memory_space<semaphore_mem>>)
      %dma_wait3A_142 = arith.constant 0 : i32
      %dma_wait3A_143 = tpu.memref_slice %arg6[%arg0, %mul3A_8, %dma_wait3A_142] : memref<2x10240x128xf32, #tpu.memory_space<hbm>> -> memref<1x640x128xf32, #tpu.memory_space<hbm>>
      %dma_wait3A_144 = tpu.memref_squeeze %dma_wait3A_143 : memref<1x640x128xf32, #tpu.memory_space<hbm>> -> memref<640x128xf32, #tpu.memory_space<hbm>>
      %dma_wait3A_145 = arith.constant 0 : i32
      %dma_wait3A_146 = tpu.memref_slice %arg19[%mul3A_8, %dma_wait3A_145] : memref<10240x128xf32, #tpu.memory_space<vmem_shared>> -> memref<640x128xf32, #tpu.memory_space<vmem_shared>>
      tpu.wait_dma2 semaphore(%run_scoped3A : memref<!tpu.dma_semaphore, #tpu.memory_space<semaphore_mem>>) src(%dma_wait3A_146 : memref<640x128xf32, #tpu.memory_space<vmem_shared>>) dst(%dma_wait3A_144 : memref<640x128xf32, #tpu.memory_space<hbm>>)
      tpu.yield
    }) : () -> ()
    return
  }
}

module attributes {stable_mosaic.version = 14 : i64} {
  func.func @_mm_body(%arg0: i32, %arg1: memref<2x1000x128xf32, #tpu.memory_space<vmem>>, %arg2: memref<128x128xf32, #tpu.memory_space<vmem>>, %arg3: memref<1x128xf32, #tpu.memory_space<vmem>>, %arg4: memref<1000x128xf32, #tpu.memory_space<vmem>>) attributes {dimension_semantics = [#tpu.dimension_semantics<arbitrary>], iteration_bounds = array<i64: 10>, scalar_prefetch = 0 : i64, scratch_operands = 0 : i64, tpu.core_type = #tpu.core_type<tc>, window_params = [{transform_indices = @transform_0, window_bounds = array<i64: 2, 1000, 128>}, {pipeline_mode = #tpu.pipeline_mode<synchronous>, transform_indices = @transform_1, window_bounds = array<i64: 128, 128>}, {pipeline_mode = #tpu.pipeline_mode<synchronous>, transform_indices = @transform_2, window_bounds = array<i64: 1, 128>}, {transform_indices = @transform_3, window_bounds = array<i64: 1000, 128>}]} {
    %get3A = arith.constant 0 : index
    %get3A_0 = arith.constant 0 : index
    %get3A_1 = arith.constant 0 : index
    %get3A_2 = vector.load %arg1[%get3A, %get3A_0, %get3A_1] : memref<2x1000x128xf32, #tpu.memory_space<vmem>>, vector<1x1000x128xf32>
    %get3A_3 = vector.shape_cast %get3A_2 : vector<1x1000x128xf32> to vector<1000x128xf32>
    %get3A_4 = arith.constant 1 : index
    %get3A_5 = arith.constant 0 : index
    %get3A_6 = arith.constant 0 : index
    %get3A_7 = vector.load %arg1[%get3A_4, %get3A_5, %get3A_6] : memref<2x1000x128xf32, #tpu.memory_space<vmem>>, vector<1x1000x128xf32>
    %get3A_8 = vector.shape_cast %get3A_7 : vector<1x1000x128xf32> to vector<1000x128xf32>
    %add3A = arith.addf %get3A_3, %get3A_8 : vector<1000x128xf32>
    %get3A_9 = arith.constant 0 : index
    %get3A_10 = arith.constant 0 : index
    %get3A_11 = vector.load %arg2[%get3A_9, %get3A_10] : memref<128x128xf32, #tpu.memory_space<vmem>>, vector<128x128xf32>
    %dot_general3A = arith.constant dense<0.000000e+00> : vector<1000x128xf32>
    %dot_general3A_12 = tpu.matmul %add3A, %get3A_11, %dot_general3A {dimension_numbers = #tpu.dot_dimension_numbers<[1], [0], [0], [1], [0, 0, 1, 1], [], []>, transpose_lhs_hint = false} : vector<1000x128xf32>, vector<128x128xf32>, vector<1000x128xf32> -> vector<1000x128xf32>
    %get3A_13 = arith.constant 0 : index
    %get3A_14 = arith.constant 0 : index
    %get3A_15 = vector.load %arg3[%get3A_13, %get3A_14] : memref<1x128xf32, #tpu.memory_space<vmem>>, vector<1x128xf32>
    %add3A_16 = vector.broadcast %get3A_15 : vector<1x128xf32> to vector<1000x128xf32>
    %add3A_17 = arith.addf %dot_general3A_12, %add3A_16 : vector<1000x128xf32>
    %swap3A = arith.constant 0 : index
    %swap3A_18 = arith.constant 0 : index
    %swap3A_19 = vector.load %arg4[%swap3A, %swap3A_18] : memref<1000x128xf32, #tpu.memory_space<vmem>>, vector<1000x128xf32>
    tpu.vector_store %arg4[%swap3A, %swap3A_18], %add3A_17 {strides = array<i32>} : memref<1000x128xf32, #tpu.memory_space<vmem>>, vector<1000x128xf32>,
    return
  }
  func.func @transform_0(%arg0: i32) -> (i32, i32, i32) {
    %c0_i32 = arith.constant 0 : i32
    %c0_i32_0 = arith.constant 0 : i32
    %c0_i32_1 = arith.constant 0 : i32
    return %c0_i32, %arg0, %c0_i32_0 : i32, i32, i32
  }
  func.func @transform_1(%arg0: i32) -> (i32, i32) {
    %c0_i32 = arith.constant 0 : i32
    %c0_i32_0 = arith.constant 0 : i32
    %c0_i32_1 = arith.constant 0 : i32
    return %c0_i32, %c0_i32_0 : i32, i32
  }
  func.func @transform_2(%arg0: i32) -> (i32, i32) {
    %c0_i32 = arith.constant 0 : i32
    %c0_i32_0 = arith.constant 0 : i32
    %c0_i32_1 = arith.constant 0 : i32
    return %c0_i32, %c0_i32_0 : i32, i32
  }
  func.func @transform_3(%arg0: i32) -> (i32, i32) {
    %c0_i32 = arith.constant 0 : i32
    %c0_i32_0 = arith.constant 0 : i32
    return %arg0, %c0_i32 : i32, i32
  }
}

</mosaic_0001>

<sc_bundles>
// kernel: kernel.4.cloned.1.call-start
scs
__scs_entry_jumppad:
0x0: {  	(pc) =	sbr.rel $0x88, $3  }
0x1: {  	(tag) =	ssettag $0x0;
	lr =	simm.s32 $0x1  }
0x2: {  	[smem:$0x3F9C] =	sst lr;
	_ =	strace $0xD0000000  }
0x3: {  	_ = 	snop  }
0x4: {  	_ = 	snop  }
0x5: {  	_ = 	snop  }
0x6: {  	_ = 	snop  }
0x7: {  	_ = 	snop  }
__scs_overlays_trampoline_lowered:
0x8: {  	[smem:$0x3FAB] =	sst s0  }
0x9: {  	[smem:$0x3FAC] =	sst s1  }
0xa: {  	[smem:$0x3FAD] =	sst s2  }
0xb: {  	[smem:$0x3FAE] =	sst s3  }
0xc: {  	[smem:$0x3FAF] =	sst s4  }
0xd: {  	[smem:$0x3FB0] =	sst s5  }
0xe: {  	[smem:$0x3FB1] =	sst s6  }
0xf: {  	[smem:$0x3FB2] =	sst s7  }
0x10: {  	[smem:$0x3FB3] =	sst s8  }
0x11: {  	[smem:$0x3FB4] =	sst s9;
	s0 =	simm.s32 @!p0 $0x0  }
0x12: {  	s1 =	sld [smem:$0x3F9A];
	s0 =	simm.s32 @p0 $0x1  }
0x13: {  	[smem:$0x3FB5] =	sst s0;
	s0 =	simm.s32 @!p1 $0x0  }
0x14: {  	s2 =	sld [smem:$0x3F99];
	s0 =	simm.s32 @p1 $0x1  }
0x15: {  	[smem:$0x3FB6] =	sst s0;
	s0 =	simm.s32 @!p2 $0x0  }
0x16: {  	s3 =	sld [smem:$0x3FDB];
	s0 =	simm.s32 @p2 $0x1  }
0x17: {  	s4 =	simm.s32 $0x1BF5;
	[smem:$0x3FB8] =	sst s0  }
0x18: {  	s0 =	sld [smem:$0x3F9B];
	_ =	swait.ge [sflag:s4], $0x0  }
0x19: {  	s7 =	sld [smem:$0x3F9C]  }
0x1a: {  	s8 =	sadd.s32 $0xFFFFE003, lr  }
0x1b: {  	s9 =	sadd.s32 $0xFFFFFEF7, lr;
	s5 =	simm.s32 $0xFFFFFFFF;
	p2 =	slt.u32 s8, $0xFFFFF086  }
0x1c: {  	p1 =	slt.u32 s9, $0xF7A;
	s5 =	simm.s32 @!p2 $0x0  }
0x1d: {  	s5 =	simm.s32 @p1 $0x1;
	p0 =	seq.s32 s7, s2  }
0x1e: {  	s7 =	smul.u32 @!p0 $0xF7A, s2;
	p2 =	seq.s32 @!p0 s5, $0x0  }
0x1f: {  	s9 =	smul.u32 $0xF7A, s1;
	s8 =	simm.s32 @!p0 $0x1BF5;
	p2 =	por !p2, p0  }
0x20: {  	[sflag:s8] =	ssyncset.s32 @!p0 $0xFFFFF086;
	s6 =	sadd.s32 @!p0 s3, s7;
	s7 =	simm.s32 @!p0 $0x108  }
0x21: {  	s3 =	sadd.s32 s3, s9;
	s6 =	sadd.s32 @!p0 $0x88, s6;
	s7 =	simm.s32 @p2 $0x1082  }
0x22: {  	[simem:s7], [sflag:s8] =	dma.local @!p0 [hbm:s6], $0xF7A  }
0x23: {  	s9 =	sor.u32 $0xD0000000, s2;
	s6 =	simm.s32 $0x108;
	_ =	swait.ge @!p0 [sflag:s8], $0x0  }
0x24: {  	s3 =	sadd.s32 $0x88, s3;
	s6 =	simm.s32 @!p1 $0x1082;
	[sflag:s4] =	ssyncset.s32 $0xFFFFF086  }
0x25: {  	[simem:s6], [sflag:s4] =	dma.local [hbm:s3], $0xF7A  }
0x26: {  	[smem:$0x3F9C] =	sst s1;
	(tag) =	ssettag s2;
	_ =	strace s9  }
0x27: {  	s1 =	sld [smem:$0x3FAC]  }
0x28: {  	s2 =	sld [smem:$0x3FAD]  }
0x29: {  	s4 =	sld [smem:$0x3FAF]  }
0x2a: {  	p0 =	seq.s32 s5, $0x0;
	s5 =	sld [smem:$0x3FB0]  }
0x2b: {  	s6 =	sld [smem:$0x3FB1]  }
0x2c: {  	s7 =	sld [smem:$0x3FB2]  }
0x2d: {  	s3 =	simm.s32 $0x108;
	s8 =	sld [smem:$0x3FB3]  }
0x2e: {  	s3 =	simm.s32 @!p0 $0x1082;
	s9 =	sld [smem:$0x3FB4]  }
0x2f: {  	lr =	sadd.s32 s0, s3;
	s0 =	sld [smem:$0x3FAB]  }
0x30: {  	s3 =	sld [smem:$0x3FAE]  }
0x31: {  	[smem:$0x3FB7] =	sst s10  }
0x32: {  	s10 =	sld [smem:$0x3FB5];
	_ =	sdelay $0x3  }
0x33: {  	p0 =	seq.s32 s10, $0x1;
	s10 =	sld [smem:$0x3FB7];
	_ =	sdelay $0x3  }
0x34: {  	[smem:$0x3FB7] =	sst s10  }
0x35: {  	s10 =	sld [smem:$0x3FB6];
	_ =	sdelay $0x3  }
0x36: {  	p1 =	seq.s32 s10, $0x1;
	s10 =	sld [smem:$0x3FB7];
	_ =	sdelay $0x3  }
0x37: {  	[smem:$0x3FB7] =	sst s10  }
0x38: {  	s10 =	sld [smem:$0x3FB8]  }
0x39: {  	_ = 	snop;
	(pc) =	sbr.ind lr, $3  }
0x3a: {  	_ = 	snop  }
0x3b: {  	_ = 	snop  }
0x3c: {  	p2 =	seq.s32 s10, $0x1;
	s10 =	sld [smem:$0x3FB7]  }
0x3d: {  	_ =	shalt  }
0x3e: {  	_ =	shalt  }
0x3f: {  	_ =	shalt  }
0x40: {  	_ =	shalt  }
0x41: {  	_ =	shalt  }
0x42: {  	_ =	shalt  }
0x43: {  	_ =	shalt  }
0x44: {  	_ =	shalt  }
0x45: {  	_ =	shalt  }
0x46: {  	_ =	shalt  }
0x47: {  	_ =	shalt  }
0x48: {  	_ =	shalt  }
0x49: {  	_ =	shalt  }
0x4a: {  	_ =	shalt  }
0x4b: {  	_ =	shalt  }
0x4c: {  	_ =	shalt  }
0x4d: {  	_ =	shalt  }
0x4e: {  	_ =	shalt  }
0x4f: {  	_ =	shalt  }
0x50: {  	_ =	shalt  }
0x51: {  	_ =	shalt  }
0x52: {  	_ =	shalt  }
0x53: {  	_ =	shalt  }
0x54: {  	_ =	shalt  }
0x55: {  	_ =	shalt  }
0x56: {  	_ =	shalt  }
0x57: {  	_ =	shalt  }
0x58: {  	_ =	shalt  }
0x59: {  	_ =	shalt  }
0x5a: {  	_ =	shalt  }
0x5b: {  	_ =	shalt  }
0x5c: {  	_ =	shalt  }
0x5d: {  	_ =	shalt  }
0x5e: {  	_ =	shalt  }
0x5f: {  	_ =	shalt  }
0x60: {  	_ =	shalt  }
0x61: {  	_ =	shalt  }
0x62: {  	_ =	shalt  }
0x63: {  	_ =	shalt  }
0x64: {  	_ =	shalt  }
0x65: {  	_ =	shalt  }
0x66: {  	_ =	shalt  }
0x67: {  	_ =	shalt  }
0x68: {  	_ =	shalt  }
0x69: {  	_ =	shalt  }
0x6a: {  	_ =	shalt  }
0x6b: {  	_ =	shalt  }
0x6c: {  	_ =	shalt  }
0x6d: {  	_ =	shalt  }
0x6e: {  	_ =	shalt  }
0x6f: {  	_ =	shalt  }
0x70: {  	_ =	shalt  }
0x71: {  	_ =	shalt  }
0x72: {  	_ =	shalt  }
0x73: {  	_ =	shalt  }
0x74: {  	_ =	shalt  }
0x75: {  	_ =	shalt  }
0x76: {  	_ =	shalt  }
0x77: {  	_ =	shalt  }
0x78: {  	_ =	shalt  }
0x79: {  	_ =	shalt  }
0x7a: {  	_ =	shalt  }
0x7b: {  	_ =	shalt  }
0x7c: {  	_ =	shalt  }
0x7d: {  	_ =	shalt  }
0x7e: {  	_ =	shalt  }
0x7f: {  	_ =	shalt  }
0x80: {  	_ =	shalt  }
0x81: {  	_ =	shalt  }
0x82: {  	_ =	shalt  }
0x83: {  	_ =	shalt  }
0x84: {  	_ =	shalt  }
0x85: {  	_ =	shalt  }
0x86: {  	_ =	shalt  }
0x87: {  	_ =	shalt  }
.Lfunc_end0:
.L_simem_size_0:
called_computation_lowered:
.L_overlay_start_0:
0x88: {  	s2 =	sld [smem:$0x3FD9]  }
0x89: {  	s3 =	sld [smem:$0x3FFE];
	_ =	sdelay $0x1  }
0x8a: {  	s1 =	srdreg.scid  }
0x8b: {  	s0 =	sand.u32 $0x1, s1  }
0x8c: {  	s17 =	sshll.u32 s0, $0xA;
	s2 =	sadd.s32 s3, s2  }
0x8d: {  	s2 =	sadd.s32 s2, s17  }
0x8e: {  	[smem:$0x3FC3] =	sst s2  }
0x8f: {  	_ = 	snop  }
0x90: {  	s2 =	sld [smem:$0x3FC9]  }
0x91: {  	s18 =	sld [smem:$0x3FC7]  }
0x92: {  	s4 =	sld [smem:$0x3FD0];
	(tm) =	ssettm $0x1  }
0x93: {  	s5 =	sld [smem:$0x3FFB];
	_ =	sdelay $0x3  }
0x94: {  	_ =	strace s5  }
0x95: {  	s5 =	sld [smem:$0x3FFC];
	_ =	sdelay $0x3  }
0x96: {  	_ =	strace s5  }
0x97: {  	s5 =	sld [smem:$0x3FFD];
	_ =	sdelay $0x3  }
0x98: {  	_ =	strace s5  }
0x99: {  	_ =	strace $0x8FFFFFFF  }
0x9a: {  	s19 =	sld [smem:$0x3FDB];
	_ =	sdelay $0x1  }
0x9b: {  	s6 =	simm.s32 $_scs_section_size  }
0x9c: {  	s7 =	simm.s32 $_size__tile_overlayer_lowered;
	s8 =	simm.s32 $_tile_overlayer_lowered  }
0x9d: {  	s22 =	simm.s32 $0x1BFF;
	s21 =	sshll.u32 s8, $0x1;
	s5 =	sadd.s32 s6, s19  }
0x9e: {  	s9 =	simm.s32 $0x0;
	s20 =	sshll.u32 s7, $0x1;
	s7 =	sadd.s32 s21, s5  }
0x9f: {  	[timem:s9], [sflag:s22] =	dma.local [hbm:s7], s20  }
0xa0: {  	_ =	swait.ge [sflag:s22], s20  }
0xa1: {  	s6 =	ssub.s32 $0x0, s20;
	[sflag:s22] =	ssyncset.done $0x0  }
0xa2: {  	[sflag:s22] =	ssyncadd.s32 s6;
	_ =	sdelay $0x1  }
0xa3: {  	s23 =	simm.s32 $0x1B8B  }
0xa4: {  	_ =	swait.ge [sflag:s23], $0x1  }
0xa5: {  	[sflag:s23] =	ssyncset.done $0x0  }
0xa6: {  	s25 =	simm.s32 $0x1B8E;
	s24 =	sld [smem:$0x3FFE];
	[sflag:s23] =	ssyncadd.s32 $0xFFFFFFFF  }
0xa7: {  	s26 =	simm.s32 $execute0_lowered;
	[smem:$0x3FD2] =	sst s25  }
0xa8: {  	s7 =	sshll.u32 s26, $0x1;
	_ =	strace $0x80000046;
	[dreg:$0x1] =	wrdreg $0xFFFFFFFF  }
0xa9: {  	s28 =	simm.s32 $_size_execute0_lowered;
	s5 =	sadd.s32 s5, s7;
	[dreg:$0x0] =	wrdreg $0x0  }
0xaa: {  	s7 =	sshll.u32 s28, $0x1;
	[dreg:$0x2] =	wrdreg s5  }
0xab: {  	[dreg:$0x3] =	wrdreg s7  }
0xac: {  	[dreg:$0x4] =	wrdreg $0xC0  }
0xad: {  	_ =	task [dreg:s9], $0x5FFFF  }
0xae: {  	[dreg:$0x1] =	wrdreg $0xFFFFFFFF  }
0xaf: {  	[dreg:$0x0] =	wrdreg $0x60  }
0xb0: {  	[dreg:$0x2] =	wrdreg s2  }
0xb1: {  	[dreg:$0x3] =	wrdreg s24  }
0xb2: {  	[dreg:$0x4] =	wrdreg s4  }
0xb3: {  	[dreg:$0x5] =	wrdreg s18  }
0xb4: {  	[dreg:$0x6] =	wrdreg $0xBB800  }
0xb5: {  	[dreg:$0x7] =	wrdreg $0x9  }
0xb6: {  	_ =	task.clear_ibuf [dreg:s9], $0x8FFFF;
	_ =	strace $0x90000046  }
0xb7: {  	s29 =	simm.s32 $0x9;
	_ =	strace $0x80000048  }
0xb8: {  	_ =	swait.ge [sflag:s29], $0x1  }
0xb9: {  	[sflag:s29] =	ssyncadd.s32 $0xFFFFFFFF  }
0xba: {  	_ =	strace $0x90000048  }
0xbb: {  	_ =	sfence  }
0xbc: {  	s30 =	sld [smem:$0x0];
	_ =	sdelay $0x2  }
0xbd: {  	s31 =	sshll.u32 s1, $0xD;
	s1 =	sshrl.u32 s1, $0x2  }
0xbe: {  	s3 =	sand.u32 $0x4000, s31;
	s1 =	sadd.s32 s1, s30  }
0xbf: {  	s0 =	sor.u32 s3, s0;
	s1 =	sshll.u32 s1, $0x11  }
0xc0: {  	s0 =	sor.u32 s1, s0  }
0xc1: {  	s0 =	sadd.s32 $0x8F2B, s0  }
0xc2: {  	[sflag:s0] =	ssyncadd.remote.s32 $0x1  }
0xc3: {  	_ =	sfence.sel $0xFFFF  }
0xc4: {  	[dreg:$0x0] =	wrdreg $0xFFFFFFFF;
	(pc) =	sbr.abs _section_cstart, $3  }
0xc5: {  	[dreg:$0x1] =	wrdreg $0xFFFFFFFF  }
0xc6: {  	_ =	task.clear_ibuf [dreg:s9], $0x2FFFF;
	_ =	strace $0x9FFFFFFF  }
0xc7: {  	(tm) =	ssettm $0x7FFFFFFF  }
tec
execute0_lowered:
.L_overlay_start_1:
0x0: {  	(tag) =	ssettag $0x1  }
0x1: {  	s1 =	rddreg [dreg:$0x0]  }
0x2: {  	s0 =	rddreg [dreg:$0x1]  }
0x3: {  	s3 =	srdreg.scid;
	s2 =	rddreg [dreg:$0x2]  }
0x4: {  	s11 =	stileid.u32;
	s4 =	rddreg [dreg:$0x3]  }
0x5: {  	s7 =	simm.s32 $0x0;
	s28 =	simm.s32 $0x60;
	s29 =	simm.s32 $0x2780  }
0x6: {  	s30 =	simm.s32 $0x2900;
	s31 =	simm.s32 $0x5B80;
	s3 =	sand.u32 $0x1, s3  }
0x7: {  	s5 =	sshll.u32 s11, $0x1;
	[smem:$0x7FF] =	sst s7;
	s9 =	smul.u32 $0x14000, s11  }
0x8: {  	s11 =	smul.u32 $0x50000, s11;
	s6 =	sor.u32 s3, s5;
	s5 =	rddreg [dreg:$0x4]  }
0x9: {  	s8 =	smul.u32 $0x140000, s3;
	_ =	strace $0x80000047;
	s3 =	ssub.s32 $0x2, s3  }
0xa: {  	s6 =	smul.u32 $0x2710, s6;
	s26 =	sshrl.u32 s3, $0x1;
	s11 =	sshrl.u32 s11, $0x2  }
0xb: {  	s8 =	sadd.s32 s9, s8;
	s3 =	ssub.s32 s3, s26;
	s20 =	sadd.s32 s11, s5  }
0xc: {  	s9 =	simm.s32 $0x8B80;
	s13 =	sadd.s32 $0x6000, s20;
	[dreg:$0x6] =	wrdreg s20  }
0xd: {  	s10 =	sshrl.u32 s6, $0x3;
	s14 =	sadd.s32 $0x9000, s20;
	[dreg:$0x9] =	wrdreg s13  }
0xe: {  	s8 =	sshrl.u32 s8, $0x3;
	s15 =	sadd.s32 $0xC000, s20;
	[dreg:$0xa] =	wrdreg s14  }
0xf: {  	s16 =	sadd.s32 $0xF000, s20;
	s17 =	sadd.s32 $0x12000, s20;
	[dreg:$0xb] =	wrdreg s15  }
0x10: {  	s26 =	smax.u32 s3, $0x1;
	s3 =	simm.s32 $0x2800;
	[dreg:$0xc] =	wrdreg s16  }
0x11: {  	s12 =	sadd.s32 s10, s0;
	s0 =	sadd.s32 s8, s0;
	[dreg:$0xd] =	wrdreg s17  }
0x12: {  	s18 =	sadd.s32 s2, s10;
	s19 =	sadd.s32 $0xC, s10;
	[dreg:$0x15] =	wrdreg s26  }
0x13: {  	s21 =	sadd.s32 s4, s10;
	s23 =	sadd.s32 $0x4E0, s10;
	[dreg:$0xe] =	wrdreg s18  }
0x14: {  	s26 =	simm.s32 $0x1;
	s11 =	sadd.s32 $0x200, s12;
	[dreg:$0xf] =	wrdreg s21  }
0x15: {  	s10 =	simm.s32 $0x2880;
	s12 =	sadd.s32 $0x3000, s20;
	[dreg:$0x7] =	wrdreg s11  }
0x16: {  	s13 =	simm.s32 $0x4;
	s22 =	sadd.s32 s2, s19;
	[dreg:$0x8] =	wrdreg s12  }
0x17: {  	s14 =	simm.s32 $0x3;
	s8 =	sadd.s32 s4, s19;
	[dreg:$0x10] =	wrdreg s22  }
0x18: {  	s15 =	simm.s32 $0x5;
	s24 =	sadd.s32 s2, s23;
	[dreg:$0x11] =	wrdreg s8  }
0x19: {  	s16 =	simm.s32 $0x0;
	s25 =	sadd.s32 s4, s23;
	[dreg:$0x12] =	wrdreg s24  }
0x1a: {  	s0 =	sadd.s32 $0xA000, s0;
	s21 =	simm.s32 $0x7;
	[dreg:$0x13] =	wrdreg s25  }
0x1b: {  	s18 =	simm.s32 $0x2B00;
	[dreg:$0x14] =	wrdreg s0;
	s24 =	simm.s32 $0x2B80  }
0x1c: {  	v0 =	vimm.f32 $0.0e+00;
	s0 =	simm.s32 $0x2980;
	s11 =	simm.s32 $0x2A00;
	s12 =	simm.s32 $0x2  }
.LBB2_1:
0x1d: {  	s8 =	rddreg [dreg:$0x7];
	s23 =	sand.u32 $0xFE00, s7  }
0x1e: {  	[tilespmem:s7], [sflag:$0x1] =	stream.linear.gather [hbm4b:s8+s7], $0x2710, $0x38;
	[tilespmem:$0x1FB80] =	vst v63  }
0x1f: {  	[dreg:$0x16] =	wrdreg s16;
	s25 =	sand.u32 $0x70, s7;
	s17 =	sshrl.u32 s23, $0x2  }
0x20: {  	s16 =	simm.s32 $0x0;
	s8 =	simm.s32 $0x40;
	s17 =	sor.u32 s25, s17  }
.LBB2_2:
0x21: {  	p0 =	sne.s32 s8, $0xBFC0  }
0x22: {  	[tilespmem:s17+$0x2B80] =	vst v0;
	s16 =	sadd.s32 $0x10, s16;
	s17 =	smov.u32 s8;
	s8 =	sadd.s32 $0x40, s8  }
.Ltmp0:
0x23: {  	(pc) =	sbr.rel @p0 .LBB2_2-.Ltmp0, $4  }
0x24: {  	_ = 	snop  }
0x25: {  	s17 =	sand.u32 $0xFE00, s17  }
0x26: {  	s19 =	sand.u32 $0x70, s16;
	s17 =	sshrl.u32 s17, $0x2  }
0x27: {  	s17 =	sor.u32 s19, s17  }
0x28: {  	[tilespmem:s17+$0x2B80] =	vst v0  }
0x29: {  	[spmem:s20] =	stream.linear.scatter [tilespmem:s24], [sflag:$0x7], $0x3000, $0x38;
	[tilespmem:$0x1FB80] =	vst v63  }
0x2a: {  	_ =	swait.ge [sflag:s21], $0x3000  }
0x2b: {  	[sflag:s21] =	ssyncset.done $0x0  }
0x2c: {  	s8 =	rddreg [dreg:$0x8];
	[sflag:s21] =	ssyncadd.s32 $0xFFFFD000  }
0x2d: {  	[spmem:s8] =	stream.linear.scatter [tilespmem:s24], [sflag:$0x7], $0x3000, $0x38;
	[tilespmem:$0x1FB80] =	vst v63  }
0x2e: {  	_ =	swait.ge [sflag:s21], $0x3000  }
0x2f: {  	[sflag:s21] =	ssyncset.done $0x0  }
0x30: {  	s25 =	rddreg [dreg:$0x9];
	[sflag:s21] =	ssyncadd.s32 $0xFFFFD000  }
0x31: {  	[spmem:s25] =	stream.linear.scatter [tilespmem:s24], [sflag:$0x7], $0x3000, $0x38;
	[tilespmem:$0x1FB80] =	vst v63  }
0x32: {  	_ =	swait.ge [sflag:s21], $0x3000  }
0x33: {  	[sflag:s21] =	ssyncset.done $0x0  }
0x34: {  	s16 =	rddreg [dreg:$0xa];
	[sflag:s21] =	ssyncadd.s32 $0xFFFFD000  }
0x35: {  	[spmem:s16] =	stream.linear.scatter [tilespmem:s24], [sflag:$0x7], $0x3000, $0x38;
	[tilespmem:$0x1FB80] =	vst v63  }
0x36: {  	_ =	swait.ge [sflag:s21], $0x3000  }
0x37: {  	[sflag:s21] =	ssyncset.done $0x0  }
0x38: {  	s17 =	rddreg [dreg:$0xb];
	[sflag:s21] =	ssyncadd.s32 $0xFFFFD000  }
0x39: {  	[spmem:s17] =	stream.linear.scatter [tilespmem:s24], [sflag:$0x7], $0x3000, $0x38;
	[tilespmem:$0x1FB80] =	vst v63  }
0x3a: {  	_ =	swait.ge [sflag:s21], $0x3000  }
0x3b: {  	[sflag:s21] =	ssyncset.done $0x0  }
0x3c: {  	s19 =	rddreg [dreg:$0xc];
	[sflag:s21] =	ssyncadd.s32 $0xFFFFD000  }
0x3d: {  	[spmem:s19] =	stream.linear.scatter [tilespmem:s24], [sflag:$0x7], $0x3000, $0x38;
	[tilespmem:$0x1FB80] =	vst v63  }
0x3e: {  	_ =	swait.ge [sflag:s21], $0x3000  }
0x3f: {  	[sflag:s21] =	ssyncset.done $0x0  }
0x40: {  	s20 =	rddreg [dreg:$0xd];
	[sflag:s21] =	ssyncadd.s32 $0xFFFFD000  }
0x41: {  	[spmem:s20] =	stream.linear.scatter [tilespmem:s24], [sflag:$0x7], $0x2000, $0x38;
	[tilespmem:$0x1FB80] =	vst v63  }
0x42: {  	_ =	swait.ge [sflag:s21], $0x2000  }
0x43: {  	[sflag:s21] =	ssyncset.done $0x0  }
0x44: {  	[sflag:s21] =	ssyncadd.s32 $0xFFFFE000  }
0x45: {  	_ =	swait.ge [sflag:s26], $0x2710  }
0x46: {  	[sflag:s26] =	ssyncset.done $0x0  }
0x47: {  	[sflag:s26] =	ssyncadd.s32 $0xFFFFD8F0  }
0x48: {  	s19 =	simm.s32 $0x0;
	[bflag:$0x0] =	sbarrier.arrive $0xFFFF  }
0x49: {  	[tilespmem:s24], [sflag:$0x1] =	stream.indirect.gather [hbm4b:s1+s28], $0x80, s19, s28, $0xb8;
	[tilespmem:$0x1FB80] =	vst v63  }
0x4a: {  	s21 =	rddreg [dreg:$0xe]  }
0x4b: {  	[tilespmem:s29], [sflag:$0x1] =	stream.linear.gather [hbm4b:s21+s19], $0x60, $0x38;
	[tilespmem:$0x1FB80] =	vst v63  }
0x4c: {  	s22 =	rddreg [dreg:$0xf]  }
0x4d: {  	[tilespmem:s30], [sflag:$0x1] =	stream.linear.gather [hbm4b:s22+s19], $0x60, $0x38;
	[tilespmem:$0x1FB80] =	vst v63  }
0x4e: {  	_ = 	snop  }
0x4f: {  	[tilespmem:s31], [sflag:$0x2] =	stream.indirect.gather [hbm4b:s1+s28], $0x80, s28, s28, $0xb8;
	[tilespmem:$0x1FB80] =	vst v63  }
0x50: {  	s23 =	rddreg [dreg:$0x10]  }
0x51: {  	[tilespmem:s3], [sflag:$0x2] =	stream.linear.gather [hbm4b:s23+s19], $0x60, $0x38;
	[tilespmem:$0x1FB80] =	vst v63  }
0x52: {  	s20 =	simm.s32 $0x0;
	s25 =	rddreg [dreg:$0x11]  }
0x53: {  	[tilespmem:s0], [sflag:$0x2] =	stream.linear.gather [hbm4b:s25+s19], $0x60, $0x38;
	[tilespmem:$0x1FB80] =	vst v63  }
.LBB2_4:
0x54: {  	_ =	swait.ge [sflag:s26], $0x3000  }
0x55: {  	v1 =	vmov s19;
	[sflag:s26] =	ssyncset.done $0x0  }
0x56: {  	v1 =	vand.u32 $0xFFFFFFFE, v1;
	[sflag:s26] =	ssyncadd.s32 $0xFFFFD000  }
0x57: {  	v1 =	vbroadcast v1, $0x0;
	_ =	swait.ge [sflag:s26], $0x60  }
0x58: {  	[sflag:s26] =	ssyncset.done $0x0  }
0x59: {  	[sflag:s26] =	ssyncadd.s32 $0xFFFFFFA0  }
0x5a: {  	_ =	swait.ge [sflag:s26], $0x60  }
0x5b: {  	[sflag:s26] =	ssyncset.done $0x0  }
0x5c: {  	[sflag:s26] =	ssyncadd.s32 $0xFFFFFFA0  }
0x5d: {  	s21 =	simm.s32 $0x2C00;
	v1 =	vld.idx.msk [tilespmem:v1+s30+$0x0], $0xffff  }
0x5e: {  	v3 =	vld [tilespmem:s21+$0xFFFFFF90];
	_ =	sdelay $0x2  }
0x5f: {  	v2 =	vld [tilespmem:s21+$0xFFFFFF80]  }
0x60: {  	v4 =	vld [tilespmem:s21+$0xFFFFFFA0]  }
0x61: {  	v5 =	vld [tilespmem:s21+$0xFFFFFFB0];
	v3 =	vmul.f32 v3, v1  }
0x62: {  	s8 =	simm.s32 $0x2;
	v6 =	vld [tilespmem:s21+$0xFFFFFFC0]  }
0x63: {  	v7 =	vld [tilespmem:s21+$0xFFFFFFD0];
	[tilespmem:s21+$0xFFFFFF90] =	vst v3;
	v3 =	vmov s8  }
0x64: {  	v8 =	vld [tilespmem:s21+$0xFFFFFFE0];
	v3 =	vand.u32 $0xFFFFFFFE, v3  }
0x65: {  	v9 =	vld [tilespmem:s21+$0x0];
	v3 =	vbroadcast v3, $0x0  }
0x66: {  	v10 =	vld [tilespmem:s21+$0x10]  }
0x67: {  	v11 =	vld [tilespmem:s21+$0x20]  }
0x68: {  	s22 =	simm.s32 $0x2D00;
	v12 =	vld [tilespmem:s21+$0x30];
	v2 =	vmul.f32 v2, v1  }
0x69: {  	v13 =	vld [tilespmem:s22+$0xFFFFFFB0];
	v4 =	vmul.f32 v4, v1  }
0x6a: {  	[tilespmem:s21+$0xFFFFFF80] =	vst v2;
	v2 =	vld [tilespmem:s21+$0xFFFFFFF0]  }
0x6b: {  	[tilespmem:s21+$0xFFFFFFA0] =	vst v4;
	v4 =	vmul.f32 v6, v1;
	v6 =	vld.idx.msk [tilespmem:v3+s30+$0x0], $0xffff  }
0x6c: {  	v5 =	vmul.f32 v5, v1;
	v3 =	vld [tilespmem:s22+$0xFFFFFF80]  }
0x6d: {  	v7 =	vmul.f32 v7, v1;
	[tilespmem:s21+$0xFFFFFFC0] =	vst v4;
	v4 =	vld [tilespmem:s22+$0xFFFFFF90]  }
0x6e: {  	v8 =	vmul.f32 v8, v1;
	[tilespmem:s21+$0xFFFFFFB0] =	vst v5;
	v5 =	vld [tilespmem:s22+$0xFFFFFFA0]  }
0x6f: {  	[tilespmem:s21+$0xFFFFFFD0] =	vst v7;
	v7 =	vld [tilespmem:s22+$0xFFFFFFE0]  }
0x70: {  	s23 =	simm.s32 $0x1;
	[tilespmem:s21+$0xFFFFFFE0] =	vst v8;
	v8 =	vld [tilespmem:s22+$0xFFFFFFF0];
	v1 =	vmul.f32 v2, v1  }
0x71: {  	v16 =	vmov s23;
	v14 =	vld [tilespmem:s22+$0xFFFFFFC0];
	v3 =	vmul.f32 v3, v6  }
0x72: {  	v15 =	vld [tilespmem:s22+$0xFFFFFFD0];
	[tilespmem:s21+$0xFFFFFFF0] =	vst v1;
	v4 =	vmul.f32 v4, v6  }
0x73: {  	v17 =	vld [tilespmem:s21+$0x40];
	v2 =	vmul.f32 v5, v6;
	[tilespmem:s22+$0xFFFFFF80] =	vst v3  }
0x74: {  	v18 =	vld [tilespmem:s21+$0x50];
	v7 =	vmul.f32 v7, v6;
	[tilespmem:s22+$0xFFFFFF90] =	vst v4  }
0x75: {  	s25 =	simm.s32 $0x3;
	v1 =	vld [tilespmem:s22+$0x0];
	v8 =	vmul.f32 v8, v6;
	[tilespmem:s22+$0xFFFFFFA0] =	vst v2  }
0x76: {  	v16 =	vld.idx.msk [tilespmem:v16+s30+$0x0], $0xffff;
	v3 =	vmul.f32 v13, v6;
	v4 =	vmul.f32 v14, v6;
	v14 =	vmov s25;
	[tilespmem:s22+$0xFFFFFFE0] =	vst v7  }
0x77: {  	v5 =	vld [tilespmem:s21+$0x70];
	[tilespmem:s22+$0xFFFFFFF0] =	vst v8  }
0x78: {  	s16 =	simm.s32 $0x4;
	v2 =	vld [tilespmem:s22+$0x10];
	v13 =	vmul.f32 v15, v6;
	[tilespmem:s22+$0xFFFFFFB0] =	vst v3  }
0x79: {  	v15 =	vld [tilespmem:s21+$0x60];
	v8 =	vmov s16;
	[tilespmem:s22+$0xFFFFFFC0] =	vst v4  }
0x7a: {  	v6 =	vld [tilespmem:s22+$0x50];
	v63 =	vand.u32 $0xFFFFFFFE, v8;
	[tilespmem:s22+$0xFFFFFFD0] =	vst v13  }
0x7b: {  	v7 =	vmul.f32 v9, v16;
	v8 =	vld.idx.msk [tilespmem:v14+s30+$0x0], $0xffff;
	v14 =	vbroadcast v63, $0x0  }
0x7c: {  	v3 =	vld [tilespmem:s22+$0x20];
	v13 =	vmul.f32 v5, v16  }
0x7d: {  	v19 =	vmul.f32 v11, v16;
	v4 =	vld [tilespmem:s22+$0x30];
	[tilespmem:s21+$0x0] =	vst v7  }
0x7e: {  	v7 =	vld [tilespmem:s22+$0x60];
	[tilespmem:s21+$0x70] =	vst v13;
	v13 =	vmul.f32 v10, v16  }
0x7f: {  	v11 =	vmul.f32 v18, v16;
	v9 =	vmul.f32 v12, v16;
	[tilespmem:s21+$0x20] =	vst v19;
	v5 =	vld [tilespmem:s22+$0x40]  }
0x80: {  	s23 =	simm.s32 $0x2D00;
	s8 =	simm.s32 $0x6;
	v10 =	vmul.f32 v17, v16;
	v12 =	vmul.f32 v15, v16;
	[tilespmem:s21+$0x10] =	vst v13;
	v13 =	vld [tilespmem:s22+$0x70]  }
.LBB2_5:
0x81: {  	p0 =	slt.u32 s8, $0x5E;
	v15 =	vld.idx.msk [tilespmem:v14+s30+$0x0], $0xffff;
	s22 =	sadd.s32 $0x100, s22;
	[tilespmem:s21+$0x30] =	vst v9  }
0x82: {  	v9 =	vld [tilespmem:s22+$0xFFFFFF80];
	[tilespmem:s21+$0x40] =	vst v10  }
0x83: {  	v10 =	vld [tilespmem:s22+$0xFFFFFF90];
	[tilespmem:s21+$0x50] =	vst v11  }
0x84: {  	v11 =	vld [tilespmem:s22+$0xFFFFFFA0];
	[tilespmem:s21+$0x60] =	vst v12;
	s21 =	smov.u32 s23;
	s23 =	smov.u32 s22  }
0x85: {  	v1 =	vmul.f32 v1, v8;
	v12 =	vld [tilespmem:s22+$0xFFFFFFB0];
	v13 =	vmul.f32 v13, v8  }
0x86: {  	v16 =	vmul.f32 v2, v8;
	v17 =	vmul.f32 v3, v8;
	v14 =	vld [tilespmem:s22+$0xFFFFFFC0]  }
0x87: {  	v2 =	vmul.f32 v9, v15;
	v3 =	vld [tilespmem:s22+$0xFFFFFFD0];
	v9 =	vmul.f32 v4, v8;
	[tilespmem:s21+$0x70] =	vst v13  }
0x88: {  	v4 =	vmul.f32 v10, v15;
	v13 =	vld [tilespmem:s22+$0xFFFFFFE0];
	[tilespmem:s21+$0x0] =	vst v1;
	v10 =	vmul.f32 v5, v8  }
0x89: {  	[tilespmem:s22+$0xFFFFFF80] =	vst v2;
	v2 =	vmul.f32 v11, v15;
	v5 =	vld [tilespmem:s22+$0xFFFFFFF0];
	v11 =	vmul.f32 v6, v8  }
0x8a: {  	[tilespmem:s22+$0xFFFFFF90] =	vst v4;
	v4 =	vmul.f32 v12, v15;
	v1 =	vld [tilespmem:s22+$0x0];
	v12 =	vmul.f32 v7, v8  }
0x8b: {  	s17 =	sadd.s32 $0x1, s16;
	s16 =	smov.u32 s8;
	v6 =	vmov s8;
	[tilespmem:s22+$0xFFFFFFA0] =	vst v2;
	v7 =	vmul.f32 v14, v15;
	v2 =	vld [tilespmem:s22+$0x10]  }
0x8c: {  	v18 =	vmov s17;
	v6 =	vand.u32 $0xFFFFFFFE, v6;
	[tilespmem:s22+$0xFFFFFFB0] =	vst v4;
	v8 =	vmul.f32 v3, v15;
	v3 =	vld [tilespmem:s22+$0x20]  }
0x8d: {  	v14 =	vbroadcast v6, $0x0;
	[tilespmem:s22+$0xFFFFFFC0] =	vst v7;
	v6 =	vmul.f32 v13, v15;
	v4 =	vld [tilespmem:s22+$0x30]  }
.Ltmp1:
0x8e: {  	[tilespmem:s22+$0xFFFFFFD0] =	vst v8;
	v7 =	vmul.f32 v5, v15;
	v5 =	vld [tilespmem:s22+$0x40];
	(pc) =	sbr.rel @p0 .LBB2_5-.Ltmp1, $4  }
0x8f: {  	[tilespmem:s22+$0xFFFFFFE0] =	vst v6;
	v6 =	vld [tilespmem:s22+$0x50]  }
0x90: {  	[tilespmem:s22+$0xFFFFFFF0] =	vst v7;
	v7 =	vld [tilespmem:s22+$0x60]  }
0x91: {  	v8 =	vld.idx.msk [tilespmem:v18+s30+$0x0], $0xffff;
	[tilespmem:s21+$0x10] =	vst v16  }
0x92: {  	s8 =	sadd.s32 $0x2, s8;
	v13 =	vld [tilespmem:s22+$0x70];
	[tilespmem:s21+$0x20] =	vst v17  }
0x93: {  	_ =	sdelay $0x3  }
0x94: {  	v14 =	vld.idx.msk [tilespmem:v14+s30+$0x0], $0xffff;
	s8 =	sadd.s32 $0x100, s22  }
0x95: {  	v15 =	vld [tilespmem:s8+$0xFFFFFF80]  }
0x96: {  	v16 =	vld [tilespmem:s8+$0xFFFFFF90]  }
0x97: {  	[tilespmem:s21+$0x30] =	vst v9;
	v9 =	vld [tilespmem:s8+$0xFFFFFFB0]  }
0x98: {  	[tilespmem:s21+$0x40] =	vst v10;
	v17 =	vld [tilespmem:s8+$0xFFFFFFA0]  }
0x99: {  	[tilespmem:s21+$0x50] =	vst v11;
	v10 =	vld [tilespmem:s8+$0xFFFFFFC0];
	v1 =	vmul.f32 v1, v8  }
0x9a: {  	[tilespmem:s21+$0x60] =	vst v12;
	v11 =	vmul.f32 v15, v14;
	v15 =	vld [tilespmem:s8+$0xFFFFFFD0]  }
0x9b: {  	v59 =	vld [tilespmem:s8+$0xFFFFFFE0];
	[tilespmem:s23+$0x0] =	vst v1;
	v12 =	vmul.f32 v16, v14  }
0x9c: {  	v60 =	vld [tilespmem:s8+$0xFFFFFFF0];
	v9 =	vmul.f32 v9, v14;
	[tilespmem:s8+$0xFFFFFF80] =	vst v11  }
0x9d: {  	v11 =	vmul.f32 v17, v14;
	[tilespmem:s8+$0xFFFFFF90] =	vst v12  }
0x9e: {  	s16 =	sadd.s32 $0x1, s16;
	v10 =	vmul.f32 v10, v14;
	[tilespmem:s8+$0xFFFFFFB0] =	vst v9  }
0x9f: {  	[tilespmem:s8+$0xFFFFFFA0] =	vst v11;
	v11 =	vmov s16;
	v9 =	vmul.f32 v15, v14  }
0xa0: {  	[tilespmem:s8+$0xFFFFFFC0] =	vst v10;
	v10 =	vmul.f32 v59, v14  }
0xa1: {  	[tilespmem:s8+$0xFFFFFFD0] =	vst v9;
	v9 =	vmul.f32 v60, v14  }
0xa2: {  	v2 =	vmul.f32 v2, v8;
	[tilespmem:s8+$0xFFFFFFE0] =	vst v10  }
0xa3: {  	v3 =	vmul.f32 v3, v8;
	v1 =	vld [tilespmem:s8+$0x70];
	[tilespmem:s8+$0xFFFFFFF0] =	vst v9  }
0xa4: {  	v4 =	vmul.f32 v4, v8;
	[tilespmem:s23+$0x10] =	vst v2;
	v9 =	vld.idx.msk [tilespmem:v11+s30+$0x0], $0xffff  }
0xa5: {  	v2 =	vmul.f32 v5, v8;
	[tilespmem:s23+$0x20] =	vst v3;
	v10 =	vld [tilespmem:s8+$0x0]  }
0xa6: {  	v5 =	vld [tilespmem:s8+$0x10];
	v3 =	vmul.f32 v6, v8;
	[tilespmem:s23+$0x30] =	vst v4  }
0xa7: {  	v4 =	vmul.f32 v7, v8;
	[tilespmem:s23+$0x40] =	vst v2;
	v2 =	vld [tilespmem:s8+$0x40]  }
0xa8: {  	v6 =	vld [tilespmem:s8+$0x20];
	[tilespmem:s23+$0x50] =	vst v3;
	v12 =	vmul.f32 v13, v8  }
0xa9: {  	v7 =	vld [tilespmem:s8+$0x30];
	[tilespmem:s23+$0x60] =	vst v4;
	v1 =	vmul.f32 v1, v9  }
0xaa: {  	v3 =	vld [tilespmem:s8+$0x50];
	[tilespmem:s23+$0x70] =	vst v12;
	v4 =	vmul.f32 v10, v9  }
0xab: {  	v8 =	vld [tilespmem:s8+$0x60];
	v5 =	vmul.f32 v5, v9;
	[tilespmem:s8+$0x70] =	vst v1  }
0xac: {  	v2 =	vmul.f32 v2, v9;
	[tilespmem:s8+$0x0] =	vst v4  }
0xad: {  	v1 =	vmul.f32 v6, v9;
	[tilespmem:s8+$0x10] =	vst v5  }
0xae: {  	v4 =	vmul.f32 v7, v9;
	[tilespmem:s8+$0x40] =	vst v2  }
0xaf: {  	[tilespmem:s8+$0x20] =	vst v1;
	v1 =	vmul.f32 v3, v9  }
0xb0: {  	[tilespmem:s8+$0x30] =	vst v4;
	v3 =	vmul.f32 v8, v9  }
0xb1: {  	p0 =	seq.s32 s20, $0x0;
	[tilespmem:s8+$0x50] =	vst v1  }
0xb2: {  	s21 =	smul.u32 $0x120, s20;
	[tilespmem:s8+$0x60] =	vst v3;
	s8 =	simm.s32 @!p0 $0x6  }
0xb3: {  	[spmem:s5] =	stream.indirect.scatter.add.f32 [tilespmem:s24], [sflag:$0x4], $0x80, s29, s28, $0xb8;
	[tilespmem:$0x1FB80] =	vst v63  }
0xb4: {  	_ =	swait.ge @!p0 [sflag:s8], $0x3000  }
0xb5: {  	s23 =	sadd.s32 $0xC0, s21;
	[sflag:s8] =	ssyncset.done @!p0 $0x0  }
0xb6: {  	[sflag:s8] =	ssyncadd.s32 @!p0 $0xFFFFD000;
	s8 =	sadd.s32 s6, s23  }
0xb7: {  	[tilespmem:s9], [sflag:$0x3] =	stream.indirect.gather [hbm4b:s1+s28], $0x80, s23, s28, $0xb8;
	[tilespmem:$0x1FB80] =	vst v63  }
0xb8: {  	s8 =	sshrl.u32 s8, $0x3  }
0xb9: {  	s17 =	simm.s32 $0x0;
	s25 =	sadd.s32 s2, s8  }
0xba: {  	[tilespmem:s10], [sflag:$0x3] =	stream.linear.gather [hbm4b:s25+s17], $0x60, $0x38;
	[tilespmem:$0x1FB80] =	vst v63  }
0xbb: {  	s8 =	sadd.s32 s4, s8  }
0xbc: {  	[tilespmem:s11], [sflag:$0x3] =	stream.linear.gather [hbm4b:s8+s17], $0x60, $0x38;
	[tilespmem:$0x1FB80] =	vst v63  }
0xbd: {  	_ =	swait.ge [sflag:s12], $0x3000  }
0xbe: {  	v1 =	vmov s17;
	[sflag:s12] =	ssyncset.done $0x0  }
0xbf: {  	v1 =	vand.u32 $0xFFFFFFFE, v1;
	[sflag:s12] =	ssyncadd.s32 $0xFFFFD000  }
0xc0: {  	v1 =	vbroadcast v1, $0x0;
	_ =	swait.ge [sflag:s12], $0x60  }
0xc1: {  	[sflag:s12] =	ssyncset.done $0x0  }
0xc2: {  	[sflag:s12] =	ssyncadd.s32 $0xFFFFFFA0  }
0xc3: {  	_ =	swait.ge [sflag:s12], $0x60  }
0xc4: {  	[sflag:s12] =	ssyncset.done $0x0  }
0xc5: {  	[sflag:s12] =	ssyncadd.s32 $0xFFFFFFA0  }
0xc6: {  	s22 =	simm.s32 $0x5C00;
	v1 =	vld.idx.msk [tilespmem:v1+s0+$0x0], $0xffff  }
0xc7: {  	v3 =	vld [tilespmem:s22+$0xFFFFFF90];
	_ =	sdelay $0x2  }
0xc8: {  	v2 =	vld [tilespmem:s22+$0xFFFFFF80]  }
0xc9: {  	v4 =	vld [tilespmem:s22+$0xFFFFFFA0]  }
0xca: {  	v5 =	vld [tilespmem:s22+$0xFFFFFFB0];
	v3 =	vmul.f32 v3, v1  }
0xcb: {  	s16 =	simm.s32 $0x2;
	v6 =	vld [tilespmem:s22+$0xFFFFFFC0]  }
0xcc: {  	v7 =	vld [tilespmem:s22+$0xFFFFFFD0];
	[tilespmem:s22+$0xFFFFFF90] =	vst v3;
	v3 =	vmov s16  }
0xcd: {  	v8 =	vld [tilespmem:s22+$0xFFFFFFE0];
	v3 =	vand.u32 $0xFFFFFFFE, v3  }
0xce: {  	v9 =	vld [tilespmem:s22+$0x0];
	v3 =	vbroadcast v3, $0x0  }
0xcf: {  	v10 =	vld [tilespmem:s22+$0x10]  }
0xd0: {  	v11 =	vld [tilespmem:s22+$0x20]  }
0xd1: {  	s23 =	simm.s32 $0x5D00;
	v12 =	vld [tilespmem:s22+$0x30];
	v2 =	vmul.f32 v2, v1  }
0xd2: {  	v13 =	vld [tilespmem:s23+$0xFFFFFFB0];
	v4 =	vmul.f32 v4, v1  }
0xd3: {  	[tilespmem:s22+$0xFFFFFF80] =	vst v2;
	v2 =	vld [tilespmem:s22+$0xFFFFFFF0]  }
0xd4: {  	[tilespmem:s22+$0xFFFFFFA0] =	vst v4;
	v4 =	vmul.f32 v6, v1;
	v6 =	vld.idx.msk [tilespmem:v3+s0+$0x0], $0xffff  }
0xd5: {  	v5 =	vmul.f32 v5, v1;
	v3 =	vld [tilespmem:s23+$0xFFFFFF80]  }
0xd6: {  	v7 =	vmul.f32 v7, v1;
	[tilespmem:s22+$0xFFFFFFC0] =	vst v4;
	v4 =	vld [tilespmem:s23+$0xFFFFFF90]  }
0xd7: {  	v8 =	vmul.f32 v8, v1;
	[tilespmem:s22+$0xFFFFFFB0] =	vst v5;
	v5 =	vld [tilespmem:s23+$0xFFFFFFA0]  }
0xd8: {  	[tilespmem:s22+$0xFFFFFFD0] =	vst v7;
	v7 =	vld [tilespmem:s23+$0xFFFFFFE0]  }
0xd9: {  	s17 =	simm.s32 $0x1;
	[tilespmem:s22+$0xFFFFFFE0] =	vst v8;
	v8 =	vld [tilespmem:s23+$0xFFFFFFF0];
	v1 =	vmul.f32 v2, v1  }
0xda: {  	v61 =	vmov s17;
	v14 =	vld [tilespmem:s23+$0xFFFFFFC0];
	v3 =	vmul.f32 v3, v6  }
0xdb: {  	v15 =	vld [tilespmem:s23+$0xFFFFFFD0];
	[tilespmem:s22+$0xFFFFFFF0] =	vst v1;
	v4 =	vmul.f32 v4, v6  }
0xdc: {  	v62 =	vld [tilespmem:s22+$0x40];
	v2 =	vmul.f32 v5, v6;
	[tilespmem:s23+$0xFFFFFF80] =	vst v3  }
0xdd: {  	v18 =	vld [tilespmem:s22+$0x50];
	v7 =	vmul.f32 v7, v6;
	[tilespmem:s23+$0xFFFFFF90] =	vst v4  }
0xde: {  	s25 =	simm.s32 $0x3;
	v1 =	vld [tilespmem:s23+$0x0];
	v8 =	vmul.f32 v8, v6;
	[tilespmem:s23+$0xFFFFFFA0] =	vst v2  }
0xdf: {  	v16 =	vld.idx.msk [tilespmem:v61+s0+$0x0], $0xffff;
	v3 =	vmul.f32 v13, v6;
	v4 =	vmul.f32 v14, v6;
	v14 =	vmov s25;
	[tilespmem:s23+$0xFFFFFFE0] =	vst v7  }
0xe0: {  	v5 =	vld [tilespmem:s22+$0x70];
	[tilespmem:s23+$0xFFFFFFF0] =	vst v8  }
0xe1: {  	s8 =	simm.s32 $0x4;
	v2 =	vld [tilespmem:s23+$0x10];
	v13 =	vmul.f32 v15, v6;
	[tilespmem:s23+$0xFFFFFFB0] =	vst v3  }
0xe2: {  	v15 =	vld [tilespmem:s22+$0x60];
	v8 =	vmov s8;
	[tilespmem:s23+$0xFFFFFFC0] =	vst v4  }
0xe3: {  	v6 =	vld [tilespmem:s23+$0x50];
	v63 =	vand.u32 $0xFFFFFFFE, v8;
	[tilespmem:s23+$0xFFFFFFD0] =	vst v13  }
0xe4: {  	v7 =	vmul.f32 v9, v16;
	v8 =	vld.idx.msk [tilespmem:v14+s0+$0x0], $0xffff;
	v14 =	vbroadcast v63, $0x0  }
0xe5: {  	v3 =	vld [tilespmem:s23+$0x20];
	v13 =	vmul.f32 v5, v16  }
0xe6: {  	v19 =	vmul.f32 v11, v16;
	v4 =	vld [tilespmem:s23+$0x30];
	[tilespmem:s22+$0x0] =	vst v7  }
0xe7: {  	v7 =	vld [tilespmem:s23+$0x60];
	[tilespmem:s22+$0x70] =	vst v13;
	v13 =	vmul.f32 v10, v16  }
0xe8: {  	v11 =	vmul.f32 v18, v16;
	v9 =	vmul.f32 v12, v16;
	[tilespmem:s22+$0x20] =	vst v19;
	v5 =	vld [tilespmem:s23+$0x40]  }
0xe9: {  	s17 =	simm.s32 $0x6;
	s16 =	simm.s32 $0x5D00;
	v10 =	vmul.f32 v62, v16;
	v12 =	vmul.f32 v15, v16;
	[tilespmem:s22+$0x10] =	vst v13;
	v13 =	vld [tilespmem:s23+$0x70]  }
.LBB2_7:
0xea: {  	p0 =	slt.u32 s17, $0x5E;
	v15 =	vld.idx.msk [tilespmem:v14+s0+$0x0], $0xffff;
	s23 =	sadd.s32 $0x100, s23;
	[tilespmem:s22+$0x30] =	vst v9  }
0xeb: {  	v9 =	vld [tilespmem:s23+$0xFFFFFF80];
	[tilespmem:s22+$0x40] =	vst v10  }
0xec: {  	v10 =	vld [tilespmem:s23+$0xFFFFFF90];
	[tilespmem:s22+$0x50] =	vst v11  }
0xed: {  	v11 =	vld [tilespmem:s23+$0xFFFFFFA0];
	[tilespmem:s22+$0x60] =	vst v12;
	s22 =	smov.u32 s16;
	s16 =	smov.u32 s23  }
0xee: {  	v1 =	vmul.f32 v1, v8;
	v12 =	vld [tilespmem:s23+$0xFFFFFFB0];
	v13 =	vmul.f32 v13, v8  }
0xef: {  	v16 =	vmul.f32 v2, v8;
	v17 =	vmul.f32 v3, v8;
	v14 =	vld [tilespmem:s23+$0xFFFFFFC0]  }
0xf0: {  	v2 =	vmul.f32 v9, v15;
	v3 =	vld [tilespmem:s23+$0xFFFFFFD0];
	v9 =	vmul.f32 v4, v8;
	[tilespmem:s22+$0x70] =	vst v13  }
0xf1: {  	v4 =	vmul.f32 v10, v15;
	v13 =	vld [tilespmem:s23+$0xFFFFFFE0];
	[tilespmem:s22+$0x0] =	vst v1;
	v10 =	vmul.f32 v5, v8  }
0xf2: {  	[tilespmem:s23+$0xFFFFFF80] =	vst v2;
	v2 =	vmul.f32 v11, v15;
	v5 =	vld [tilespmem:s23+$0xFFFFFFF0];
	v11 =	vmul.f32 v6, v8  }
0xf3: {  	[tilespmem:s23+$0xFFFFFF90] =	vst v4;
	v4 =	vmul.f32 v12, v15;
	v1 =	vld [tilespmem:s23+$0x0];
	v12 =	vmul.f32 v7, v8  }
0xf4: {  	s25 =	sadd.s32 $0x1, s8;
	s8 =	smov.u32 s17;
	v6 =	vmov s17;
	[tilespmem:s23+$0xFFFFFFA0] =	vst v2;
	v7 =	vmul.f32 v14, v15;
	v2 =	vld [tilespmem:s23+$0x10]  }
0xf5: {  	v18 =	vmov s25;
	v6 =	vand.u32 $0xFFFFFFFE, v6;
	[tilespmem:s23+$0xFFFFFFB0] =	vst v4;
	v8 =	vmul.f32 v3, v15;
	v3 =	vld [tilespmem:s23+$0x20]  }
0xf6: {  	v14 =	vbroadcast v6, $0x0;
	[tilespmem:s23+$0xFFFFFFC0] =	vst v7;
	v6 =	vmul.f32 v13, v15;
	v4 =	vld [tilespmem:s23+$0x30]  }
.Ltmp2:
0xf7: {  	[tilespmem:s23+$0xFFFFFFD0] =	vst v8;
	v7 =	vmul.f32 v5, v15;
	v5 =	vld [tilespmem:s23+$0x40];
	(pc) =	sbr.rel @p0 .LBB2_7-.Ltmp2, $4  }
0xf8: {  	[tilespmem:s23+$0xFFFFFFE0] =	vst v6;
	v6 =	vld [tilespmem:s23+$0x50]  }
0xf9: {  	[tilespmem:s23+$0xFFFFFFF0] =	vst v7;
	v7 =	vld [tilespmem:s23+$0x60]  }
0xfa: {  	v8 =	vld.idx.msk [tilespmem:v18+s0+$0x0], $0xffff;
	[tilespmem:s22+$0x10] =	vst v16  }
0xfb: {  	s17 =	sadd.s32 $0x2, s17;
	v13 =	vld [tilespmem:s23+$0x70];
	[tilespmem:s22+$0x20] =	vst v17  }
0xfc: {  	_ =	sdelay $0x3  }
0xfd: {  	v14 =	vld.idx.msk [tilespmem:v14+s0+$0x0], $0xffff;
	s17 =	sadd.s32 $0x100, s23  }
0xfe: {  	v15 =	vld [tilespmem:s17+$0xFFFFFF80]  }
0xff: {  	v16 =	vld [tilespmem:s17+$0xFFFFFF90]  }
0x100: {  	[tilespmem:s22+$0x30] =	vst v9;
	v9 =	vld [tilespmem:s17+$0xFFFFFFB0]  }
0x101: {  	[tilespmem:s22+$0x40] =	vst v10;
	v17 =	vld [tilespmem:s17+$0xFFFFFFA0]  }
0x102: {  	[tilespmem:s22+$0x50] =	vst v11;
	v10 =	vld [tilespmem:s17+$0xFFFFFFC0];
	v1 =	vmul.f32 v1, v8  }
0x103: {  	[tilespmem:s22+$0x60] =	vst v12;
	v11 =	vmul.f32 v15, v14;
	v15 =	vld [tilespmem:s17+$0xFFFFFFD0]  }
0x104: {  	v59 =	vld [tilespmem:s17+$0xFFFFFFE0];
	[tilespmem:s16+$0x0] =	vst v1;
	v12 =	vmul.f32 v16, v14  }
0x105: {  	v60 =	vld [tilespmem:s17+$0xFFFFFFF0];
	v9 =	vmul.f32 v9, v14;
	[tilespmem:s17+$0xFFFFFF80] =	vst v11  }
0x106: {  	v11 =	vmul.f32 v17, v14;
	[tilespmem:s17+$0xFFFFFF90] =	vst v12  }
0x107: {  	s8 =	sadd.s32 $0x1, s8;
	v10 =	vmul.f32 v10, v14;
	[tilespmem:s17+$0xFFFFFFB0] =	vst v9  }
0x108: {  	[tilespmem:s17+$0xFFFFFFA0] =	vst v11;
	v11 =	vmov s8;
	v9 =	vmul.f32 v15, v14  }
0x109: {  	[tilespmem:s17+$0xFFFFFFC0] =	vst v10;
	v10 =	vmul.f32 v59, v14  }
0x10a: {  	[tilespmem:s17+$0xFFFFFFD0] =	vst v9;
	v9 =	vmul.f32 v60, v14  }
0x10b: {  	v2 =	vmul.f32 v2, v8;
	[tilespmem:s17+$0xFFFFFFE0] =	vst v10  }
0x10c: {  	v3 =	vmul.f32 v3, v8;
	v1 =	vld [tilespmem:s17+$0x70];
	[tilespmem:s17+$0xFFFFFFF0] =	vst v9  }
0x10d: {  	v4 =	vmul.f32 v4, v8;
	[tilespmem:s16+$0x10] =	vst v2;
	v9 =	vld.idx.msk [tilespmem:v11+s0+$0x0], $0xffff  }
0x10e: {  	v2 =	vmul.f32 v5, v8;
	[tilespmem:s16+$0x20] =	vst v3;
	v10 =	vld [tilespmem:s17+$0x0]  }
0x10f: {  	v5 =	vld [tilespmem:s17+$0x10];
	v3 =	vmul.f32 v6, v8;
	[tilespmem:s16+$0x30] =	vst v4  }
0x110: {  	v4 =	vmul.f32 v7, v8;
	[tilespmem:s16+$0x40] =	vst v2;
	v2 =	vld [tilespmem:s17+$0x40]  }
0x111: {  	v6 =	vld [tilespmem:s17+$0x20];
	[tilespmem:s16+$0x50] =	vst v3;
	v12 =	vmul.f32 v13, v8  }
0x112: {  	v7 =	vld [tilespmem:s17+$0x30];
	[tilespmem:s16+$0x60] =	vst v4;
	v1 =	vmul.f32 v1, v9  }
0x113: {  	v3 =	vld [tilespmem:s17+$0x50];
	[tilespmem:s16+$0x70] =	vst v12;
	v4 =	vmul.f32 v10, v9  }
0x114: {  	v8 =	vld [tilespmem:s17+$0x60];
	v5 =	vmul.f32 v5, v9;
	[tilespmem:s17+$0x70] =	vst v1  }
0x115: {  	v2 =	vmul.f32 v2, v9;
	[tilespmem:s17+$0x0] =	vst v4  }
0x116: {  	v1 =	vmul.f32 v6, v9;
	[tilespmem:s17+$0x10] =	vst v5  }
0x117: {  	v4 =	vmul.f32 v7, v9;
	[tilespmem:s17+$0x40] =	vst v2  }
0x118: {  	[tilespmem:s17+$0x20] =	vst v1;
	v1 =	vmul.f32 v3, v9  }
0x119: {  	[tilespmem:s17+$0x30] =	vst v4;
	v3 =	vmul.f32 v8, v9  }
0x11a: {  	[tilespmem:s17+$0x50] =	vst v1  }
0x11b: {  	[tilespmem:s17+$0x60] =	vst v3  }
0x11c: {  	[spmem:s5] =	stream.indirect.scatter.add.f32 [tilespmem:s31], [sflag:$0x5], $0x80, s3, s28, $0xb8;
	[tilespmem:$0x1FB80] =	vst v63  }
0x11d: {  	s22 =	sadd.s32 $0x120, s21;
	_ =	swait.ge [sflag:s13], $0x3000  }
0x11e: {  	s8 =	sadd.s32 s6, s22;
	[sflag:s13] =	ssyncset.done $0x0  }
0x11f: {  	s8 =	sshrl.u32 s8, $0x3;
	[sflag:s13] =	ssyncadd.s32 $0xFFFFD000  }
0x120: {  	[tilespmem:s24], [sflag:$0x1] =	stream.indirect.gather [hbm4b:s1+s28], $0x80, s22, s28, $0xb8;
	[tilespmem:$0x1FB80] =	vst v63  }
0x121: {  	s25 =	simm.s32 $0x0;
	s23 =	sadd.s32 s2, s8  }
0x122: {  	[tilespmem:s29], [sflag:$0x1] =	stream.linear.gather [hbm4b:s23+s25], $0x60, $0x38;
	[tilespmem:$0x1FB80] =	vst v63  }
0x123: {  	s8 =	sadd.s32 s4, s8  }
0x124: {  	[tilespmem:s30], [sflag:$0x1] =	stream.linear.gather [hbm4b:s8+s25], $0x60, $0x38;
	[tilespmem:$0x1FB80] =	vst v63  }
0x125: {  	_ =	swait.ge [sflag:s14], $0x3000  }
0x126: {  	v1 =	vmov s25;
	[sflag:s14] =	ssyncset.done $0x0  }
0x127: {  	v1 =	vand.u32 $0xFFFFFFFE, v1;
	[sflag:s14] =	ssyncadd.s32 $0xFFFFD000  }
0x128: {  	v1 =	vbroadcast v1, $0x0;
	_ =	swait.ge [sflag:s14], $0x60  }
0x129: {  	[sflag:s14] =	ssyncset.done $0x0  }
0x12a: {  	[sflag:s14] =	ssyncadd.s32 $0xFFFFFFA0  }
0x12b: {  	_ =	swait.ge [sflag:s14], $0x60  }
0x12c: {  	[sflag:s14] =	ssyncset.done $0x0  }
0x12d: {  	[sflag:s14] =	ssyncadd.s32 $0xFFFFFFA0  }
0x12e: {  	s22 =	simm.s32 $0x8C00;
	v1 =	vld.idx.msk [tilespmem:v1+s11+$0x0], $0xffff  }
0x12f: {  	v3 =	vld [tilespmem:s22+$0xFFFFFF90];
	_ =	sdelay $0x2  }
0x130: {  	v2 =	vld [tilespmem:s22+$0xFFFFFF80]  }
0x131: {  	v4 =	vld [tilespmem:s22+$0xFFFFFFA0]  }
0x132: {  	v5 =	vld [tilespmem:s22+$0xFFFFFFB0];
	v3 =	vmul.f32 v3, v1  }
0x133: {  	s16 =	simm.s32 $0x2;
	v6 =	vld [tilespmem:s22+$0xFFFFFFC0]  }
0x134: {  	v7 =	vld [tilespmem:s22+$0xFFFFFFD0];
	[tilespmem:s22+$0xFFFFFF90] =	vst v3;
	v3 =	vmov s16  }
0x135: {  	v8 =	vld [tilespmem:s22+$0xFFFFFFE0];
	v3 =	vand.u32 $0xFFFFFFFE, v3  }
0x136: {  	v9 =	vld [tilespmem:s22+$0x0];
	v3 =	vbroadcast v3, $0x0  }
0x137: {  	v10 =	vld [tilespmem:s22+$0x10]  }
0x138: {  	v11 =	vld [tilespmem:s22+$0x20]  }
0x139: {  	s23 =	simm.s32 $0x8D00;
	v12 =	vld [tilespmem:s22+$0x30];
	v2 =	vmul.f32 v2, v1  }
0x13a: {  	v13 =	vld [tilespmem:s23+$0xFFFFFFB0];
	v4 =	vmul.f32 v4, v1  }
0x13b: {  	[tilespmem:s22+$0xFFFFFF80] =	vst v2;
	v2 =	vld [tilespmem:s22+$0xFFFFFFF0]  }
0x13c: {  	[tilespmem:s22+$0xFFFFFFA0] =	vst v4;
	v4 =	vmul.f32 v6, v1;
	v6 =	vld.idx.msk [tilespmem:v3+s11+$0x0], $0xffff  }
0x13d: {  	v5 =	vmul.f32 v5, v1;
	v3 =	vld [tilespmem:s23+$0xFFFFFF80]  }
0x13e: {  	v7 =	vmul.f32 v7, v1;
	[tilespmem:s22+$0xFFFFFFC0] =	vst v4;
	v4 =	vld [tilespmem:s23+$0xFFFFFF90]  }
0x13f: {  	v8 =	vmul.f32 v8, v1;
	[tilespmem:s22+$0xFFFFFFB0] =	vst v5;
	v5 =	vld [tilespmem:s23+$0xFFFFFFA0]  }
0x140: {  	[tilespmem:s22+$0xFFFFFFD0] =	vst v7;
	v7 =	vld [tilespmem:s23+$0xFFFFFFE0]  }
0x141: {  	s17 =	simm.s32 $0x1;
	[tilespmem:s22+$0xFFFFFFE0] =	vst v8;
	v8 =	vld [tilespmem:s23+$0xFFFFFFF0];
	v1 =	vmul.f32 v2, v1  }
0x142: {  	v61 =	vmov s17;
	v14 =	vld [tilespmem:s23+$0xFFFFFFC0];
	v3 =	vmul.f32 v3, v6  }
0x143: {  	v15 =	vld [tilespmem:s23+$0xFFFFFFD0];
	[tilespmem:s22+$0xFFFFFFF0] =	vst v1;
	v4 =	vmul.f32 v4, v6  }
0x144: {  	v62 =	vld [tilespmem:s22+$0x40];
	v2 =	vmul.f32 v5, v6;
	[tilespmem:s23+$0xFFFFFF80] =	vst v3  }
0x145: {  	v18 =	vld [tilespmem:s22+$0x50];
	v7 =	vmul.f32 v7, v6;
	[tilespmem:s23+$0xFFFFFF90] =	vst v4  }
0x146: {  	s25 =	simm.s32 $0x3;
	v1 =	vld [tilespmem:s23+$0x0];
	v8 =	vmul.f32 v8, v6;
	[tilespmem:s23+$0xFFFFFFA0] =	vst v2  }
0x147: {  	v16 =	vld.idx.msk [tilespmem:v61+s11+$0x0], $0xffff;
	v3 =	vmul.f32 v13, v6;
	v4 =	vmul.f32 v14, v6;
	v14 =	vmov s25;
	[tilespmem:s23+$0xFFFFFFE0] =	vst v7  }
0x148: {  	v5 =	vld [tilespmem:s22+$0x70];
	[tilespmem:s23+$0xFFFFFFF0] =	vst v8  }
0x149: {  	s8 =	simm.s32 $0x4;
	v2 =	vld [tilespmem:s23+$0x10];
	v13 =	vmul.f32 v15, v6;
	[tilespmem:s23+$0xFFFFFFB0] =	vst v3  }
0x14a: {  	v15 =	vld [tilespmem:s22+$0x60];
	v8 =	vmov s8;
	[tilespmem:s23+$0xFFFFFFC0] =	vst v4  }
0x14b: {  	v6 =	vld [tilespmem:s23+$0x50];
	v63 =	vand.u32 $0xFFFFFFFE, v8;
	[tilespmem:s23+$0xFFFFFFD0] =	vst v13  }
0x14c: {  	v7 =	vmul.f32 v9, v16;
	v8 =	vld.idx.msk [tilespmem:v14+s11+$0x0], $0xffff;
	v14 =	vbroadcast v63, $0x0  }
0x14d: {  	v3 =	vld [tilespmem:s23+$0x20];
	v13 =	vmul.f32 v5, v16  }
0x14e: {  	v19 =	vmul.f32 v11, v16;
	v4 =	vld [tilespmem:s23+$0x30];
	[tilespmem:s22+$0x0] =	vst v7  }
0x14f: {  	v7 =	vld [tilespmem:s23+$0x60];
	[tilespmem:s22+$0x70] =	vst v13;
	v13 =	vmul.f32 v10, v16  }
0x150: {  	v11 =	vmul.f32 v18, v16;
	v9 =	vmul.f32 v12, v16;
	[tilespmem:s22+$0x20] =	vst v19;
	v5 =	vld [tilespmem:s23+$0x40]  }
0x151: {  	s17 =	simm.s32 $0x6;
	s16 =	simm.s32 $0x8D00;
	v10 =	vmul.f32 v62, v16;
	v12 =	vmul.f32 v15, v16;
	[tilespmem:s22+$0x10] =	vst v13;
	v13 =	vld [tilespmem:s23+$0x70]  }
.LBB2_9:
0x152: {  	p0 =	slt.u32 s17, $0x5E;
	v15 =	vld.idx.msk [tilespmem:v14+s11+$0x0], $0xffff;
	s23 =	sadd.s32 $0x100, s23;
	[tilespmem:s22+$0x30] =	vst v9  }
0x153: {  	v9 =	vld [tilespmem:s23+$0xFFFFFF80];
	[tilespmem:s22+$0x40] =	vst v10  }
0x154: {  	v10 =	vld [tilespmem:s23+$0xFFFFFF90];
	[tilespmem:s22+$0x50] =	vst v11  }
0x155: {  	v11 =	vld [tilespmem:s23+$0xFFFFFFA0];
	[tilespmem:s22+$0x60] =	vst v12;
	s22 =	smov.u32 s16;
	s16 =	smov.u32 s23  }
0x156: {  	v1 =	vmul.f32 v1, v8;
	v12 =	vld [tilespmem:s23+$0xFFFFFFB0];
	v13 =	vmul.f32 v13, v8  }
0x157: {  	v16 =	vmul.f32 v2, v8;
	v17 =	vmul.f32 v3, v8;
	v14 =	vld [tilespmem:s23+$0xFFFFFFC0]  }
0x158: {  	v2 =	vmul.f32 v9, v15;
	v3 =	vld [tilespmem:s23+$0xFFFFFFD0];
	v9 =	vmul.f32 v4, v8;
	[tilespmem:s22+$0x70] =	vst v13  }
0x159: {  	v4 =	vmul.f32 v10, v15;
	v13 =	vld [tilespmem:s23+$0xFFFFFFE0];
	[tilespmem:s22+$0x0] =	vst v1;
	v10 =	vmul.f32 v5, v8  }
0x15a: {  	[tilespmem:s23+$0xFFFFFF80] =	vst v2;
	v2 =	vmul.f32 v11, v15;
	v5 =	vld [tilespmem:s23+$0xFFFFFFF0];
	v11 =	vmul.f32 v6, v8  }
0x15b: {  	[tilespmem:s23+$0xFFFFFF90] =	vst v4;
	v4 =	vmul.f32 v12, v15;
	v1 =	vld [tilespmem:s23+$0x0];
	v12 =	vmul.f32 v7, v8  }
0x15c: {  	s25 =	sadd.s32 $0x1, s8;
	s8 =	smov.u32 s17;
	v6 =	vmov s17;
	[tilespmem:s23+$0xFFFFFFA0] =	vst v2;
	v7 =	vmul.f32 v14, v15;
	v2 =	vld [tilespmem:s23+$0x10]  }
0x15d: {  	v18 =	vmov s25;
	v6 =	vand.u32 $0xFFFFFFFE, v6;
	[tilespmem:s23+$0xFFFFFFB0] =	vst v4;
	v8 =	vmul.f32 v3, v15;
	v3 =	vld [tilespmem:s23+$0x20]  }
0x15e: {  	v14 =	vbroadcast v6, $0x0;
	[tilespmem:s23+$0xFFFFFFC0] =	vst v7;
	v6 =	vmul.f32 v13, v15;
	v4 =	vld [tilespmem:s23+$0x30]  }
.Ltmp3:
0x15f: {  	[tilespmem:s23+$0xFFFFFFD0] =	vst v8;
	v7 =	vmul.f32 v5, v15;
	v5 =	vld [tilespmem:s23+$0x40];
	(pc) =	sbr.rel @p0 .LBB2_9-.Ltmp3, $4  }
0x160: {  	[tilespmem:s23+$0xFFFFFFE0] =	vst v6;
	v6 =	vld [tilespmem:s23+$0x50]  }
0x161: {  	[tilespmem:s23+$0xFFFFFFF0] =	vst v7;
	v7 =	vld [tilespmem:s23+$0x60]  }
0x162: {  	v8 =	vld.idx.msk [tilespmem:v18+s11+$0x0], $0xffff;
	[tilespmem:s22+$0x10] =	vst v16  }
0x163: {  	s17 =	sadd.s32 $0x2, s17;
	v13 =	vld [tilespmem:s23+$0x70];
	[tilespmem:s22+$0x20] =	vst v17  }
0x164: {  	_ =	sdelay $0x3  }
0x165: {  	v14 =	vld.idx.msk [tilespmem:v14+s11+$0x0], $0xffff;
	s17 =	sadd.s32 $0x100, s23  }
0x166: {  	v15 =	vld [tilespmem:s17+$0xFFFFFF80]  }
0x167: {  	v16 =	vld [tilespmem:s17+$0xFFFFFF90]  }
0x168: {  	[tilespmem:s22+$0x30] =	vst v9;
	v17 =	vld [tilespmem:s17+$0xFFFFFFA0]  }
0x169: {  	[tilespmem:s22+$0x40] =	vst v10;
	v43 =	vld [tilespmem:s17+$0xFFFFFFB0]  }
0x16a: {  	[tilespmem:s22+$0x50] =	vst v11;
	v44 =	vld [tilespmem:s17+$0xFFFFFFC0];
	v1 =	vmul.f32 v1, v8  }
0x16b: {  	[tilespmem:s22+$0x60] =	vst v12;
	v46 =	vld [tilespmem:s17+$0xFFFFFFD0];
	v45 =	vmul.f32 v15, v14  }
0x16c: {  	v48 =	vld [tilespmem:s17+$0xFFFFFFE0];
	[tilespmem:s16+$0x0] =	vst v1;
	v47 =	vmul.f32 v16, v14  }
0x16d: {  	v50 =	vld [tilespmem:s17+$0xFFFFFFF0];
	v49 =	vmul.f32 v17, v14;
	[tilespmem:s17+$0xFFFFFF80] =	vst v45  }
0x16e: {  	v9 =	vmul.f32 v43, v14;
	[tilespmem:s17+$0xFFFFFF90] =	vst v47  }
0x16f: {  	s8 =	sadd.s32 $0x1, s8;
	v10 =	vmul.f32 v44, v14;
	[tilespmem:s17+$0xFFFFFFA0] =	vst v49  }
0x170: {  	v52 =	vmov s8;
	v51 =	vmul.f32 v46, v14;
	[tilespmem:s17+$0xFFFFFFB0] =	vst v9  }
0x171: {  	v53 =	vmul.f32 v48, v14;
	[tilespmem:s17+$0xFFFFFFC0] =	vst v10  }
0x172: {  	v54 =	vmul.f32 v50, v14;
	[tilespmem:s17+$0xFFFFFFD0] =	vst v51  }
0x173: {  	v2 =	vmul.f32 v2, v8;
	[tilespmem:s17+$0xFFFFFFE0] =	vst v53  }
0x174: {  	v3 =	vmul.f32 v3, v8;
	v1 =	vld [tilespmem:s17+$0x70];
	[tilespmem:s17+$0xFFFFFFF0] =	vst v54  }
0x175: {  	v4 =	vmul.f32 v4, v8;
	[tilespmem:s16+$0x10] =	vst v2;
	v9 =	vld.idx.msk [tilespmem:v52+s11+$0x0], $0xffff  }
0x176: {  	v56 =	vld [tilespmem:s17+$0x0];
	v59 =	vmul.f32 v7, v8;
	[tilespmem:s16+$0x20] =	vst v3  }
0x177: {  	v57 =	vld [tilespmem:s17+$0x10];
	v55 =	vmul.f32 v13, v8;
	[tilespmem:s16+$0x30] =	vst v4  }
0x178: {  	v60 =	vld [tilespmem:s17+$0x30];
	v2 =	vmul.f32 v5, v8;
	[tilespmem:s16+$0x60] =	vst v59  }
0x179: {  	v58 =	vld [tilespmem:s17+$0x20];
	v3 =	vmul.f32 v6, v8;
	[tilespmem:s16+$0x70] =	vst v55  }
0x17a: {  	[tilespmem:s16+$0x40] =	vst v2;
	v2 =	vld [tilespmem:s17+$0x40];
	v1 =	vmul.f32 v1, v9  }
0x17b: {  	[tilespmem:s16+$0x50] =	vst v3;
	v3 =	vld [tilespmem:s17+$0x50];
	v61 =	vmul.f32 v56, v9  }
0x17c: {  	v62 =	vld [tilespmem:s17+$0x60];
	v5 =	vmul.f32 v57, v9;
	[tilespmem:s17+$0x70] =	vst v1  }
0x17d: {  	v63 =	vmul.f32 v60, v9;
	[tilespmem:s17+$0x0] =	vst v61  }
0x17e: {  	v1 =	vmul.f32 v58, v9;
	[tilespmem:s17+$0x10] =	vst v5  }
0x17f: {  	v2 =	vmul.f32 v2, v9;
	[tilespmem:s17+$0x30] =	vst v63  }
0x180: {  	[tilespmem:s17+$0x20] =	vst v1;
	v1 =	vmul.f32 v3, v9  }
0x181: {  	[tilespmem:s17+$0x40] =	vst v2;
	v3 =	vmul.f32 v62, v9  }
0x182: {  	[tilespmem:s17+$0x50] =	vst v1  }
0x183: {  	[tilespmem:s17+$0x60] =	vst v3  }
0x184: {  	[spmem:s5] =	stream.indirect.scatter.add.f32 [tilespmem:s9], [sflag:$0x6], $0x80, s10, s28, $0xb8;
	[tilespmem:$0x1FB80] =	vst v63  }
0x185: {  	_ =	swait.ge [sflag:s15], $0x3000  }
0x186: {  	s23 =	sadd.s32 $0x180, s21;
	s20 =	sadd.s32 $0x1, s20;
	[sflag:s15] =	ssyncset.done $0x0  }
0x187: {  	s8 =	sadd.s32 s6, s23;
	p0 =	sne.s32 s20, $0x22;
	[sflag:s15] =	ssyncadd.s32 $0xFFFFD000  }
0x188: {  	[tilespmem:s31], [sflag:$0x2] =	stream.indirect.gather [hbm4b:s1+s28], $0x80, s23, s28, $0xb8;
	[tilespmem:$0x1FB80] =	vst v63  }
.Ltmp4:
0x189: {  	s8 =	sshrl.u32 s8, $0x3;
	(pc) =	sbr.rel @p0 .LBB2_4-.Ltmp4, $4  }
0x18a: {  	s25 =	sadd.s32 s2, s8  }
0x18b: {  	[tilespmem:s3], [sflag:$0x2] =	stream.linear.gather [hbm4b:s25+s7], $0x60, $0x38;
	[tilespmem:$0x1FB80] =	vst v63  }
0x18c: {  	s8 =	sadd.s32 s4, s8  }
0x18d: {  	[tilespmem:s0], [sflag:$0x2] =	stream.linear.gather [hbm4b:s8+s7], $0x60, $0x38;
	[tilespmem:$0x1FB80] =	vst v63  }
0x18e: {  	_ =	swait.ge [sflag:s26], $0x3000;
	s8 =	simm.s32 $0x0  }
0x18f: {  	[sflag:s26] =	ssyncset.done $0x0;
	v1 =	vmov s8  }
0x190: {  	[sflag:s26] =	ssyncadd.s32 $0xFFFFD000;
	v1 =	vand.u32 $0xFFFFFFFE, v1  }
0x191: {  	_ =	swait.ge [sflag:s26], $0x60;
	v1 =	vbroadcast v1, $0x0  }
0x192: {  	[sflag:s26] =	ssyncset.done $0x0  }
0x193: {  	[sflag:s26] =	ssyncadd.s32 $0xFFFFFFA0  }
0x194: {  	_ =	swait.ge [sflag:s26], $0x60  }
0x195: {  	[sflag:s26] =	ssyncset.done $0x0  }
0x196: {  	[sflag:s26] =	ssyncadd.s32 $0xFFFFFFA0  }
0x197: {  	s19 =	simm.s32 $0x2C00;
	v1 =	vld.idx.msk [tilespmem:v1+s30+$0x0], $0xffff  }
0x198: {  	v3 =	vld [tilespmem:s19+$0xFFFFFF90];
	_ =	sdelay $0x2  }
0x199: {  	v2 =	vld [tilespmem:s19+$0xFFFFFF80]  }
0x19a: {  	v4 =	vld [tilespmem:s19+$0xFFFFFFA0]  }
0x19b: {  	v5 =	vld [tilespmem:s19+$0xFFFFFFB0];
	v3 =	vmul.f32 v3, v1  }
0x19c: {  	s22 =	simm.s32 $0x2;
	v6 =	vld [tilespmem:s19+$0xFFFFFFC0]  }
0x19d: {  	v7 =	vld [tilespmem:s19+$0xFFFFFFD0];
	[tilespmem:s19+$0xFFFFFF90] =	vst v3;
	v3 =	vmov s22  }
0x19e: {  	v8 =	vld [tilespmem:s19+$0xFFFFFFE0];
	v3 =	vand.u32 $0xFFFFFFFE, v3  }
0x19f: {  	v9 =	vld [tilespmem:s19+$0x0];
	v3 =	vbroadcast v3, $0x0  }
0x1a0: {  	v10 =	vld [tilespmem:s19+$0x10]  }
0x1a1: {  	v11 =	vld [tilespmem:s19+$0x20]  }
0x1a2: {  	s20 =	simm.s32 $0x2D00;
	v12 =	vld [tilespmem:s19+$0x30];
	v2 =	vmul.f32 v2, v1  }
0x1a3: {  	v13 =	vld [tilespmem:s20+$0xFFFFFFB0];
	v4 =	vmul.f32 v4, v1  }
0x1a4: {  	[tilespmem:s19+$0xFFFFFF80] =	vst v2;
	v2 =	vld [tilespmem:s19+$0xFFFFFFF0]  }
0x1a5: {  	[tilespmem:s19+$0xFFFFFFA0] =	vst v4;
	v4 =	vmul.f32 v6, v1;
	v6 =	vld.idx.msk [tilespmem:v3+s30+$0x0], $0xffff  }
0x1a6: {  	v5 =	vmul.f32 v5, v1;
	v3 =	vld [tilespmem:s20+$0xFFFFFF80]  }
0x1a7: {  	v7 =	vmul.f32 v7, v1;
	[tilespmem:s19+$0xFFFFFFC0] =	vst v4;
	v4 =	vld [tilespmem:s20+$0xFFFFFF90]  }
0x1a8: {  	v8 =	vmul.f32 v8, v1;
	[tilespmem:s19+$0xFFFFFFB0] =	vst v5;
	v5 =	vld [tilespmem:s20+$0xFFFFFFA0]  }
0x1a9: {  	[tilespmem:s19+$0xFFFFFFD0] =	vst v7;
	v7 =	vld [tilespmem:s20+$0xFFFFFFE0]  }
0x1aa: {  	s23 =	simm.s32 $0x1;
	[tilespmem:s19+$0xFFFFFFE0] =	vst v8;
	v8 =	vld [tilespmem:s20+$0xFFFFFFF0];
	v1 =	vmul.f32 v2, v1  }
0x1ab: {  	v16 =	vmov s23;
	v14 =	vld [tilespmem:s20+$0xFFFFFFC0];
	v3 =	vmul.f32 v3, v6  }
0x1ac: {  	v15 =	vld [tilespmem:s20+$0xFFFFFFD0];
	[tilespmem:s19+$0xFFFFFFF0] =	vst v1;
	v4 =	vmul.f32 v4, v6  }
0x1ad: {  	v17 =	vld [tilespmem:s19+$0x40];
	v2 =	vmul.f32 v5, v6;
	[tilespmem:s20+$0xFFFFFF80] =	vst v3  }
0x1ae: {  	v18 =	vld [tilespmem:s19+$0x50];
	v7 =	vmul.f32 v7, v6;
	[tilespmem:s20+$0xFFFFFF90] =	vst v4  }
0x1af: {  	s25 =	simm.s32 $0x3;
	v1 =	vld [tilespmem:s20+$0x0];
	v8 =	vmul.f32 v8, v6;
	[tilespmem:s20+$0xFFFFFFA0] =	vst v2  }
0x1b0: {  	v16 =	vld.idx.msk [tilespmem:v16+s30+$0x0], $0xffff;
	v3 =	vmul.f32 v13, v6;
	v4 =	vmul.f32 v14, v6;
	v14 =	vmov s25;
	[tilespmem:s20+$0xFFFFFFE0] =	vst v7  }
0x1b1: {  	v5 =	vld [tilespmem:s19+$0x70];
	[tilespmem:s20+$0xFFFFFFF0] =	vst v8  }
0x1b2: {  	s8 =	simm.s32 $0x4;
	v2 =	vld [tilespmem:s20+$0x10];
	v13 =	vmul.f32 v15, v6;
	[tilespmem:s20+$0xFFFFFFB0] =	vst v3  }
0x1b3: {  	v15 =	vld [tilespmem:s19+$0x60];
	v8 =	vmov s8;
	[tilespmem:s20+$0xFFFFFFC0] =	vst v4  }
0x1b4: {  	v6 =	vld [tilespmem:s20+$0x50];
	v63 =	vand.u32 $0xFFFFFFFE, v8;
	[tilespmem:s20+$0xFFFFFFD0] =	vst v13  }
0x1b5: {  	v7 =	vmul.f32 v9, v16;
	v8 =	vld.idx.msk [tilespmem:v14+s30+$0x0], $0xffff;
	v14 =	vbroadcast v63, $0x0  }
0x1b6: {  	v3 =	vld [tilespmem:s20+$0x20];
	v13 =	vmul.f32 v5, v16  }
0x1b7: {  	v19 =	vmul.f32 v11, v16;
	v4 =	vld [tilespmem:s20+$0x30];
	[tilespmem:s19+$0x0] =	vst v7  }
0x1b8: {  	v7 =	vld [tilespmem:s20+$0x60];
	[tilespmem:s19+$0x70] =	vst v13;
	v13 =	vmul.f32 v10, v16  }
0x1b9: {  	v11 =	vmul.f32 v18, v16;
	v9 =	vmul.f32 v12, v16;
	[tilespmem:s19+$0x20] =	vst v19;
	v5 =	vld [tilespmem:s20+$0x40]  }
0x1ba: {  	s17 =	simm.s32 $0x6;
	s16 =	simm.s32 $0x2D00;
	v10 =	vmul.f32 v17, v16;
	v12 =	vmul.f32 v15, v16;
	[tilespmem:s19+$0x10] =	vst v13;
	v13 =	vld [tilespmem:s20+$0x70]  }
.LBB2_12:
0x1bb: {  	p0 =	slt.u32 s17, $0x5E;
	v15 =	vld.idx.msk [tilespmem:v14+s30+$0x0], $0xffff;
	s20 =	sadd.s32 $0x100, s20;
	[tilespmem:s19+$0x30] =	vst v9  }
0x1bc: {  	v9 =	vld [tilespmem:s20+$0xFFFFFF80];
	[tilespmem:s19+$0x40] =	vst v10  }
0x1bd: {  	v10 =	vld [tilespmem:s20+$0xFFFFFF90];
	[tilespmem:s19+$0x50] =	vst v11  }
0x1be: {  	v11 =	vld [tilespmem:s20+$0xFFFFFFA0];
	[tilespmem:s19+$0x60] =	vst v12;
	s19 =	smov.u32 s16;
	s16 =	smov.u32 s20  }
0x1bf: {  	v1 =	vmul.f32 v1, v8;
	v12 =	vld [tilespmem:s20+$0xFFFFFFB0];
	v13 =	vmul.f32 v13, v8  }
0x1c0: {  	v16 =	vmul.f32 v2, v8;
	v17 =	vmul.f32 v3, v8;
	v14 =	vld [tilespmem:s20+$0xFFFFFFC0]  }
0x1c1: {  	v2 =	vmul.f32 v9, v15;
	v3 =	vld [tilespmem:s20+$0xFFFFFFD0];
	v9 =	vmul.f32 v4, v8;
	[tilespmem:s19+$0x70] =	vst v13  }
0x1c2: {  	v4 =	vmul.f32 v10, v15;
	v13 =	vld [tilespmem:s20+$0xFFFFFFE0];
	[tilespmem:s19+$0x0] =	vst v1;
	v10 =	vmul.f32 v5, v8  }
0x1c3: {  	[tilespmem:s20+$0xFFFFFF80] =	vst v2;
	v2 =	vmul.f32 v11, v15;
	v5 =	vld [tilespmem:s20+$0xFFFFFFF0];
	v11 =	vmul.f32 v6, v8  }
0x1c4: {  	[tilespmem:s20+$0xFFFFFF90] =	vst v4;
	v4 =	vmul.f32 v12, v15;
	v1 =	vld [tilespmem:s20+$0x0];
	v12 =	vmul.f32 v7, v8  }
0x1c5: {  	s21 =	sadd.s32 $0x1, s8;
	s8 =	smov.u32 s17;
	v6 =	vmov s17;
	[tilespmem:s20+$0xFFFFFFA0] =	vst v2;
	v7 =	vmul.f32 v14, v15;
	v2 =	vld [tilespmem:s20+$0x10]  }
0x1c6: {  	v18 =	vmov s21;
	v6 =	vand.u32 $0xFFFFFFFE, v6;
	[tilespmem:s20+$0xFFFFFFB0] =	vst v4;
	v8 =	vmul.f32 v3, v15;
	v3 =	vld [tilespmem:s20+$0x20]  }
0x1c7: {  	v14 =	vbroadcast v6, $0x0;
	[tilespmem:s20+$0xFFFFFFC0] =	vst v7;
	v6 =	vmul.f32 v13, v15;
	v4 =	vld [tilespmem:s20+$0x30]  }
.Ltmp5:
0x1c8: {  	[tilespmem:s20+$0xFFFFFFD0] =	vst v8;
	v7 =	vmul.f32 v5, v15;
	v5 =	vld [tilespmem:s20+$0x40];
	(pc) =	sbr.rel @p0 .LBB2_12-.Ltmp5, $4  }
0x1c9: {  	[tilespmem:s20+$0xFFFFFFE0] =	vst v6;
	v6 =	vld [tilespmem:s20+$0x50]  }
0x1ca: {  	[tilespmem:s20+$0xFFFFFFF0] =	vst v7;
	v7 =	vld [tilespmem:s20+$0x60]  }
0x1cb: {  	v8 =	vld.idx.msk [tilespmem:v18+s30+$0x0], $0xffff;
	[tilespmem:s19+$0x10] =	vst v16  }
0x1cc: {  	s17 =	sadd.s32 $0x2, s17;
	v13 =	vld [tilespmem:s20+$0x70];
	[tilespmem:s19+$0x20] =	vst v17  }
0x1cd: {  	_ =	sdelay $0x3  }
0x1ce: {  	v14 =	vld.idx.msk [tilespmem:v14+s30+$0x0], $0xffff;
	s17 =	sadd.s32 $0x100, s20  }
0x1cf: {  	v15 =	vld [tilespmem:s17+$0xFFFFFF80]  }
0x1d0: {  	v16 =	vld [tilespmem:s17+$0xFFFFFF90]  }
0x1d1: {  	[tilespmem:s19+$0x30] =	vst v9;
	v9 =	vld [tilespmem:s17+$0xFFFFFFB0]  }
0x1d2: {  	[tilespmem:s19+$0x40] =	vst v10;
	v17 =	vld [tilespmem:s17+$0xFFFFFFA0]  }
0x1d3: {  	[tilespmem:s19+$0x50] =	vst v11;
	v10 =	vld [tilespmem:s17+$0xFFFFFFC0];
	v1 =	vmul.f32 v1, v8  }
0x1d4: {  	[tilespmem:s19+$0x60] =	vst v12;
	v11 =	vmul.f32 v15, v14;
	v15 =	vld [tilespmem:s17+$0xFFFFFFD0]  }
0x1d5: {  	v59 =	vld [tilespmem:s17+$0xFFFFFFE0];
	[tilespmem:s16+$0x0] =	vst v1;
	v12 =	vmul.f32 v16, v14  }
0x1d6: {  	v60 =	vld [tilespmem:s17+$0xFFFFFFF0];
	v9 =	vmul.f32 v9, v14;
	[tilespmem:s17+$0xFFFFFF80] =	vst v11  }
0x1d7: {  	v11 =	vmul.f32 v17, v14;
	[tilespmem:s17+$0xFFFFFF90] =	vst v12  }
0x1d8: {  	s8 =	sadd.s32 $0x1, s8;
	v10 =	vmul.f32 v10, v14;
	[tilespmem:s17+$0xFFFFFFB0] =	vst v9  }
0x1d9: {  	[tilespmem:s17+$0xFFFFFFA0] =	vst v11;
	v11 =	vmov s8;
	v9 =	vmul.f32 v15, v14  }
0x1da: {  	[tilespmem:s17+$0xFFFFFFC0] =	vst v10;
	v10 =	vmul.f32 v59, v14  }
0x1db: {  	[tilespmem:s17+$0xFFFFFFD0] =	vst v9;
	v9 =	vmul.f32 v60, v14  }
0x1dc: {  	v2 =	vmul.f32 v2, v8;
	[tilespmem:s17+$0xFFFFFFE0] =	vst v10  }
0x1dd: {  	v3 =	vmul.f32 v3, v8;
	v1 =	vld [tilespmem:s17+$0x70];
	[tilespmem:s17+$0xFFFFFFF0] =	vst v9  }
0x1de: {  	v4 =	vmul.f32 v4, v8;
	[tilespmem:s16+$0x10] =	vst v2;
	v9 =	vld.idx.msk [tilespmem:v11+s30+$0x0], $0xffff  }
0x1df: {  	v2 =	vmul.f32 v5, v8;
	[tilespmem:s16+$0x20] =	vst v3;
	v10 =	vld [tilespmem:s17+$0x0]  }
0x1e0: {  	v5 =	vld [tilespmem:s17+$0x10];
	v3 =	vmul.f32 v6, v8;
	[tilespmem:s16+$0x30] =	vst v4  }
0x1e1: {  	v4 =	vmul.f32 v7, v8;
	[tilespmem:s16+$0x40] =	vst v2;
	v2 =	vld [tilespmem:s17+$0x40]  }
0x1e2: {  	v6 =	vld [tilespmem:s17+$0x20];
	[tilespmem:s16+$0x50] =	vst v3;
	v12 =	vmul.f32 v13, v8  }
0x1e3: {  	v7 =	vld [tilespmem:s17+$0x30];
	[tilespmem:s16+$0x60] =	vst v4;
	v1 =	vmul.f32 v1, v9  }
0x1e4: {  	v3 =	vld [tilespmem:s17+$0x50];
	[tilespmem:s16+$0x70] =	vst v12;
	v4 =	vmul.f32 v10, v9  }
0x1e5: {  	v8 =	vld [tilespmem:s17+$0x60];
	v5 =	vmul.f32 v5, v9;
	[tilespmem:s17+$0x70] =	vst v1  }
0x1e6: {  	v2 =	vmul.f32 v2, v9;
	[tilespmem:s17+$0x0] =	vst v4  }
0x1e7: {  	v1 =	vmul.f32 v6, v9;
	[tilespmem:s17+$0x10] =	vst v5  }
0x1e8: {  	v4 =	vmul.f32 v7, v9;
	[tilespmem:s17+$0x40] =	vst v2  }
0x1e9: {  	[tilespmem:s17+$0x20] =	vst v1;
	v1 =	vmul.f32 v3, v9  }
0x1ea: {  	[tilespmem:s17+$0x30] =	vst v4;
	v3 =	vmul.f32 v8, v9  }
0x1eb: {  	[tilespmem:s17+$0x50] =	vst v1  }
0x1ec: {  	s20 =	simm.s32 $0x6;
	[tilespmem:s17+$0x60] =	vst v3  }
0x1ed: {  	[spmem:s5] =	stream.indirect.scatter.add.f32 [tilespmem:s24], [sflag:$0x4], $0x80, s29, s28, $0xb8;
	[tilespmem:$0x1FB80] =	vst v63  }
0x1ee: {  	_ =	swait.ge [sflag:s20], $0x3000  }
0x1ef: {  	[sflag:s20] =	ssyncset.done $0x0  }
0x1f0: {  	[sflag:s20] =	ssyncadd.s32 $0xFFFFD000  }
0x1f1: {  	s21 =	simm.s32 $0x0;
	_ =	swait.ge [sflag:s12], $0x3000  }
0x1f2: {  	v1 =	vmov s21;
	[sflag:s12] =	ssyncset.done $0x0  }
0x1f3: {  	v1 =	vand.u32 $0xFFFFFFFE, v1;
	[sflag:s12] =	ssyncadd.s32 $0xFFFFD000  }
0x1f4: {  	v1 =	vbroadcast v1, $0x0;
	_ =	swait.ge [sflag:s12], $0x60  }
0x1f5: {  	[sflag:s12] =	ssyncset.done $0x0  }
0x1f6: {  	[sflag:s12] =	ssyncadd.s32 $0xFFFFFFA0  }
0x1f7: {  	_ =	swait.ge [sflag:s12], $0x60  }
0x1f8: {  	[sflag:s12] =	ssyncset.done $0x0  }
0x1f9: {  	[sflag:s12] =	ssyncadd.s32 $0xFFFFFFA0  }
0x1fa: {  	s19 =	simm.s32 $0x5C00;
	v1 =	vld.idx.msk [tilespmem:v1+s0+$0x0], $0xffff  }
0x1fb: {  	v3 =	vld [tilespmem:s19+$0xFFFFFF90];
	_ =	sdelay $0x2  }
0x1fc: {  	v2 =	vld [tilespmem:s19+$0xFFFFFF80]  }
0x1fd: {  	v4 =	vld [tilespmem:s19+$0xFFFFFFA0]  }
0x1fe: {  	v5 =	vld [tilespmem:s19+$0xFFFFFFB0];
	v3 =	vmul.f32 v3, v1  }
0x1ff: {  	s22 =	simm.s32 $0x2;
	v6 =	vld [tilespmem:s19+$0xFFFFFFC0]  }
0x200: {  	v7 =	vld [tilespmem:s19+$0xFFFFFFD0];
	[tilespmem:s19+$0xFFFFFF90] =	vst v3;
	v3 =	vmov s22  }
0x201: {  	v8 =	vld [tilespmem:s19+$0xFFFFFFE0];
	v3 =	vand.u32 $0xFFFFFFFE, v3  }
0x202: {  	v9 =	vld [tilespmem:s19+$0x0];
	v3 =	vbroadcast v3, $0x0  }
0x203: {  	v10 =	vld [tilespmem:s19+$0x10]  }
0x204: {  	v11 =	vld [tilespmem:s19+$0x20]  }
0x205: {  	s20 =	simm.s32 $0x5D00;
	v12 =	vld [tilespmem:s19+$0x30];
	v2 =	vmul.f32 v2, v1  }
0x206: {  	v13 =	vld [tilespmem:s20+$0xFFFFFFB0];
	v4 =	vmul.f32 v4, v1  }
0x207: {  	[tilespmem:s19+$0xFFFFFF80] =	vst v2;
	v2 =	vld [tilespmem:s19+$0xFFFFFFF0]  }
0x208: {  	[tilespmem:s19+$0xFFFFFFA0] =	vst v4;
	v4 =	vmul.f32 v6, v1;
	v6 =	vld.idx.msk [tilespmem:v3+s0+$0x0], $0xffff  }
0x209: {  	v5 =	vmul.f32 v5, v1;
	v3 =	vld [tilespmem:s20+$0xFFFFFF80]  }
0x20a: {  	v7 =	vmul.f32 v7, v1;
	[tilespmem:s19+$0xFFFFFFC0] =	vst v4;
	v4 =	vld [tilespmem:s20+$0xFFFFFF90]  }
0x20b: {  	v8 =	vmul.f32 v8, v1;
	[tilespmem:s19+$0xFFFFFFB0] =	vst v5;
	v5 =	vld [tilespmem:s20+$0xFFFFFFA0]  }
0x20c: {  	[tilespmem:s19+$0xFFFFFFD0] =	vst v7;
	v7 =	vld [tilespmem:s20+$0xFFFFFFE0]  }
0x20d: {  	s23 =	simm.s32 $0x1;
	[tilespmem:s19+$0xFFFFFFE0] =	vst v8;
	v8 =	vld [tilespmem:s20+$0xFFFFFFF0];
	v1 =	vmul.f32 v2, v1  }
0x20e: {  	v61 =	vmov s23;
	v14 =	vld [tilespmem:s20+$0xFFFFFFC0];
	v3 =	vmul.f32 v3, v6  }
0x20f: {  	v15 =	vld [tilespmem:s20+$0xFFFFFFD0];
	[tilespmem:s19+$0xFFFFFFF0] =	vst v1;
	v4 =	vmul.f32 v4, v6  }
0x210: {  	v62 =	vld [tilespmem:s19+$0x40];
	v2 =	vmul.f32 v5, v6;
	[tilespmem:s20+$0xFFFFFF80] =	vst v3  }
0x211: {  	v18 =	vld [tilespmem:s19+$0x50];
	v7 =	vmul.f32 v7, v6;
	[tilespmem:s20+$0xFFFFFF90] =	vst v4  }
0x212: {  	s25 =	simm.s32 $0x3;
	v1 =	vld [tilespmem:s20+$0x0];
	v8 =	vmul.f32 v8, v6;
	[tilespmem:s20+$0xFFFFFFA0] =	vst v2  }
0x213: {  	v16 =	vld.idx.msk [tilespmem:v61+s0+$0x0], $0xffff;
	v3 =	vmul.f32 v13, v6;
	v4 =	vmul.f32 v14, v6;
	v14 =	vmov s25;
	[tilespmem:s20+$0xFFFFFFE0] =	vst v7  }
0x214: {  	v5 =	vld [tilespmem:s19+$0x70];
	[tilespmem:s20+$0xFFFFFFF0] =	vst v8  }
0x215: {  	s8 =	simm.s32 $0x4;
	v2 =	vld [tilespmem:s20+$0x10];
	v13 =	vmul.f32 v15, v6;
	[tilespmem:s20+$0xFFFFFFB0] =	vst v3  }
0x216: {  	v15 =	vld [tilespmem:s19+$0x60];
	v8 =	vmov s8;
	[tilespmem:s20+$0xFFFFFFC0] =	vst v4  }
0x217: {  	v6 =	vld [tilespmem:s20+$0x50];
	v63 =	vand.u32 $0xFFFFFFFE, v8;
	[tilespmem:s20+$0xFFFFFFD0] =	vst v13  }
0x218: {  	v7 =	vmul.f32 v9, v16;
	v8 =	vld.idx.msk [tilespmem:v14+s0+$0x0], $0xffff;
	v14 =	vbroadcast v63, $0x0  }
0x219: {  	v3 =	vld [tilespmem:s20+$0x20];
	v13 =	vmul.f32 v5, v16  }
0x21a: {  	v19 =	vmul.f32 v11, v16;
	v4 =	vld [tilespmem:s20+$0x30];
	[tilespmem:s19+$0x0] =	vst v7  }
0x21b: {  	v7 =	vld [tilespmem:s20+$0x60];
	[tilespmem:s19+$0x70] =	vst v13;
	v13 =	vmul.f32 v10, v16  }
0x21c: {  	v11 =	vmul.f32 v18, v16;
	v9 =	vmul.f32 v12, v16;
	[tilespmem:s19+$0x20] =	vst v19;
	v5 =	vld [tilespmem:s20+$0x40]  }
0x21d: {  	s16 =	simm.s32 $0x5D00;
	s17 =	simm.s32 $0x6;
	s22 =	simm.s32 $0x2A80;
	v10 =	vmul.f32 v62, v16;
	v12 =	vmul.f32 v15, v16;
	[tilespmem:s19+$0x10] =	vst v13;
	v13 =	vld [tilespmem:s20+$0x70]  }
.LBB2_14:
0x21e: {  	p0 =	slt.u32 s17, $0x5E;
	v15 =	vld.idx.msk [tilespmem:v14+s0+$0x0], $0xffff;
	s20 =	sadd.s32 $0x100, s20;
	[tilespmem:s19+$0x30] =	vst v9  }
0x21f: {  	v9 =	vld [tilespmem:s20+$0xFFFFFF80];
	[tilespmem:s19+$0x40] =	vst v10  }
0x220: {  	v10 =	vld [tilespmem:s20+$0xFFFFFF90];
	[tilespmem:s19+$0x50] =	vst v11  }
0x221: {  	v11 =	vld [tilespmem:s20+$0xFFFFFFA0];
	[tilespmem:s19+$0x60] =	vst v12;
	s19 =	smov.u32 s16;
	s16 =	smov.u32 s20  }
0x222: {  	v1 =	vmul.f32 v1, v8;
	v12 =	vld [tilespmem:s20+$0xFFFFFFB0];
	v13 =	vmul.f32 v13, v8  }
0x223: {  	v16 =	vmul.f32 v2, v8;
	v17 =	vmul.f32 v3, v8;
	v14 =	vld [tilespmem:s20+$0xFFFFFFC0]  }
0x224: {  	v2 =	vmul.f32 v9, v15;
	v3 =	vld [tilespmem:s20+$0xFFFFFFD0];
	v9 =	vmul.f32 v4, v8;
	[tilespmem:s19+$0x70] =	vst v13  }
0x225: {  	v4 =	vmul.f32 v10, v15;
	v13 =	vld [tilespmem:s20+$0xFFFFFFE0];
	[tilespmem:s19+$0x0] =	vst v1;
	v10 =	vmul.f32 v5, v8  }
0x226: {  	[tilespmem:s20+$0xFFFFFF80] =	vst v2;
	v2 =	vmul.f32 v11, v15;
	v5 =	vld [tilespmem:s20+$0xFFFFFFF0];
	v11 =	vmul.f32 v6, v8  }
0x227: {  	[tilespmem:s20+$0xFFFFFF90] =	vst v4;
	v4 =	vmul.f32 v12, v15;
	v1 =	vld [tilespmem:s20+$0x0];
	v12 =	vmul.f32 v7, v8  }
0x228: {  	s21 =	sadd.s32 $0x1, s8;
	s8 =	smov.u32 s17;
	v6 =	vmov s17;
	[tilespmem:s20+$0xFFFFFFA0] =	vst v2;
	v7 =	vmul.f32 v14, v15;
	v2 =	vld [tilespmem:s20+$0x10]  }
0x229: {  	v18 =	vmov s21;
	v6 =	vand.u32 $0xFFFFFFFE, v6;
	[tilespmem:s20+$0xFFFFFFB0] =	vst v4;
	v8 =	vmul.f32 v3, v15;
	v3 =	vld [tilespmem:s20+$0x20]  }
0x22a: {  	v14 =	vbroadcast v6, $0x0;
	[tilespmem:s20+$0xFFFFFFC0] =	vst v7;
	v6 =	vmul.f32 v13, v15;
	v4 =	vld [tilespmem:s20+$0x30]  }
.Ltmp6:
0x22b: {  	[tilespmem:s20+$0xFFFFFFD0] =	vst v8;
	v7 =	vmul.f32 v5, v15;
	v5 =	vld [tilespmem:s20+$0x40];
	(pc) =	sbr.rel @p0 .LBB2_14-.Ltmp6, $4  }
0x22c: {  	[tilespmem:s20+$0xFFFFFFE0] =	vst v6;
	v6 =	vld [tilespmem:s20+$0x50]  }
0x22d: {  	[tilespmem:s20+$0xFFFFFFF0] =	vst v7;
	v7 =	vld [tilespmem:s20+$0x60]  }
0x22e: {  	v8 =	vld.idx.msk [tilespmem:v18+s0+$0x0], $0xffff;
	[tilespmem:s19+$0x10] =	vst v16  }
0x22f: {  	s17 =	sadd.s32 $0x2, s17;
	v13 =	vld [tilespmem:s20+$0x70];
	[tilespmem:s19+$0x20] =	vst v17  }
0x230: {  	_ =	sdelay $0x3  }
0x231: {  	v14 =	vld.idx.msk [tilespmem:v14+s0+$0x0], $0xffff;
	s17 =	sadd.s32 $0x100, s20  }
0x232: {  	v15 =	vld [tilespmem:s17+$0xFFFFFF80]  }
0x233: {  	v16 =	vld [tilespmem:s17+$0xFFFFFF90]  }
0x234: {  	[tilespmem:s19+$0x30] =	vst v9;
	v9 =	vld [tilespmem:s17+$0xFFFFFFB0]  }
0x235: {  	[tilespmem:s19+$0x40] =	vst v10;
	v17 =	vld [tilespmem:s17+$0xFFFFFFA0]  }
0x236: {  	[tilespmem:s19+$0x50] =	vst v11;
	v10 =	vld [tilespmem:s17+$0xFFFFFFC0];
	v1 =	vmul.f32 v1, v8  }
0x237: {  	[tilespmem:s19+$0x60] =	vst v12;
	v59 =	vld [tilespmem:s17+$0xFFFFFFD0];
	v11 =	vmul.f32 v15, v14  }
0x238: {  	v61 =	vld [tilespmem:s17+$0xFFFFFFE0];
	[tilespmem:s16+$0x0] =	vst v1;
	v60 =	vmul.f32 v16, v14  }
0x239: {  	v62 =	vld [tilespmem:s17+$0xFFFFFFF0];
	v9 =	vmul.f32 v9, v14;
	[tilespmem:s17+$0xFFFFFF80] =	vst v11  }
0x23a: {  	v11 =	vmul.f32 v17, v14;
	[tilespmem:s17+$0xFFFFFF90] =	vst v60  }
0x23b: {  	s8 =	sadd.s32 $0x1, s8;
	v10 =	vmul.f32 v10, v14;
	[tilespmem:s17+$0xFFFFFFB0] =	vst v9  }
0x23c: {  	v9 =	vmul.f32 v59, v14;
	[tilespmem:s17+$0xFFFFFFA0] =	vst v11;
	v11 =	vmov s8  }
0x23d: {  	[tilespmem:s17+$0xFFFFFFC0] =	vst v10;
	v10 =	vmul.f32 v61, v14  }
0x23e: {  	[tilespmem:s17+$0xFFFFFFD0] =	vst v9;
	v9 =	vmul.f32 v62, v14  }
0x23f: {  	v2 =	vmul.f32 v2, v8;
	[tilespmem:s17+$0xFFFFFFE0] =	vst v10  }
0x240: {  	v3 =	vmul.f32 v3, v8;
	v1 =	vld [tilespmem:s17+$0x70];
	[tilespmem:s17+$0xFFFFFFF0] =	vst v9  }
0x241: {  	v4 =	vmul.f32 v4, v8;
	[tilespmem:s16+$0x10] =	vst v2;
	v9 =	vld.idx.msk [tilespmem:v11+s0+$0x0], $0xffff  }
0x242: {  	v2 =	vmul.f32 v5, v8;
	[tilespmem:s16+$0x20] =	vst v3;
	v10 =	vld [tilespmem:s17+$0x0]  }
0x243: {  	v63 =	vmul.f32 v13, v8;
	v5 =	vld [tilespmem:s17+$0x10];
	[tilespmem:s16+$0x30] =	vst v4  }
0x244: {  	v3 =	vmul.f32 v6, v8;
	[tilespmem:s16+$0x40] =	vst v2;
	v2 =	vld [tilespmem:s17+$0x40]  }
0x245: {  	v6 =	vld [tilespmem:s17+$0x20];
	v4 =	vmul.f32 v7, v8;
	[tilespmem:s16+$0x70] =	vst v63  }
0x246: {  	v7 =	vld [tilespmem:s17+$0x30];
	[tilespmem:s16+$0x50] =	vst v3;
	v1 =	vmul.f32 v1, v9  }
0x247: {  	v3 =	vld [tilespmem:s17+$0x50];
	[tilespmem:s16+$0x60] =	vst v4;
	v4 =	vmul.f32 v10, v9  }
0x248: {  	v8 =	vld [tilespmem:s17+$0x60];
	v5 =	vmul.f32 v5, v9;
	[tilespmem:s17+$0x70] =	vst v1  }
0x249: {  	v2 =	vmul.f32 v2, v9;
	[tilespmem:s17+$0x0] =	vst v4  }
0x24a: {  	v1 =	vmul.f32 v6, v9;
	[tilespmem:s17+$0x10] =	vst v5  }
0x24b: {  	v4 =	vmul.f32 v7, v9;
	[tilespmem:s17+$0x40] =	vst v2  }
0x24c: {  	[tilespmem:s17+$0x20] =	vst v1;
	v1 =	vmul.f32 v3, v9  }
0x24d: {  	[tilespmem:s17+$0x30] =	vst v4;
	v3 =	vmul.f32 v8, v9  }
0x24e: {  	[tilespmem:s17+$0x50] =	vst v1  }
0x24f: {  	[tilespmem:s17+$0x60] =	vst v3  }
0x250: {  	[spmem:s5] =	stream.indirect.scatter.add.f32 [tilespmem:s31], [sflag:$0x5], $0x80, s3, s28, $0xb8;
	[tilespmem:$0x1FB80] =	vst v63  }
0x251: {  	_ =	swait.ge [sflag:s13], $0x3000  }
0x252: {  	[sflag:s13] =	ssyncset.done $0x0  }
0x253: {  	[sflag:s13] =	ssyncadd.s32 $0xFFFFD000  }
0x254: {  	_ =	swait.ge [sflag:s15], $0x3000  }
0x255: {  	[sflag:s15] =	ssyncset.done $0x0  }
0x256: {  	s19 =	simm.s32 $0x10;
	s16 =	simm.s32 $0x2700;
	[sflag:s15] =	ssyncadd.s32 $0xFFFFD000  }
0x257: {  	[tilespmem:s9], [sflag:$0x3] =	stream.indirect.gather [hbm4b:s1+s19], $0x80, s16, s19, $0xb8;
	[tilespmem:$0x1FB80] =	vst v63  }
0x258: {  	s17 =	simm.s32 $0x0;
	s20 =	rddreg [dreg:$0x12]  }
0x259: {  	[tilespmem:s22], [sflag:$0x3] =	stream.linear.gather [hbm4b:s20+s17], $0x10, $0x38;
	[tilespmem:$0x1FB80] =	vst v63  }
0x25a: {  	s21 =	rddreg [dreg:$0x13]  }
0x25b: {  	[tilespmem:s18], [sflag:$0x3] =	stream.linear.gather [hbm4b:s21+s17], $0x10, $0x38;
	[tilespmem:$0x1FB80] =	vst v63  }
0x25c: {  	_ =	swait.ge [sflag:s14], $0x800  }
0x25d: {  	[sflag:s14] =	ssyncset.done $0x0  }
0x25e: {  	[sflag:s14] =	ssyncadd.s32 $0xFFFFF800  }
0x25f: {  	_ =	swait.ge [sflag:s14], $0x10  }
0x260: {  	v1 =	vmov s17;
	[sflag:s14] =	ssyncset.done $0x0  }
0x261: {  	[sflag:s14] =	ssyncadd.s32 $0xFFFFFFF0  }
0x262: {  	_ =	swait.ge [sflag:s14], $0x10  }
0x263: {  	[sflag:s14] =	ssyncset.done $0x0  }
0x264: {  	[sflag:s14] =	ssyncadd.s32 $0xFFFFFFF0  }
0x265: {  	s16 =	simm.s32 $0x8BC0;
	v8 =	vld.idx.msk [tilespmem:v1+s18+$0x0], $0xffff  }
0x266: {  	v1 =	vld [tilespmem:s16+$0x30]  }
0x267: {  	v2 =	vld [tilespmem:s16+$0xFFFFFFC0]  }
0x268: {  	v3 =	vld [tilespmem:s16+$0xFFFFFFD0]  }
0x269: {  	s23 =	simm.s32 $0x1;
	v4 =	vld [tilespmem:s16+$0xFFFFFFE0]  }
0x26a: {  	v5 =	vmov s23;
	v6 =	vld [tilespmem:s16+$0xFFFFFFF0]  }
0x26b: {  	v7 =	vld [tilespmem:s16+$0x0];
	v1 =	vmul.f32 v1, v8  }
0x26c: {  	v9 =	vld [tilespmem:s16+$0x10];
	v2 =	vmul.f32 v2, v8  }
0x26d: {  	s8 =	simm.s32 $0x8C40;
	v10 =	vld [tilespmem:s16+$0x20];
	v11 =	vmul.f32 v3, v8;
	[tilespmem:s16+$0x30] =	vst v1  }
0x26e: {  	v4 =	vmul.f32 v4, v8;
	v3 =	vld [tilespmem:s8+$0x30];
	[tilespmem:s16+$0xFFFFFFC0] =	vst v2  }
0x26f: {  	v1 =	vld.idx.msk [tilespmem:v5+s18+$0x0], $0xffff;
	[tilespmem:s16+$0xFFFFFFD0] =	vst v11;
	v5 =	vmul.f32 v6, v8  }
0x270: {  	v2 =	vld [tilespmem:s8+$0xFFFFFFC0];
	[tilespmem:s16+$0xFFFFFFE0] =	vst v4;
	v11 =	vmul.f32 v7, v8  }
0x271: {  	s25 =	simm.s32 $0x2;
	v4 =	vld [tilespmem:s8+$0xFFFFFFD0];
	v7 =	vmul.f32 v9, v8;
	[tilespmem:s16+$0xFFFFFFF0] =	vst v5  }
0x272: {  	s17 =	simm.s32 $0x3;
	v6 =	vmov s25;
	v8 =	vmul.f32 v10, v8;
	v5 =	vld [tilespmem:s8+$0xFFFFFFE0];
	[tilespmem:s16+$0x0] =	vst v11  }
.LBB2_16:
0x273: {  	p0 =	sne.s32 s17, $0xF;
	v9 =	vld [tilespmem:s8+$0xFFFFFFF0];
	[tilespmem:s16+$0x10] =	vst v7  }
0x274: {  	v7 =	vld [tilespmem:s8+$0x0];
	v3 =	vmul.f32 v3, v1;
	[tilespmem:s16+$0x20] =	vst v8;
	v8 =	vmov v1;
	s16 =	smov.u32 s8  }
0x275: {  	v2 =	vmul.f32 v2, v8;
	v10 =	vld [tilespmem:s8+$0x10]  }
0x276: {  	v4 =	vmul.f32 v4, v8;
	v11 =	vld [tilespmem:s8+$0x20];
	[tilespmem:s8+$0x30] =	vst v3  }
.Ltmp7:
0x277: {  	s8 =	sadd.s32 $0x80, s8;
	v1 =	vld.idx.msk [tilespmem:v6+s18+$0x0], $0xffff;
	[tilespmem:s16+$0xFFFFFFC0] =	vst v2;
	v5 =	vmul.f32 v5, v8;
	(pc) =	sbr.rel @p0 .LBB2_16-.Ltmp7, $4  }
0x278: {  	v3 =	vld [tilespmem:s8+$0x30];
	[tilespmem:s16+$0xFFFFFFD0] =	vst v4;
	v6 =	vmul.f32 v9, v8  }
0x279: {  	v2 =	vld [tilespmem:s8+$0xFFFFFFC0];
	[tilespmem:s16+$0xFFFFFFE0] =	vst v5;
	v9 =	vmul.f32 v7, v8  }
0x27a: {  	v4 =	vld [tilespmem:s8+$0xFFFFFFD0];
	[tilespmem:s16+$0xFFFFFFF0] =	vst v6;
	v7 =	vmul.f32 v10, v8  }
0x27b: {  	v6 =	vmov s17;
	s17 =	sadd.s32 $0x1, s17;
	v5 =	vld [tilespmem:s8+$0xFFFFFFE0];
	[tilespmem:s16+$0x0] =	vst v9;
	v8 =	vmul.f32 v11, v8  }
0x27c: {  	v9 =	vld [tilespmem:s8+$0xFFFFFFF0]  }
0x27d: {  	v10 =	vld [tilespmem:s8+$0x0]  }
0x27e: {  	[tilespmem:s16+$0x10] =	vst v7;
	v52 =	vld [tilespmem:s8+$0x10];
	v3 =	vmul.f32 v3, v1  }
0x27f: {  	v53 =	vld [tilespmem:s8+$0x20];
	s17 =	sadd.s32 $0x80, s8;
	[tilespmem:s16+$0x20] =	vst v8;
	v2 =	vmul.f32 v2, v1  }
0x280: {  	v56 =	vld [tilespmem:s17+$0xFFFFFFC0];
	v4 =	vmul.f32 v4, v1;
	[tilespmem:s8+$0x30] =	vst v3  }
0x281: {  	v3 =	vld.idx.msk [tilespmem:v6+s18+$0x0], $0xffff;
	[tilespmem:s8+$0xFFFFFFC0] =	vst v2;
	v2 =	vmul.f32 v5, v1  }
0x282: {  	v54 =	vld [tilespmem:s17+$0x30];
	[tilespmem:s8+$0xFFFFFFD0] =	vst v4;
	v55 =	vmul.f32 v9, v1  }
0x283: {  	v59 =	vld [tilespmem:s17+$0xFFFFFFE0];
	[tilespmem:s8+$0xFFFFFFE0] =	vst v2;
	v2 =	vmul.f32 v10, v1  }
0x284: {  	v57 =	vld [tilespmem:s17+$0xFFFFFFD0];
	v58 =	vmul.f32 v52, v1;
	v1 =	vmul.f32 v53, v1;
	[tilespmem:s8+$0xFFFFFFF0] =	vst v55  }
0x285: {  	v60 =	vld [tilespmem:s17+$0x0];
	[tilespmem:s8+$0x0] =	vst v2  }
0x286: {  	v2 =	vld [tilespmem:s17+$0xFFFFFFF0];
	[tilespmem:s8+$0x20] =	vst v1;
	v1 =	vmul.f32 v56, v3  }
0x287: {  	v63 =	vld [tilespmem:s17+$0x20];
	[tilespmem:s8+$0x10] =	vst v58;
	v5 =	vmul.f32 v54, v3  }
0x288: {  	v61 =	vld [tilespmem:s17+$0x10];
	[tilespmem:s17+$0xFFFFFFC0] =	vst v1;
	v1 =	vmul.f32 v59, v3  }
0x289: {  	v62 =	vmul.f32 v57, v3;
	[tilespmem:s17+$0x30] =	vst v5  }
0x28a: {  	[tilespmem:s17+$0xFFFFFFE0] =	vst v1;
	v1 =	vmul.f32 v60, v3  }
0x28b: {  	[tilespmem:s17+$0xFFFFFFD0] =	vst v62;
	v2 =	vmul.f32 v2, v3  }
0x28c: {  	[tilespmem:s17+$0x0] =	vst v1;
	v1 =	vmul.f32 v63, v3  }
0x28d: {  	[tilespmem:s17+$0xFFFFFFF0] =	vst v2;
	v2 =	vmul.f32 v61, v3  }
0x28e: {  	[tilespmem:s17+$0x20] =	vst v1  }
0x28f: {  	s21 =	simm.s32 $0x7;
	[tilespmem:s17+$0x10] =	vst v2  }
0x290: {  	[spmem:s5] =	stream.indirect.scatter.add.f32 [tilespmem:s9], [sflag:$0x7], $0x80, s22, s19, $0xb8;
	[tilespmem:$0x1FB80] =	vst v63  }
0x291: {  	_ =	swait.ge [sflag:s21], $0x800  }
0x292: {  	[sflag:s21] =	ssyncset.done $0x0  }
0x293: {  	[sflag:s21] =	ssyncadd.s32 $0xFFFFF800  }
0x294: {  	s20 =	stileid.u32;
	[bflag:$0x0] =	sbarrier.arrive $0xFFFF  }
0x295: {  	s8 =	sshll.u32 s20, $0x6;
	s20 =	rddreg [dreg:$0x6]  }
0x296: {  	s8 =	sor.u32 $0x1C07, s8;
	s17 =	rddreg [dreg:$0x14];
	s22 =	sshrl.u32 s20, $0x3  }
0x297: {  	[hbm:s17], [sflag:s8] =	dma.local [spmem:s22], $0x2800  }
0x298: {  	_ =	swait.ge [sflag:s21], $0x2800  }
0x299: {  	s23 =	rddreg [dreg:$0x16]  }
0x29a: {  	s25 =	rddreg [dreg:$0x15];
	s16 =	sadd.s32 $0x1, s23  }
0x29b: {  	p0 =	sne.s32 s16, s25  }
.Ltmp8:
0x29c: {  	_ = 	snop;
	(pc) =	sbr.rel @p0 .LBB2_1-.Ltmp8, $3  }
0x29d: {  	_ =	sdelay $0x1  }
0x29e: {  	[sflag:s21] =	ssyncset.done $0x0  }
0x29f: {  	[sflag:s21] =	ssyncadd.s32 $0xFFFFD800  }
0x2a0: {  	_ =	sfence.sel $0x180000  }
0x2a1: {  	[bflag:$0x0] =	sbarrier.arrive $0xFFFF  }
0x2a2: {  	_ =	strace $0x90000047  }
0x2a3: {  	s0 =	stileid.u32;
	[bflag:$0x2] =	sbarrier.arrive $0xFFFF  }
0x2a4: {  	p0 =	sne.s32 s0, $0x0;
	s0 =	rddreg [dreg:$0x5]  }
0x2a5: {  	s0 =	sadd.s32 @!p0 $0x100000, s0  }
0x2a6: {  	[sflag:s0] =	ssyncadd.tile.s32 @!p0 $0x1;
	_ =	shalt  }
.Lfunc_end2:
_tile_overlayer_lowered:
.L_overlay_start_2:
0x2a7: {  	(tag) =	ssettag $0x2  }
0x2a8: {  	s0 =	rddreg [dreg:$0x0];
	s2 =	stileid.u32  }
0x2a9: {  	s1 =	rddreg [dreg:$0x1];
	p0 =	sne.s32 s2, $0x0  }
0x2aa: {  	s3 =	rddreg [dreg:$0x2];
	[bflag:$0x3] =	sbarrier.arrive $0xFFFF;
	s2 =	simm.s32 @!p0 $0x1C07  }
0x2ab: {  	[timem:s3], [sflag:s2] =	dma.local @!p0 [hbm:s0], s1  }
0x2ac: {  	s0 =	simm.s32 @!p0 $0x7  }
0x2ad: {  	_ =	swait.ge @!p0 [sflag:s0], s1  }
0x2ae: {  	s1 =	ssub.s32 @!p0 $0x0, s1;
	[sflag:s0] =	ssyncset.done @!p0 $0x0  }
0x2af: {  	[sflag:s0] =	ssyncadd.s32 @!p0 s1  }
0x2b0: {  	[bflag:$0x3] =	sbarrier.arrive $0xFFFF  }
0x2b1: {  	_ =	shalt  }

</sc_bundles>
